<compile_context>
chip_gen: v7x
topology: tpu7x:2x2x1
jax: 0.10.2.dev20260603
libtpu: 0.0.44.dev20260713+nightly
codegen_flags: <defaults>
</compile_context>

<pallas_src>
import functools
import math

import jax
import jax.numpy as jnp
from jax import lax
from jax.experimental import pallas as pl
from jax.experimental.pallas import tpu as pltpu
from jax.experimental.pallas import tpu_sc as plsc

_N_BOXES = 20000
_NUM_CLASSES = 80
_NUM_PREDS = 100
_IOU_THR = 0.5
_SCORE_THR = 0.3
_MAX_EDGE = 1024
_SCALE_CLAMP = math.log(1000.0 / 16)

_ROWS = 160
_LANES = 128
_NPAD = _ROWS * _LANES

_SC_TILES = 16
_SC_CHUNK = _NPAD // _SC_TILES
_SC_STEPS = _SC_CHUNK // 16


def _dense_body(l_ref, ax1_ref, ay1_ref, ax2_ref, ay2_ref,
                dx_ref, dy_ref, dw_ref, dh_ref, sc8_ref):
    f32 = jnp.float32

    ax1, ay1, ax2, ay2 = ax1_ref[...], ay1_ref[...], ax2_ref[...], ay2_ref[...]
    dxv, dyv, dwv, dhv = dx_ref[...], dy_ref[...], dw_ref[...], dh_ref[...]
    widths = ax2 - ax1
    heights = ay2 - ay1
    ctr_x = (ax1 + ax2) * 0.5
    ctr_y = (ay1 + ay2) * 0.5
    dw = jnp.minimum(dwv, _SCALE_CLAMP)
    dh = jnp.minimum(dhv, _SCALE_CLAMP)
    pred_ctr_x = dxv * widths + ctr_x
    pred_ctr_y = dyv * heights + ctr_y
    pred_w = jnp.exp(dw) * widths
    pred_h = jnp.exp(dh) * heights
    hi = f32(_MAX_EDGE - 1.0)
    x1 = jnp.clip(pred_ctr_x - 0.5 * pred_w, 0.0, hi)
    y1 = jnp.clip(pred_ctr_y - 0.5 * pred_h, 0.0, hi)
    x2 = jnp.clip(pred_ctr_x + 0.5 * pred_w, 0.0, hi)
    y2 = jnp.clip(pred_ctr_y + 0.5 * pred_h, 0.0, hi)

    l = jnp.concatenate(
        [l_ref[...],
         jnp.full((_NPAD - _N_BOXES, _NUM_CLASSES), -100.0, jnp.float32)],
        axis=0).reshape(_ROWS, _LANES, _NUM_CLASSES)
    p = jax.nn.sigmoid(l)
    m = jnp.max(p, axis=2)
    cat = jnp.argmax(p, axis=2)
    catf = cat.astype(f32)
    s0 = jnp.where(m >= _SCORE_THR, m, -1.0)

    off = catf * f32(_MAX_EDGE)
    x1c = x1 + off
    y1c = y1 + off
    x2c = x2 + off
    y2c = y2 + off
    area = (x2c - x1c) * (y2c - y1c)

    sc8_ref[0] = s0
    sc8_ref[1] = x1c
    sc8_ref[2] = y1c
    sc8_ref[3] = x2c
    sc8_ref[4] = y2c
    sc8_ref[5] = area
    sc8_ref[6] = catf
    sc8_ref[7] = jnp.zeros((_ROWS, _LANES), f32)


def _allmax_f(v):
    iota = lax.iota(jnp.int32, 16)
    for k in (1, 2, 4, 8):
        v = jnp.maximum(v, jnp.take_along_axis(v, iota ^ k, axis=0))
    return v


def _allmin_f(v):
    iota = lax.iota(jnp.int32, 16)
    for k in (1, 2, 4, 8):
        v = jnp.minimum(v, jnp.take_along_axis(v, iota ^ k, axis=0))
    return v


def _allmin_i(v):
    iota = lax.iota(jnp.int32, 16)
    for k in (1, 2, 4, 8):
        v = jnp.minimum(v, jnp.take_along_axis(v, iota ^ k, axis=0))
    return v


def _nms_body(sc8_hbm, pred_hbm, loc, slot, rec, buf128, outbuf, shared):
    f32 = jnp.float32
    i32 = jnp.int32
    t = lax.axis_index("s")
    core = lax.axis_index("c")
    base = t * _SC_CHUNK
    iota16 = lax.iota(i32, 16)

    def bcl(v, k):
        return jnp.take_along_axis(v, iota16 * 0 + k, axis=0)

    for q in range(8):
        pltpu.sync_copy(sc8_hbm.at[q, t], loc.at[pl.ds(q * _SC_CHUNK, _SC_CHUNK)])

    def scan_pass(wx1, wy1, wx2, wy2, wa, jgv):
        def step(kk, carry):
            bv, bi = carry
            for u in range(8):
                o = kk * 128 + u * 16
                sv = loc[pl.ds(o, 16)]
                xx1 = jnp.maximum(wx1, loc[pl.ds(1 * _SC_CHUNK + o, 16)])
                yy1 = jnp.maximum(wy1, loc[pl.ds(2 * _SC_CHUNK + o, 16)])
                xx2 = jnp.minimum(wx2, loc[pl.ds(3 * _SC_CHUNK + o, 16)])
                yy2 = jnp.minimum(wy2, loc[pl.ds(4 * _SC_CHUNK + o, 16)])
                inter = jnp.maximum(xx2 - xx1, 0.0) * jnp.maximum(yy2 - yy1, 0.0)
                iou = inter / (wa + loc[pl.ds(5 * _SC_CHUNK + o, 16)] - inter + 1e-9)
                gidx = iota16 + (base + o)
                supp = (iou > _IOU_THR) | (gidx == jgv)
                snew = jnp.where(supp, -1.0, sv)
                loc[pl.ds(o, 16)] = snew
                cond = snew > bv
                bv = jnp.where(cond, snew, bv)
                bi = jnp.where(cond, gidx, bi)
            return bv, bi
        init = (jnp.full((16,), -2.0, f32), jnp.zeros((16,), i32))
        return lax.fori_loop(0, _SC_STEPS // 8, step, init)

    big = f32(3.0e38)
    bv0, bi0 = scan_pass(jnp.full((16,), big, f32), jnp.full((16,), big, f32),
                         jnp.full((16,), -big, f32), jnp.full((16,), -big, f32),
                         jnp.full((16,), 1.0, f32),
                         jnp.full((16,), -1, i32))

    def nms_iter(i, carry):
        bv, bi = carry
        mv = _allmax_f(bv)
        fidv = _allmin_i(jnp.where(bv == mv, bi, i32(2**30)))
        fid = fidv[0]
        jl = fid - base
        jb = (jl // 16) * 16
        ofsv = iota16 * 0 + (jl - jb)

        recv = jnp.full((16,), -1.0, f32)
        for q in range(7):
            wq = loc[pl.ds(q * _SC_CHUNK + jb, 16)]
            vq = jnp.take_along_axis(wq, ofsv, axis=0)
            recv = jnp.where(iota16 == q, vq, recv)
        recv = jnp.where(iota16 == 7, fidv.astype(f32), recv)

        off = (i % 2) * 256
        rec[...] = recv
        pltpu.sync_copy(rec, shared.at[pl.ds(off + 16 * t, 16)])
        plsc.subcore_barrier()

        pltpu.sync_copy(shared.at[pl.ds(off, 256)], buf128)
        s16 = jnp.full((16,), -3.0, f32)
        f16 = jnp.full((16,), 0.0, f32)
        for k in range(16):
            vk = buf128[pl.ds(16 * k, 16)]
            s16 = jnp.where(iota16 == k, bcl(vk, 0), s16)
            f16 = jnp.where(iota16 == k, bcl(vk, 7), f16)

        mgv = _allmax_f(s16)
        jgfv = _allmin_f(jnp.where(s16 == mgv, f16, f32(3.0e9)))
        jgv = jgfv.astype(i32)
        wtv = _allmin_i(jnp.where(f16 == jgfv, iota16, i32(99)))
        wt = wtv[0]
        w = buf128[pl.ds(wt * 16, 16)]

        wx1 = bcl(w, 1)
        wy1 = bcl(w, 2)
        wx2 = bcl(w, 3)
        wy2 = bcl(w, 4)
        wa = bcl(w, 5)

        wm = bcl(w, 0)
        wc = bcl(w, 6)
        ws = jnp.take_along_axis(w, jnp.maximum(iota16 - 1, 0), axis=0)
        offv = wc * f32(_MAX_EDGE)
        out = jnp.where(iota16 == 0, wc,
              jnp.where(iota16 == 1, wm,
              jnp.where(iota16 <= 5, ws - offv, -1.0)))
        valid = jnp.minimum(jnp.maximum(wm * f32(1e30), 0.0), 1.0)
        out = out * valid - (1.0 - valid)
        outbuf[pl.ds(i * 16, 16)] = out

        return scan_pass(wx1, wy1, wx2, wy2, wa, jgv)

    lax.fori_loop(0, _NUM_PREDS, nms_iter, (bv0, bi0))

    @pl.when((t == 0) & (core == 0))
    def _():
        pltpu.sync_copy(outbuf, pred_hbm)


@jax.jit
def kernel(anchors, deltas, logits):
    f32 = jnp.float32
    pad = _NPAD - _N_BOXES

    def col(a, k):
        return jnp.pad(a[:, k], (0, pad)).reshape(_ROWS, _LANES)

    ax1, ay1, ax2, ay2 = (col(anchors, k) for k in range(4))
    dx, dy, dw, dh = (col(deltas, k) for k in range(4))

    sc8 = pl.pallas_call(
        _dense_body,
        out_shape=jax.ShapeDtypeStruct((8, _ROWS, _LANES), f32),
        in_specs=[pl.BlockSpec(memory_space=pltpu.VMEM)] * 9,
        out_specs=pl.BlockSpec(memory_space=pltpu.VMEM),
    )(logits, ax1, ay1, ax2, ay2, dx, dy, dw, dh)

    sc8r = sc8.reshape(8, _SC_TILES, _SC_CHUNK)

    mesh = plsc.VectorSubcoreMesh(
        core_axis_name="c", subcore_axis_name="s", num_cores=1)
    nms = pl.kernel(
        _nms_body,
        out_type=jax.ShapeDtypeStruct((_NUM_PREDS * 16,), f32),
        mesh=mesh,
        scratch_types=[
            pltpu.VMEM((8 * _SC_CHUNK,), f32),
            pltpu.VMEM((16,), f32),
            pltpu.VMEM((16,), f32),
            pltpu.VMEM((256,), f32),
            pltpu.VMEM((_NUM_PREDS * 16,), f32),
            pltpu.VMEM_SHARED((512,), f32),
        ],
    )
    pred = nms(sc8r)

    return pred.reshape(_NUM_PREDS, 16)[:, :6]

# --- scband reference (transcript-rebuilt; emitter-appended) ---
"""Pipeline reference for scband-retina-net-46420006535871 (READ-ONLY COPY).

The authoritative reference and input builder live on the scoring server;
editing this copy changes nothing except your own understanding.
"""

import jax, jax.numpy as jnp
import numpy as np
import math

N_BOXES = 20000
NUM_CLASSES = 80
NUM_PREDS = 100
IOU_THR = 0.5
SCORE_THR = 0.3
INPUT_H = 1024
INPUT_W = 1024
MAX_EDGE = 1024
SCALE_CLAMP = math.log(1000.0 / 16)


def setup_inputs(seed: int = 0):
    key = jax.random.key(seed)
    k1, k2, k3, k4 = jax.random.split(key, 4)
    ctr = jax.random.uniform(k1, (N_BOXES, 2), minval=32.0, maxval=992.0, dtype=jnp.float32)
    wh = jax.random.uniform(k2, (N_BOXES, 2), minval=16.0, maxval=256.0, dtype=jnp.float32)
    anchors = jnp.concatenate([ctr - wh * 0.5, ctr + wh * 0.5], axis=1)
    deltas = jax.random.normal(k3, (N_BOXES, 4), dtype=jnp.float32) * 0.1
    logits = jax.random.normal(k4, (N_BOXES, NUM_CLASSES), dtype=jnp.float32) * 2.0
    return {"anchors": anchors, "deltas": deltas, "logits": logits}


def _box_decode(anchors, deltas):
    widths = anchors[:, 2] - anchors[:, 0]
    heights = anchors[:, 3] - anchors[:, 1]
    ctr_x = (anchors[:, 0] + anchors[:, 2]) * 0.5
    ctr_y = (anchors[:, 1] + anchors[:, 3]) * 0.5
    dx = deltas[:, 0]
    dy = deltas[:, 1]
    dw = jnp.minimum(deltas[:, 2], SCALE_CLAMP)
    dh = jnp.minimum(deltas[:, 3], SCALE_CLAMP)
    pred_ctr_x = dx * widths + ctr_x
    pred_ctr_y = dy * heights + ctr_y
    pred_w = jnp.exp(dw) * widths
    pred_h = jnp.exp(dh) * heights
    x1 = pred_ctr_x - 0.5 * pred_w
    y1 = pred_ctr_y - 0.5 * pred_h
    x2 = pred_ctr_x + 0.5 * pred_w
    y2 = pred_ctr_y + 0.5 * pred_h
    return jnp.stack((x1, y1, x2, y2), axis=-1)


def _nms(boxes, scores, iou_thr, max_out):
    n = boxes.shape[0]
    areas = (boxes[:, 2] - boxes[:, 0]) * (boxes[:, 3] - boxes[:, 1])
    idxs = jnp.arange(n)

    def body(i, state):
        s, keep = state
        j = jnp.argmax(s).astype(jnp.int32)
        valid = s[j] > 0.0
        keep = keep.at[i].set(jnp.where(valid, j, jnp.int32(-1)))
        b = boxes[j]
        xx1 = jnp.maximum(b[0], boxes[:, 0])
        yy1 = jnp.maximum(b[1], boxes[:, 1])
        xx2 = jnp.minimum(b[2], boxes[:, 2])
        yy2 = jnp.minimum(b[3], boxes[:, 3])
        inter = jnp.maximum(xx2 - xx1, 0.0) * jnp.maximum(yy2 - yy1, 0.0)
        iou = inter / (areas[j] + areas - inter + 1e-9)
        suppress = (iou > iou_thr) | (idxs == j)
        s = jnp.where(suppress, -1.0, s)
        return (s, keep)

    keep0 = jnp.full((max_out,), -1, dtype=jnp.int32)
    _, keep = jax.lax.fori_loop(0, max_out, body, (scores, keep0))
    return keep


def reference(anchors, deltas, logits):
    probs = jax.nn.sigmoid(logits)
    scores = jnp.max(probs, axis=1)
    cats = jnp.argmax(probs, axis=1)
    scores = jnp.where(scores >= SCORE_THR, scores, -1.0)
    boxes = _box_decode(anchors, deltas)
    lo = jnp.array([0.0, 0.0, 0.0, 0.0], dtype=jnp.float32)
    hi = jnp.array([INPUT_W - 1.0, INPUT_H - 1.0, INPUT_W - 1.0, INPUT_H - 1.0], dtype=jnp.float32)
    boxes = jnp.clip(boxes, lo, hi)
    offsets = (cats * MAX_EDGE).astype(jnp.float32)
    cls_boxes = boxes + offsets[:, None]
    keep = _nms(jax.lax.stop_gradient(cls_boxes), jax.lax.stop_gradient(scores), IOU_THR, NUM_PREDS)
    keep_safe = jnp.maximum(keep, 0)
    valid = (keep >= 0)[:, None]
    cat_k = cats[keep_safe].astype(jnp.float32)[:, None]
    score_k = scores[keep_safe][:, None]
    box_k = boxes[keep_safe]
    pred = jnp.concatenate([cat_k, score_k, box_k], axis=1)
    pred = jnp.where(valid, pred, -1.0)
    return pred

if __name__ == "__main__":
    import jax
    _d = setup_inputs()
    print(jax.jit(kernel)(*tuple(_d.values())))

</pallas_src>

<mosaic_0001>
#map = affine_map<(d0, d1) -> (0, 0, 0)>
#map1 = affine_map<(d0, d1) -> (0)>
module attributes {stable_mosaic.version = 14 : i64} {
  func.func @_nms_body(%arg0: i32, %arg1: i32, %arg2: memref<8x16x1280xf32, #tpu.memory_space<hbm>>, %arg3: memref<1600xf32, #tpu.memory_space<hbm>>, %arg4: memref<10240xf32, #tpu.memory_space<vmem>>, %arg5: memref<16xf32, #tpu.memory_space<vmem>>, %arg6: memref<16xf32, #tpu.memory_space<vmem>>, %arg7: memref<256xf32, #tpu.memory_space<vmem>>, %arg8: memref<1600xf32, #tpu.memory_space<vmem>>, %arg9: memref<512xf32, #tpu.memory_space<vmem_shared>>) attributes {dimension_semantics = [#tpu.dimension_semantics<core_parallel>, #tpu.dimension_semantics<subcore_parallel>], iteration_bounds = array<i64: 1, 16>, scalar_prefetch = 0 : i64, scratch_operands = 6 : i64, tpu.core_type = #tpu.core_type<sc_vector_subcore>, window_params = [{transform_indices = #map}, {transform_indices = #map1}]} {
    %mul3A = arith.constant 1280 : i32
    %mul3A_0 = arith.muli %arg1, %mul3A : i32
    %iota3A = tpu.iota {dimensions = array<i32: 0>} : vector<16xi32>
    %run_scoped3A = arith.constant 0 : i32
    "tpu.region"() ({
      %run_scoped3A_41 = tpu.sem_alloc : memref<!tpu.dma_semaphore, #tpu.memory_space<semaphore_mem>>
      %dma_start3A = arith.constant 0 : i32
      %dma_start3A_42 = tpu.memref_slice %arg4[%dma_start3A] : memref<10240xf32, #tpu.memory_space<vmem>> -> memref<1280xf32, #tpu.memory_space<vmem>>
      %dma_start3A_43 = arith.constant 0 : i32
      %dma_start3A_44 = tpu.memref_slice %arg2[%run_scoped3A, %arg1, %dma_start3A_43] : memref<8x16x1280xf32, #tpu.memory_space<hbm>> -> memref<1x1x1280xf32, #tpu.memory_space<hbm>>
      %dma_start3A_45 = tpu.memref_squeeze %dma_start3A_44 : memref<1x1x1280xf32, #tpu.memory_space<hbm>> -> memref<1280xf32, #tpu.memory_space<hbm>>
      %dma_start3A_46 = arith.constant 0 : i32
      %dma_start3A_47 = tpu.memref_slice %arg4[%dma_start3A_46] : memref<10240xf32, #tpu.memory_space<vmem>> -> memref<1280xf32, #tpu.memory_space<vmem>>
      %dma_start3A_48 = arith.constant 0 : i32
      %dma_start3A_49 = tpu.memref_slice %arg2[%run_scoped3A, %arg1, %dma_start3A_48] : memref<8x16x1280xf32, #tpu.memory_space<hbm>> -> memref<1x1x1280xf32, #tpu.memory_space<hbm>>
      %dma_start3A_50 = tpu.memref_squeeze %dma_start3A_49 : memref<1x1x1280xf32, #tpu.memory_space<hbm>> -> memref<1280xf32, #tpu.memory_space<hbm>>
      tpu.enqueue_dma source(%dma_start3A_50 : memref<1280xf32, #tpu.memory_space<hbm>>) target(%dma_start3A_47 : memref<1280xf32, #tpu.memory_space<vmem>>) target_semaphore(%run_scoped3A_41 : memref<!tpu.dma_semaphore, #tpu.memory_space<semaphore_mem>>)
      %dma_wait3A = arith.constant 0 : i32
      %dma_wait3A_51 = tpu.memref_slice %arg4[%dma_wait3A] : memref<10240xf32, #tpu.memory_space<vmem>> -> memref<1280xf32, #tpu.memory_space<vmem>>
      %dma_wait3A_52 = arith.constant 0 : i32
      %dma_wait3A_53 = tpu.memref_slice %arg2[%run_scoped3A, %arg1, %dma_wait3A_52] : memref<8x16x1280xf32, #tpu.memory_space<hbm>> -> memref<1x1x1280xf32, #tpu.memory_space<hbm>>
      %dma_wait3A_54 = tpu.memref_squeeze %dma_wait3A_53 : memref<1x1x1280xf32, #tpu.memory_space<hbm>> -> memref<1280xf32, #tpu.memory_space<hbm>>
      %dma_wait3A_55 = arith.constant 0 : i32
      %dma_wait3A_56 = tpu.memref_slice %arg4[%dma_wait3A_55] : memref<10240xf32, #tpu.memory_space<vmem>> -> memref<1280xf32, #tpu.memory_space<vmem>>
      %dma_wait3A_57 = arith.constant 0 : i32
      %dma_wait3A_58 = tpu.memref_slice %arg2[%run_scoped3A, %arg1, %dma_wait3A_57] : memref<8x16x1280xf32, #tpu.memory_space<hbm>> -> memref<1x1x1280xf32, #tpu.memory_space<hbm>>
      %dma_wait3A_59 = tpu.memref_squeeze %dma_wait3A_58 : memref<1x1x1280xf32, #tpu.memory_space<hbm>> -> memref<1280xf32, #tpu.memory_space<hbm>>
      tpu.wait_dma2 semaphore(%run_scoped3A_41 : memref<!tpu.dma_semaphore, #tpu.memory_space<semaphore_mem>>) src(%dma_wait3A_59 : memref<1280xf32, #tpu.memory_space<hbm>>) dst(%dma_wait3A_56 : memref<1280xf32, #tpu.memory_space<vmem>>)
      tpu.yield
    }) : () -> ()
    %run_scoped3A_1 = arith.constant 1 : i32
    "tpu.region"() ({
      %run_scoped3A_41 = tpu.sem_alloc : memref<!tpu.dma_semaphore, #tpu.memory_space<semaphore_mem>>
      %dma_start3A = arith.constant 1280 : i32
      %dma_start3A_42 = tpu.memref_slice %arg4[%dma_start3A] : memref<10240xf32, #tpu.memory_space<vmem>> -> memref<1280xf32, #tpu.memory_space<vmem>>
      %dma_start3A_43 = arith.constant 0 : i32
      %dma_start3A_44 = tpu.memref_slice %arg2[%run_scoped3A_1, %arg1, %dma_start3A_43] : memref<8x16x1280xf32, #tpu.memory_space<hbm>> -> memref<1x1x1280xf32, #tpu.memory_space<hbm>>
      %dma_start3A_45 = tpu.memref_squeeze %dma_start3A_44 : memref<1x1x1280xf32, #tpu.memory_space<hbm>> -> memref<1280xf32, #tpu.memory_space<hbm>>
      %dma_start3A_46 = arith.constant 1280 : i32
      %dma_start3A_47 = tpu.memref_slice %arg4[%dma_start3A_46] : memref<10240xf32, #tpu.memory_space<vmem>> -> memref<1280xf32, #tpu.memory_space<vmem>>
      %dma_start3A_48 = arith.constant 0 : i32
      %dma_start3A_49 = tpu.memref_slice %arg2[%run_scoped3A_1, %arg1, %dma_start3A_48] : memref<8x16x1280xf32, #tpu.memory_space<hbm>> -> memref<1x1x1280xf32, #tpu.memory_space<hbm>>
      %dma_start3A_50 = tpu.memref_squeeze %dma_start3A_49 : memref<1x1x1280xf32, #tpu.memory_space<hbm>> -> memref<1280xf32, #tpu.memory_space<hbm>>
      tpu.enqueue_dma source(%dma_start3A_50 : memref<1280xf32, #tpu.memory_space<hbm>>) target(%dma_start3A_47 : memref<1280xf32, #tpu.memory_space<vmem>>) target_semaphore(%run_scoped3A_41 : memref<!tpu.dma_semaphore, #tpu.memory_space<semaphore_mem>>)
      %dma_wait3A = arith.constant 1280 : i32
      %dma_wait3A_51 = tpu.memref_slice %arg4[%dma_wait3A] : memref<10240xf32, #tpu.memory_space<vmem>> -> memref<1280xf32, #tpu.memory_space<vmem>>
      %dma_wait3A_52 = arith.constant 0 : i32
      %dma_wait3A_53 = tpu.memref_slice %arg2[%run_scoped3A_1, %arg1, %dma_wait3A_52] : memref<8x16x1280xf32, #tpu.memory_space<hbm>> -> memref<1x1x1280xf32, #tpu.memory_space<hbm>>
      %dma_wait3A_54 = tpu.memref_squeeze %dma_wait3A_53 : memref<1x1x1280xf32, #tpu.memory_space<hbm>> -> memref<1280xf32, #tpu.memory_space<hbm>>
      %dma_wait3A_55 = arith.constant 1280 : i32
      %dma_wait3A_56 = tpu.memref_slice %arg4[%dma_wait3A_55] : memref<10240xf32, #tpu.memory_space<vmem>> -> memref<1280xf32, #tpu.memory_space<vmem>>
      %dma_wait3A_57 = arith.constant 0 : i32
      %dma_wait3A_58 = tpu.memref_slice %arg2[%run_scoped3A_1, %arg1, %dma_wait3A_57] : memref<8x16x1280xf32, #tpu.memory_space<hbm>> -> memref<1x1x1280xf32, #tpu.memory_space<hbm>>
      %dma_wait3A_59 = tpu.memref_squeeze %dma_wait3A_58 : memref<1x1x1280xf32, #tpu.memory_space<hbm>> -> memref<1280xf32, #tpu.memory_space<hbm>>
      tpu.wait_dma2 semaphore(%run_scoped3A_41 : memref<!tpu.dma_semaphore, #tpu.memory_space<semaphore_mem>>) src(%dma_wait3A_59 : memref<1280xf32, #tpu.memory_space<hbm>>) dst(%dma_wait3A_56 : memref<1280xf32, #tpu.memory_space<vmem>>)
      tpu.yield
    }) : () -> ()
    %run_scoped3A_2 = arith.constant 2 : i32
    "tpu.region"() ({
      %run_scoped3A_41 = tpu.sem_alloc : memref<!tpu.dma_semaphore, #tpu.memory_space<semaphore_mem>>
      %dma_start3A = arith.constant 2560 : i32
      %dma_start3A_42 = tpu.memref_slice %arg4[%dma_start3A] : memref<10240xf32, #tpu.memory_space<vmem>> -> memref<1280xf32, #tpu.memory_space<vmem>>
      %dma_start3A_43 = arith.constant 0 : i32
      %dma_start3A_44 = tpu.memref_slice %arg2[%run_scoped3A_2, %arg1, %dma_start3A_43] : memref<8x16x1280xf32, #tpu.memory_space<hbm>> -> memref<1x1x1280xf32, #tpu.memory_space<hbm>>
      %dma_start3A_45 = tpu.memref_squeeze %dma_start3A_44 : memref<1x1x1280xf32, #tpu.memory_space<hbm>> -> memref<1280xf32, #tpu.memory_space<hbm>>
      %dma_start3A_46 = arith.constant 2560 : i32
      %dma_start3A_47 = tpu.memref_slice %arg4[%dma_start3A_46] : memref<10240xf32, #tpu.memory_space<vmem>> -> memref<1280xf32, #tpu.memory_space<vmem>>
      %dma_start3A_48 = arith.constant 0 : i32
      %dma_start3A_49 = tpu.memref_slice %arg2[%run_scoped3A_2, %arg1, %dma_start3A_48] : memref<8x16x1280xf32, #tpu.memory_space<hbm>> -> memref<1x1x1280xf32, #tpu.memory_space<hbm>>
      %dma_start3A_50 = tpu.memref_squeeze %dma_start3A_49 : memref<1x1x1280xf32, #tpu.memory_space<hbm>> -> memref<1280xf32, #tpu.memory_space<hbm>>
      tpu.enqueue_dma source(%dma_start3A_50 : memref<1280xf32, #tpu.memory_space<hbm>>) target(%dma_start3A_47 : memref<1280xf32, #tpu.memory_space<vmem>>) target_semaphore(%run_scoped3A_41 : memref<!tpu.dma_semaphore, #tpu.memory_space<semaphore_mem>>)
      %dma_wait3A = arith.constant 2560 : i32
      %dma_wait3A_51 = tpu.memref_slice %arg4[%dma_wait3A] : memref<10240xf32, #tpu.memory_space<vmem>> -> memref<1280xf32, #tpu.memory_space<vmem>>
      %dma_wait3A_52 = arith.constant 0 : i32
      %dma_wait3A_53 = tpu.memref_slice %arg2[%run_scoped3A_2, %arg1, %dma_wait3A_52] : memref<8x16x1280xf32, #tpu.memory_space<hbm>> -> memref<1x1x1280xf32, #tpu.memory_space<hbm>>
      %dma_wait3A_54 = tpu.memref_squeeze %dma_wait3A_53 : memref<1x1x1280xf32, #tpu.memory_space<hbm>> -> memref<1280xf32, #tpu.memory_space<hbm>>
      %dma_wait3A_55 = arith.constant 2560 : i32
      %dma_wait3A_56 = tpu.memref_slice %arg4[%dma_wait3A_55] : memref<10240xf32, #tpu.memory_space<vmem>> -> memref<1280xf32, #tpu.memory_space<vmem>>
      %dma_wait3A_57 = arith.constant 0 : i32
      %dma_wait3A_58 = tpu.memref_slice %arg2[%run_scoped3A_2, %arg1, %dma_wait3A_57] : memref<8x16x1280xf32, #tpu.memory_space<hbm>> -> memref<1x1x1280xf32, #tpu.memory_space<hbm>>
      %dma_wait3A_59 = tpu.memref_squeeze %dma_wait3A_58 : memref<1x1x1280xf32, #tpu.memory_space<hbm>> -> memref<1280xf32, #tpu.memory_space<hbm>>
      tpu.wait_dma2 semaphore(%run_scoped3A_41 : memref<!tpu.dma_semaphore, #tpu.memory_space<semaphore_mem>>) src(%dma_wait3A_59 : memref<1280xf32, #tpu.memory_space<hbm>>) dst(%dma_wait3A_56 : memref<1280xf32, #tpu.memory_space<vmem>>)
      tpu.yield
    }) : () -> ()
    %run_scoped3A_3 = arith.constant 3 : i32
    "tpu.region"() ({
      %run_scoped3A_41 = tpu.sem_alloc : memref<!tpu.dma_semaphore, #tpu.memory_space<semaphore_mem>>
      %dma_start3A = arith.constant 3840 : i32
      %dma_start3A_42 = tpu.memref_slice %arg4[%dma_start3A] : memref<10240xf32, #tpu.memory_space<vmem>> -> memref<1280xf32, #tpu.memory_space<vmem>>
      %dma_start3A_43 = arith.constant 0 : i32
      %dma_start3A_44 = tpu.memref_slice %arg2[%run_scoped3A_3, %arg1, %dma_start3A_43] : memref<8x16x1280xf32, #tpu.memory_space<hbm>> -> memref<1x1x1280xf32, #tpu.memory_space<hbm>>
      %dma_start3A_45 = tpu.memref_squeeze %dma_start3A_44 : memref<1x1x1280xf32, #tpu.memory_space<hbm>> -> memref<1280xf32, #tpu.memory_space<hbm>>
      %dma_start3A_46 = arith.constant 3840 : i32
      %dma_start3A_47 = tpu.memref_slice %arg4[%dma_start3A_46] : memref<10240xf32, #tpu.memory_space<vmem>> -> memref<1280xf32, #tpu.memory_space<vmem>>
      %dma_start3A_48 = arith.constant 0 : i32
      %dma_start3A_49 = tpu.memref_slice %arg2[%run_scoped3A_3, %arg1, %dma_start3A_48] : memref<8x16x1280xf32, #tpu.memory_space<hbm>> -> memref<1x1x1280xf32, #tpu.memory_space<hbm>>
      %dma_start3A_50 = tpu.memref_squeeze %dma_start3A_49 : memref<1x1x1280xf32, #tpu.memory_space<hbm>> -> memref<1280xf32, #tpu.memory_space<hbm>>
      tpu.enqueue_dma source(%dma_start3A_50 : memref<1280xf32, #tpu.memory_space<hbm>>) target(%dma_start3A_47 : memref<1280xf32, #tpu.memory_space<vmem>>) target_semaphore(%run_scoped3A_41 : memref<!tpu.dma_semaphore, #tpu.memory_space<semaphore_mem>>)
      %dma_wait3A = arith.constant 3840 : i32
      %dma_wait3A_51 = tpu.memref_slice %arg4[%dma_wait3A] : memref<10240xf32, #tpu.memory_space<vmem>> -> memref<1280xf32, #tpu.memory_space<vmem>>
      %dma_wait3A_52 = arith.constant 0 : i32
      %dma_wait3A_53 = tpu.memref_slice %arg2[%run_scoped3A_3, %arg1, %dma_wait3A_52] : memref<8x16x1280xf32, #tpu.memory_space<hbm>> -> memref<1x1x1280xf32, #tpu.memory_space<hbm>>
      %dma_wait3A_54 = tpu.memref_squeeze %dma_wait3A_53 : memref<1x1x1280xf32, #tpu.memory_space<hbm>> -> memref<1280xf32, #tpu.memory_space<hbm>>
      %dma_wait3A_55 = arith.constant 3840 : i32
      %dma_wait3A_56 = tpu.memref_slice %arg4[%dma_wait3A_55] : memref<10240xf32, #tpu.memory_space<vmem>> -> memref<1280xf32, #tpu.memory_space<vmem>>
      %dma_wait3A_57 = arith.constant 0 : i32
      %dma_wait3A_58 = tpu.memref_slice %arg2[%run_scoped3A_3, %arg1, %dma_wait3A_57] : memref<8x16x1280xf32, #tpu.memory_space<hbm>> -> memref<1x1x1280xf32, #tpu.memory_space<hbm>>
      %dma_wait3A_59 = tpu.memref_squeeze %dma_wait3A_58 : memref<1x1x1280xf32, #tpu.memory_space<hbm>> -> memref<1280xf32, #tpu.memory_space<hbm>>
      tpu.wait_dma2 semaphore(%run_scoped3A_41 : memref<!tpu.dma_semaphore, #tpu.memory_space<semaphore_mem>>) src(%dma_wait3A_59 : memref<1280xf32, #tpu.memory_space<hbm>>) dst(%dma_wait3A_56 : memref<1280xf32, #tpu.memory_space<vmem>>)
      tpu.yield
    }) : () -> ()
    %run_scoped3A_4 = arith.constant 4 : i32
    "tpu.region"() ({
      %run_scoped3A_41 = tpu.sem_alloc : memref<!tpu.dma_semaphore, #tpu.memory_space<semaphore_mem>>
      %dma_start3A = arith.constant 5120 : i32
      %dma_start3A_42 = tpu.memref_slice %arg4[%dma_start3A] : memref<10240xf32, #tpu.memory_space<vmem>> -> memref<1280xf32, #tpu.memory_space<vmem>>
      %dma_start3A_43 = arith.constant 0 : i32
      %dma_start3A_44 = tpu.memref_slice %arg2[%run_scoped3A_4, %arg1, %dma_start3A_43] : memref<8x16x1280xf32, #tpu.memory_space<hbm>> -> memref<1x1x1280xf32, #tpu.memory_space<hbm>>
      %dma_start3A_45 = tpu.memref_squeeze %dma_start3A_44 : memref<1x1x1280xf32, #tpu.memory_space<hbm>> -> memref<1280xf32, #tpu.memory_space<hbm>>
      %dma_start3A_46 = arith.constant 5120 : i32
      %dma_start3A_47 = tpu.memref_slice %arg4[%dma_start3A_46] : memref<10240xf32, #tpu.memory_space<vmem>> -> memref<1280xf32, #tpu.memory_space<vmem>>
      %dma_start3A_48 = arith.constant 0 : i32
      %dma_start3A_49 = tpu.memref_slice %arg2[%run_scoped3A_4, %arg1, %dma_start3A_48] : memref<8x16x1280xf32, #tpu.memory_space<hbm>> -> memref<1x1x1280xf32, #tpu.memory_space<hbm>>
      %dma_start3A_50 = tpu.memref_squeeze %dma_start3A_49 : memref<1x1x1280xf32, #tpu.memory_space<hbm>> -> memref<1280xf32, #tpu.memory_space<hbm>>
      tpu.enqueue_dma source(%dma_start3A_50 : memref<1280xf32, #tpu.memory_space<hbm>>) target(%dma_start3A_47 : memref<1280xf32, #tpu.memory_space<vmem>>) target_semaphore(%run_scoped3A_41 : memref<!tpu.dma_semaphore, #tpu.memory_space<semaphore_mem>>)
      %dma_wait3A = arith.constant 5120 : i32
      %dma_wait3A_51 = tpu.memref_slice %arg4[%dma_wait3A] : memref<10240xf32, #tpu.memory_space<vmem>> -> memref<1280xf32, #tpu.memory_space<vmem>>
      %dma_wait3A_52 = arith.constant 0 : i32
      %dma_wait3A_53 = tpu.memref_slice %arg2[%run_scoped3A_4, %arg1, %dma_wait3A_52] : memref<8x16x1280xf32, #tpu.memory_space<hbm>> -> memref<1x1x1280xf32, #tpu.memory_space<hbm>>
      %dma_wait3A_54 = tpu.memref_squeeze %dma_wait3A_53 : memref<1x1x1280xf32, #tpu.memory_space<hbm>> -> memref<1280xf32, #tpu.memory_space<hbm>>
      %dma_wait3A_55 = arith.constant 5120 : i32
      %dma_wait3A_56 = tpu.memref_slice %arg4[%dma_wait3A_55] : memref<10240xf32, #tpu.memory_space<vmem>> -> memref<1280xf32, #tpu.memory_space<vmem>>
      %dma_wait3A_57 = arith.constant 0 : i32
      %dma_wait3A_58 = tpu.memref_slice %arg2[%run_scoped3A_4, %arg1, %dma_wait3A_57] : memref<8x16x1280xf32, #tpu.memory_space<hbm>> -> memref<1x1x1280xf32, #tpu.memory_space<hbm>>
      %dma_wait3A_59 = tpu.memref_squeeze %dma_wait3A_58 : memref<1x1x1280xf32, #tpu.memory_space<hbm>> -> memref<1280xf32, #tpu.memory_space<hbm>>
      tpu.wait_dma2 semaphore(%run_scoped3A_41 : memref<!tpu.dma_semaphore, #tpu.memory_space<semaphore_mem>>) src(%dma_wait3A_59 : memref<1280xf32, #tpu.memory_space<hbm>>) dst(%dma_wait3A_56 : memref<1280xf32, #tpu.memory_space<vmem>>)
      tpu.yield
    }) : () -> ()
    %run_scoped3A_5 = arith.constant 5 : i32
    "tpu.region"() ({
      %run_scoped3A_41 = tpu.sem_alloc : memref<!tpu.dma_semaphore, #tpu.memory_space<semaphore_mem>>
      %dma_start3A = arith.constant 6400 : i32
      %dma_start3A_42 = tpu.memref_slice %arg4[%dma_start3A] : memref<10240xf32, #tpu.memory_space<vmem>> -> memref<1280xf32, #tpu.memory_space<vmem>>
      %dma_start3A_43 = arith.constant 0 : i32
      %dma_start3A_44 = tpu.memref_slice %arg2[%run_scoped3A_5, %arg1, %dma_start3A_43] : memref<8x16x1280xf32, #tpu.memory_space<hbm>> -> memref<1x1x1280xf32, #tpu.memory_space<hbm>>
      %dma_start3A_45 = tpu.memref_squeeze %dma_start3A_44 : memref<1x1x1280xf32, #tpu.memory_space<hbm>> -> memref<1280xf32, #tpu.memory_space<hbm>>
      %dma_start3A_46 = arith.constant 6400 : i32
      %dma_start3A_47 = tpu.memref_slice %arg4[%dma_start3A_46] : memref<10240xf32, #tpu.memory_space<vmem>> -> memref<1280xf32, #tpu.memory_space<vmem>>
      %dma_start3A_48 = arith.constant 0 : i32
      %dma_start3A_49 = tpu.memref_slice %arg2[%run_scoped3A_5, %arg1, %dma_start3A_48] : memref<8x16x1280xf32, #tpu.memory_space<hbm>> -> memref<1x1x1280xf32, #tpu.memory_space<hbm>>
      %dma_start3A_50 = tpu.memref_squeeze %dma_start3A_49 : memref<1x1x1280xf32, #tpu.memory_space<hbm>> -> memref<1280xf32, #tpu.memory_space<hbm>>
      tpu.enqueue_dma source(%dma_start3A_50 : memref<1280xf32, #tpu.memory_space<hbm>>) target(%dma_start3A_47 : memref<1280xf32, #tpu.memory_space<vmem>>) target_semaphore(%run_scoped3A_41 : memref<!tpu.dma_semaphore, #tpu.memory_space<semaphore_mem>>)
      %dma_wait3A = arith.constant 6400 : i32
      %dma_wait3A_51 = tpu.memref_slice %arg4[%dma_wait3A] : memref<10240xf32, #tpu.memory_space<vmem>> -> memref<1280xf32, #tpu.memory_space<vmem>>
      %dma_wait3A_52 = arith.constant 0 : i32
      %dma_wait3A_53 = tpu.memref_slice %arg2[%run_scoped3A_5, %arg1, %dma_wait3A_52] : memref<8x16x1280xf32, #tpu.memory_space<hbm>> -> memref<1x1x1280xf32, #tpu.memory_space<hbm>>
      %dma_wait3A_54 = tpu.memref_squeeze %dma_wait3A_53 : memref<1x1x1280xf32, #tpu.memory_space<hbm>> -> memref<1280xf32, #tpu.memory_space<hbm>>
      %dma_wait3A_55 = arith.constant 6400 : i32
      %dma_wait3A_56 = tpu.memref_slice %arg4[%dma_wait3A_55] : memref<10240xf32, #tpu.memory_space<vmem>> -> memref<1280xf32, #tpu.memory_space<vmem>>
      %dma_wait3A_57 = arith.constant 0 : i32
      %dma_wait3A_58 = tpu.memref_slice %arg2[%run_scoped3A_5, %arg1, %dma_wait3A_57] : memref<8x16x1280xf32, #tpu.memory_space<hbm>> -> memref<1x1x1280xf32, #tpu.memory_space<hbm>>
      %dma_wait3A_59 = tpu.memref_squeeze %dma_wait3A_58 : memref<1x1x1280xf32, #tpu.memory_space<hbm>> -> memref<1280xf32, #tpu.memory_space<hbm>>
      tpu.wait_dma2 semaphore(%run_scoped3A_41 : memref<!tpu.dma_semaphore, #tpu.memory_space<semaphore_mem>>) src(%dma_wait3A_59 : memref<1280xf32, #tpu.memory_space<hbm>>) dst(%dma_wait3A_56 : memref<1280xf32, #tpu.memory_space<vmem>>)
      tpu.yield
    }) : () -> ()
    %run_scoped3A_6 = arith.constant 6 : i32
    "tpu.region"() ({
      %run_scoped3A_41 = tpu.sem_alloc : memref<!tpu.dma_semaphore, #tpu.memory_space<semaphore_mem>>
      %dma_start3A = arith.constant 7680 : i32
      %dma_start3A_42 = tpu.memref_slice %arg4[%dma_start3A] : memref<10240xf32, #tpu.memory_space<vmem>> -> memref<1280xf32, #tpu.memory_space<vmem>>
      %dma_start3A_43 = arith.constant 0 : i32
      %dma_start3A_44 = tpu.memref_slice %arg2[%run_scoped3A_6, %arg1, %dma_start3A_43] : memref<8x16x1280xf32, #tpu.memory_space<hbm>> -> memref<1x1x1280xf32, #tpu.memory_space<hbm>>
      %dma_start3A_45 = tpu.memref_squeeze %dma_start3A_44 : memref<1x1x1280xf32, #tpu.memory_space<hbm>> -> memref<1280xf32, #tpu.memory_space<hbm>>
      %dma_start3A_46 = arith.constant 7680 : i32
      %dma_start3A_47 = tpu.memref_slice %arg4[%dma_start3A_46] : memref<10240xf32, #tpu.memory_space<vmem>> -> memref<1280xf32, #tpu.memory_space<vmem>>
      %dma_start3A_48 = arith.constant 0 : i32
      %dma_start3A_49 = tpu.memref_slice %arg2[%run_scoped3A_6, %arg1, %dma_start3A_48] : memref<8x16x1280xf32, #tpu.memory_space<hbm>> -> memref<1x1x1280xf32, #tpu.memory_space<hbm>>
      %dma_start3A_50 = tpu.memref_squeeze %dma_start3A_49 : memref<1x1x1280xf32, #tpu.memory_space<hbm>> -> memref<1280xf32, #tpu.memory_space<hbm>>
      tpu.enqueue_dma source(%dma_start3A_50 : memref<1280xf32, #tpu.memory_space<hbm>>) target(%dma_start3A_47 : memref<1280xf32, #tpu.memory_space<vmem>>) target_semaphore(%run_scoped3A_41 : memref<!tpu.dma_semaphore, #tpu.memory_space<semaphore_mem>>)
      %dma_wait3A = arith.constant 7680 : i32
      %dma_wait3A_51 = tpu.memref_slice %arg4[%dma_wait3A] : memref<10240xf32, #tpu.memory_space<vmem>> -> memref<1280xf32, #tpu.memory_space<vmem>>
      %dma_wait3A_52 = arith.constant 0 : i32
      %dma_wait3A_53 = tpu.memref_slice %arg2[%run_scoped3A_6, %arg1, %dma_wait3A_52] : memref<8x16x1280xf32, #tpu.memory_space<hbm>> -> memref<1x1x1280xf32, #tpu.memory_space<hbm>>
      %dma_wait3A_54 = tpu.memref_squeeze %dma_wait3A_53 : memref<1x1x1280xf32, #tpu.memory_space<hbm>> -> memref<1280xf32, #tpu.memory_space<hbm>>
      %dma_wait3A_55 = arith.constant 7680 : i32
      %dma_wait3A_56 = tpu.memref_slice %arg4[%dma_wait3A_55] : memref<10240xf32, #tpu.memory_space<vmem>> -> memref<1280xf32, #tpu.memory_space<vmem>>
      %dma_wait3A_57 = arith.constant 0 : i32
      %dma_wait3A_58 = tpu.memref_slice %arg2[%run_scoped3A_6, %arg1, %dma_wait3A_57] : memref<8x16x1280xf32, #tpu.memory_space<hbm>> -> memref<1x1x1280xf32, #tpu.memory_space<hbm>>
      %dma_wait3A_59 = tpu.memref_squeeze %dma_wait3A_58 : memref<1x1x1280xf32, #tpu.memory_space<hbm>> -> memref<1280xf32, #tpu.memory_space<hbm>>
      tpu.wait_dma2 semaphore(%run_scoped3A_41 : memref<!tpu.dma_semaphore, #tpu.memory_space<semaphore_mem>>) src(%dma_wait3A_59 : memref<1280xf32, #tpu.memory_space<hbm>>) dst(%dma_wait3A_56 : memref<1280xf32, #tpu.memory_space<vmem>>)
      tpu.yield
    }) : () -> ()
    %run_scoped3A_7 = arith.constant 7 : i32
    "tpu.region"() ({
      %run_scoped3A_41 = tpu.sem_alloc : memref<!tpu.dma_semaphore, #tpu.memory_space<semaphore_mem>>
      %dma_start3A = arith.constant 8960 : i32
      %dma_start3A_42 = tpu.memref_slice %arg4[%dma_start3A] : memref<10240xf32, #tpu.memory_space<vmem>> -> memref<1280xf32, #tpu.memory_space<vmem>>
      %dma_start3A_43 = arith.constant 0 : i32
      %dma_start3A_44 = tpu.memref_slice %arg2[%run_scoped3A_7, %arg1, %dma_start3A_43] : memref<8x16x1280xf32, #tpu.memory_space<hbm>> -> memref<1x1x1280xf32, #tpu.memory_space<hbm>>
      %dma_start3A_45 = tpu.memref_squeeze %dma_start3A_44 : memref<1x1x1280xf32, #tpu.memory_space<hbm>> -> memref<1280xf32, #tpu.memory_space<hbm>>
      %dma_start3A_46 = arith.constant 8960 : i32
      %dma_start3A_47 = tpu.memref_slice %arg4[%dma_start3A_46] : memref<10240xf32, #tpu.memory_space<vmem>> -> memref<1280xf32, #tpu.memory_space<vmem>>
      %dma_start3A_48 = arith.constant 0 : i32
      %dma_start3A_49 = tpu.memref_slice %arg2[%run_scoped3A_7, %arg1, %dma_start3A_48] : memref<8x16x1280xf32, #tpu.memory_space<hbm>> -> memref<1x1x1280xf32, #tpu.memory_space<hbm>>
      %dma_start3A_50 = tpu.memref_squeeze %dma_start3A_49 : memref<1x1x1280xf32, #tpu.memory_space<hbm>> -> memref<1280xf32, #tpu.memory_space<hbm>>
      tpu.enqueue_dma source(%dma_start3A_50 : memref<1280xf32, #tpu.memory_space<hbm>>) target(%dma_start3A_47 : memref<1280xf32, #tpu.memory_space<vmem>>) target_semaphore(%run_scoped3A_41 : memref<!tpu.dma_semaphore, #tpu.memory_space<semaphore_mem>>)
      %dma_wait3A = arith.constant 8960 : i32
      %dma_wait3A_51 = tpu.memref_slice %arg4[%dma_wait3A] : memref<10240xf32, #tpu.memory_space<vmem>> -> memref<1280xf32, #tpu.memory_space<vmem>>
      %dma_wait3A_52 = arith.constant 0 : i32
      %dma_wait3A_53 = tpu.memref_slice %arg2[%run_scoped3A_7, %arg1, %dma_wait3A_52] : memref<8x16x1280xf32, #tpu.memory_space<hbm>> -> memref<1x1x1280xf32, #tpu.memory_space<hbm>>
      %dma_wait3A_54 = tpu.memref_squeeze %dma_wait3A_53 : memref<1x1x1280xf32, #tpu.memory_space<hbm>> -> memref<1280xf32, #tpu.memory_space<hbm>>
      %dma_wait3A_55 = arith.constant 8960 : i32
      %dma_wait3A_56 = tpu.memref_slice %arg4[%dma_wait3A_55] : memref<10240xf32, #tpu.memory_space<vmem>> -> memref<1280xf32, #tpu.memory_space<vmem>>
      %dma_wait3A_57 = arith.constant 0 : i32
      %dma_wait3A_58 = tpu.memref_slice %arg2[%run_scoped3A_7, %arg1, %dma_wait3A_57] : memref<8x16x1280xf32, #tpu.memory_space<hbm>> -> memref<1x1x1280xf32, #tpu.memory_space<hbm>>
      %dma_wait3A_59 = tpu.memref_squeeze %dma_wait3A_58 : memref<1x1x1280xf32, #tpu.memory_space<hbm>> -> memref<1280xf32, #tpu.memory_space<hbm>>
      tpu.wait_dma2 semaphore(%run_scoped3A_41 : memref<!tpu.dma_semaphore, #tpu.memory_space<semaphore_mem>>) src(%dma_wait3A_59 : memref<1280xf32, #tpu.memory_space<hbm>>) dst(%dma_wait3A_56 : memref<1280xf32, #tpu.memory_space<vmem>>)
      tpu.yield
    }) : () -> ()
    %broadcast_in_dim3A = arith.constant 3.000000e+38 : f32
    %broadcast_in_dim3A_8 = vector.broadcast %broadcast_in_dim3A : f32 to vector<16xf32>
    %broadcast_in_dim3A_9 = arith.constant 3.000000e+38 : f32
    %broadcast_in_dim3A_10 = vector.broadcast %broadcast_in_dim3A_9 : f32 to vector<16xf32>
    %neg3A = arith.constant 0.000000e+00 : f32
    %neg3A_11 = arith.constant 3.000000e+38 : f32
    %neg3A_12 = arith.subf %neg3A, %neg3A_11 : f32
    %broadcast_in_dim3A_13 = vector.broadcast %neg3A_12 : f32 to vector<16xf32>
    %neg3A_14 = arith.constant 0.000000e+00 : f32
    %neg3A_15 = arith.constant 3.000000e+38 : f32
    %neg3A_16 = arith.subf %neg3A_14, %neg3A_15 : f32
    %broadcast_in_dim3A_17 = vector.broadcast %neg3A_16 : f32 to vector<16xf32>
    %broadcast_in_dim3A_18 = arith.constant 1.000000e+00 : f32
    %broadcast_in_dim3A_19 = vector.broadcast %broadcast_in_dim3A_18 : f32 to vector<16xf32>
    %broadcast_in_dim3A_20 = arith.constant -1 : i32
    %broadcast_in_dim3A_21 = vector.broadcast %broadcast_in_dim3A_20 : i32 to vector<16xi32>
    %broadcast_in_dim3A_22 = arith.constant -2.000000e+00 : f32
    %broadcast_in_dim3A_23 = vector.broadcast %broadcast_in_dim3A_22 : f32 to vector<16xf32>
    %broadcast_in_dim3A_24 = arith.constant 0 : i32
    %broadcast_in_dim3A_25 = vector.broadcast %broadcast_in_dim3A_24 : i32 to vector<16xi32>
    %scan3A = arith.constant 0 : i32
    %scan3A_26 = arith.constant 10 : i32
    %scan3A_27 = arith.addi %scan3A, %scan3A_26 : i32
    %scan3A_28 = arith.constant 1 : i32
    %scan3A_29:2 = scf.for %scan3A_41 = %scan3A to %scan3A_27 step %scan3A_28 iter_args(%scan3A_42 = %broadcast_in_dim3A_23, %scan3A_43 = %broadcast_in_dim3A_25) -> (vector<16xf32>, vector<16xi32>)  : i32 {
      %mul3A_44 = arith.constant 128 : i32
      %mul3A_45 = arith.muli %scan3A_41, %mul3A_44 : i32
      %add3A = arith.constant 0 : i32
      %add3A_46 = arith.addi %mul3A_45, %add3A : i32
      %get3A = arith.index_cast %add3A_46 : i32 to index
      %get3A_47 = tpu.vector_load %arg4[%get3A] {strides = array<i32>} : memref<10240xf32, #tpu.memory_space<vmem>>, vector<16xf32>,
      %get3A_48 = vector.shape_cast %get3A_47 : vector<16xf32> to vector<16xf32>
      %add3A_49 = arith.constant 1280 : i32
      %add3A_50 = arith.addi %add3A_49, %add3A_46 : i32
      %get3A_51 = arith.index_cast %add3A_50 : i32 to index
      %get3A_52 = tpu.vector_load %arg4[%get3A_51] {strides = array<i32>} : memref<10240xf32, #tpu.memory_space<vmem>>, vector<16xf32>,
      %get3A_53 = vector.shape_cast %get3A_52 : vector<16xf32> to vector<16xf32>
      %max3A = arith.maximumf %broadcast_in_dim3A_8, %get3A_53 : vector<16xf32>
      %add3A_54 = arith.constant 2560 : i32
      %add3A_55 = arith.addi %add3A_54, %add3A_46 : i32
      %get3A_56 = arith.index_cast %add3A_55 : i32 to index
      %get3A_57 = tpu.vector_load %arg4[%get3A_56] {strides = array<i32>} : memref<10240xf32, #tpu.memory_space<vmem>>, vector<16xf32>,
      %get3A_58 = vector.shape_cast %get3A_57 : vector<16xf32> to vector<16xf32>
      %max3A_59 = arith.maximumf %broadcast_in_dim3A_10, %get3A_58 : vector<16xf32>
      %add3A_60 = arith.constant 3840 : i32
      %add3A_61 = arith.addi %add3A_60, %add3A_46 : i32
      %get3A_62 = arith.index_cast %add3A_61 : i32 to index
      %get3A_63 = tpu.vector_load %arg4[%get3A_62] {strides = array<i32>} : memref<10240xf32, #tpu.memory_space<vmem>>, vector<16xf32>,
      %get3A_64 = vector.shape_cast %get3A_63 : vector<16xf32> to vector<16xf32>
      %min3A = arith.minimumf %broadcast_in_dim3A_13, %get3A_64 : vector<16xf32>
      %add3A_65 = arith.constant 5120 : i32
      %add3A_66 = arith.addi %add3A_65, %add3A_46 : i32
      %get3A_67 = arith.index_cast %add3A_66 : i32 to index
      %get3A_68 = tpu.vector_load %arg4[%get3A_67] {strides = array<i32>} : memref<10240xf32, #tpu.memory_space<vmem>>, vector<16xf32>,
      %get3A_69 = vector.shape_cast %get3A_68 : vector<16xf32> to vector<16xf32>
      %min3A_70 = arith.minimumf %broadcast_in_dim3A_17, %get3A_69 : vector<16xf32>
      %sub3A = arith.subf %min3A, %max3A : vector<16xf32>
      %max3A_71 = arith.constant 0.000000e+00 : f32
      %max3A_72 = vector.broadcast %max3A_71 : f32 to vector<16xf32>
      %max3A_73 = arith.maximumf %sub3A, %max3A_72 : vector<16xf32>
      %sub3A_74 = arith.subf %min3A_70, %max3A_59 : vector<16xf32>
      %max3A_75 = arith.constant 0.000000e+00 : f32
      %max3A_76 = vector.broadcast %max3A_75 : f32 to vector<16xf32>
      %max3A_77 = arith.maximumf %sub3A_74, %max3A_76 : vector<16xf32>
      %mul3A_78 = arith.mulf %max3A_73, %max3A_77 : vector<16xf32>
      %add3A_79 = arith.constant 6400 : i32
      %add3A_80 = arith.addi %add3A_79, %add3A_46 : i32
      %get3A_81 = arith.index_cast %add3A_80 : i32 to index
      %get3A_82 = tpu.vector_load %arg4[%get3A_81] {strides = array<i32>} : memref<10240xf32, #tpu.memory_space<vmem>>, vector<16xf32>,
      %get3A_83 = vector.shape_cast %get3A_82 : vector<16xf32> to vector<16xf32>
      %add3A_84 = arith.addf %broadcast_in_dim3A_19, %get3A_83 : vector<16xf32>
      %sub3A_85 = arith.subf %add3A_84, %mul3A_78 : vector<16xf32>
      %add3A_86 = arith.constant 9.99999971E-10 : f32
      %add3A_87 = vector.broadcast %add3A_86 : f32 to vector<16xf32>
      %add3A_88 = arith.addf %sub3A_85, %add3A_87 : vector<16xf32>
      %div3A = arith.divf %mul3A_78, %add3A_88 : vector<16xf32>
      %add3A_89 = arith.addi %mul3A_0, %add3A_46 : i32
      %add3A_90 = vector.broadcast %add3A_89 : i32 to vector<16xi32>
      %add3A_91 = arith.addi %iota3A, %add3A_90 : vector<16xi32>
      %gt3A = arith.constant 5.000000e-01 : f32
      %gt3A_92 = vector.broadcast %gt3A : f32 to vector<16xf32>
      %gt3A_93 = arith.cmpf ogt, %div3A, %gt3A_92 : vector<16xf32>
      %eq3A_94 = arith.cmpi eq, %add3A_91, %broadcast_in_dim3A_21 : vector<16xi32>
      %or3A = arith.ori %gt3A_93, %eq3A_94 : vector<16xi1>
      %jit3A = arith.constant -1.000000e+00 : f32
      %broadcast_in_dim3A_95 = vector.broadcast %jit3A : f32 to vector<16xf32>
      %select_n3A = arith.select %or3A, %broadcast_in_dim3A_95, %get3A_48 : vector<16xi1>, vector<16xf32>
      %swap3A = arith.index_cast %add3A_46 : i32 to index
      %swap3A_96 = tpu.vector_load %arg4[%swap3A] {strides = array<i32>} : memref<10240xf32, #tpu.memory_space<vmem>>, vector<16xf32>,
      %swap3A_97 = vector.shape_cast %swap3A_96 : vector<16xf32> to vector<16xf32>
      %swap3A_98 = vector.shape_cast %select_n3A : vector<16xf32> to vector<16xf32>
      tpu.vector_store %arg4[%swap3A], %swap3A_98 {strides = array<i32>} : memref<10240xf32, #tpu.memory_space<vmem>>, vector<16xf32>,
      %gt3A_99 = arith.cmpf ogt, %select_n3A, %scan3A_42 : vector<16xf32>
      %select_n3A_100 = arith.select %gt3A_99, %select_n3A, %scan3A_42 : vector<16xi1>, vector<16xf32>
      %select_n3A_101 = arith.select %gt3A_99, %add3A_91, %scan3A_43 : vector<16xi1>, vector<16xi32>
      %mul3A_102 = arith.constant 128 : i32
      %mul3A_103 = arith.muli %scan3A_41, %mul3A_102 : i32
      %add3A_104 = arith.constant 16 : i32
      %add3A_105 = arith.addi %mul3A_103, %add3A_104 : i32
      %get3A_106 = arith.index_cast %add3A_105 : i32 to index
      %get3A_107 = tpu.vector_load %arg4[%get3A_106] {strides = array<i32>} : memref<10240xf32, #tpu.memory_space<vmem>>, vector<16xf32>,
      %get3A_108 = vector.shape_cast %get3A_107 : vector<16xf32> to vector<16xf32>
      %add3A_109 = arith.constant 1280 : i32
      %add3A_110 = arith.addi %add3A_109, %add3A_105 : i32
      %get3A_111 = arith.index_cast %add3A_110 : i32 to index
      %get3A_112 = tpu.vector_load %arg4[%get3A_111] {strides = array<i32>} : memref<10240xf32, #tpu.memory_space<vmem>>, vector<16xf32>,
      %get3A_113 = vector.shape_cast %get3A_112 : vector<16xf32> to vector<16xf32>
      %max3A_114 = arith.maximumf %broadcast_in_dim3A_8, %get3A_113 : vector<16xf32>
      %add3A_115 = arith.constant 2560 : i32
      %add3A_116 = arith.addi %add3A_115, %add3A_105 : i32
      %get3A_117 = arith.index_cast %add3A_116 : i32 to index
      %get3A_118 = tpu.vector_load %arg4[%get3A_117] {strides = array<i32>} : memref<10240xf32, #tpu.memory_space<vmem>>, vector<16xf32>,
      %get3A_119 = vector.shape_cast %get3A_118 : vector<16xf32> to vector<16xf32>
      %max3A_120 = arith.maximumf %broadcast_in_dim3A_10, %get3A_119 : vector<16xf32>
      %add3A_121 = arith.constant 3840 : i32
      %add3A_122 = arith.addi %add3A_121, %add3A_105 : i32
      %get3A_123 = arith.index_cast %add3A_122 : i32 to index
      %get3A_124 = tpu.vector_load %arg4[%get3A_123] {strides = array<i32>} : memref<10240xf32, #tpu.memory_space<vmem>>, vector<16xf32>,
      %get3A_125 = vector.shape_cast %get3A_124 : vector<16xf32> to vector<16xf32>
      %min3A_126 = arith.minimumf %broadcast_in_dim3A_13, %get3A_125 : vector<16xf32>
      %add3A_127 = arith.constant 5120 : i32
      %add3A_128 = arith.addi %add3A_127, %add3A_105 : i32
      %get3A_129 = arith.index_cast %add3A_128 : i32 to index
      %get3A_130 = tpu.vector_load %arg4[%get3A_129] {strides = array<i32>} : memref<10240xf32, #tpu.memory_space<vmem>>, vector<16xf32>,
      %get3A_131 = vector.shape_cast %get3A_130 : vector<16xf32> to vector<16xf32>
      %min3A_132 = arith.minimumf %broadcast_in_dim3A_17, %get3A_131 : vector<16xf32>
      %sub3A_133 = arith.subf %min3A_126, %max3A_114 : vector<16xf32>
      %max3A_134 = arith.constant 0.000000e+00 : f32
      %max3A_135 = vector.broadcast %max3A_134 : f32 to vector<16xf32>
      %max3A_136 = arith.maximumf %sub3A_133, %max3A_135 : vector<16xf32>
      %sub3A_137 = arith.subf %min3A_132, %max3A_120 : vector<16xf32>
      %max3A_138 = arith.constant 0.000000e+00 : f32
      %max3A_139 = vector.broadcast %max3A_138 : f32 to vector<16xf32>
      %max3A_140 = arith.maximumf %sub3A_137, %max3A_139 : vector<16xf32>
      %mul3A_141 = arith.mulf %max3A_136, %max3A_140 : vector<16xf32>
      %add3A_142 = arith.constant 6400 : i32
      %add3A_143 = arith.addi %add3A_142, %add3A_105 : i32
      %get3A_144 = arith.index_cast %add3A_143 : i32 to index
      %get3A_145 = tpu.vector_load %arg4[%get3A_144] {strides = array<i32>} : memref<10240xf32, #tpu.memory_space<vmem>>, vector<16xf32>,
      %get3A_146 = vector.shape_cast %get3A_145 : vector<16xf32> to vector<16xf32>
      %add3A_147 = arith.addf %broadcast_in_dim3A_19, %get3A_146 : vector<16xf32>
      %sub3A_148 = arith.subf %add3A_147, %mul3A_141 : vector<16xf32>
      %add3A_149 = arith.constant 9.99999971E-10 : f32
      %add3A_150 = vector.broadcast %add3A_149 : f32 to vector<16xf32>
      %add3A_151 = arith.addf %sub3A_148, %add3A_150 : vector<16xf32>
      %div3A_152 = arith.divf %mul3A_141, %add3A_151 : vector<16xf32>
      %add3A_153 = arith.addi %mul3A_0, %add3A_105 : i32
      %add3A_154 = vector.broadcast %add3A_153 : i32 to vector<16xi32>
      %add3A_155 = arith.addi %iota3A, %add3A_154 : vector<16xi32>
      %gt3A_156 = arith.constant 5.000000e-01 : f32
      %gt3A_157 = vector.broadcast %gt3A_156 : f32 to vector<16xf32>
      %gt3A_158 = arith.cmpf ogt, %div3A_152, %gt3A_157 : vector<16xf32>
      %eq3A_159 = arith.cmpi eq, %add3A_155, %broadcast_in_dim3A_21 : vector<16xi32>
      %or3A_160 = arith.ori %gt3A_158, %eq3A_159 : vector<16xi1>
      %jit3A_161 = arith.constant -1.000000e+00 : f32
      %broadcast_in_dim3A_162 = vector.broadcast %jit3A_161 : f32 to vector<16xf32>
      %select_n3A_163 = arith.select %or3A_160, %broadcast_in_dim3A_162, %get3A_108 : vector<16xi1>, vector<16xf32>
      %swap3A_164 = arith.index_cast %add3A_105 : i32 to index
      %swap3A_165 = tpu.vector_load %arg4[%swap3A_164] {strides = array<i32>} : memref<10240xf32, #tpu.memory_space<vmem>>, vector<16xf32>,
      %swap3A_166 = vector.shape_cast %swap3A_165 : vector<16xf32> to vector<16xf32>
      %swap3A_167 = vector.shape_cast %select_n3A_163 : vector<16xf32> to vector<16xf32>
      tpu.vector_store %arg4[%swap3A_164], %swap3A_167 {strides = array<i32>} : memref<10240xf32, #tpu.memory_space<vmem>>, vector<16xf32>,
      %gt3A_168 = arith.cmpf ogt, %select_n3A_163, %select_n3A_100 : vector<16xf32>
      %select_n3A_169 = arith.select %gt3A_168, %select_n3A_163, %select_n3A_100 : vector<16xi1>, vector<16xf32>
      %select_n3A_170 = arith.select %gt3A_168, %add3A_155, %select_n3A_101 : vector<16xi1>, vector<16xi32>
      %mul3A_171 = arith.constant 128 : i32
      %mul3A_172 = arith.muli %scan3A_41, %mul3A_171 : i32
      %add3A_173 = arith.constant 32 : i32
      %add3A_174 = arith.addi %mul3A_172, %add3A_173 : i32
      %get3A_175 = arith.index_cast %add3A_174 : i32 to index
      %get3A_176 = tpu.vector_load %arg4[%get3A_175] {strides = array<i32>} : memref<10240xf32, #tpu.memory_space<vmem>>, vector<16xf32>,
      %get3A_177 = vector.shape_cast %get3A_176 : vector<16xf32> to vector<16xf32>
      %add3A_178 = arith.constant 1280 : i32
      %add3A_179 = arith.addi %add3A_178, %add3A_174 : i32
      %get3A_180 = arith.index_cast %add3A_179 : i32 to index
      %get3A_181 = tpu.vector_load %arg4[%get3A_180] {strides = array<i32>} : memref<10240xf32, #tpu.memory_space<vmem>>, vector<16xf32>,
      %get3A_182 = vector.shape_cast %get3A_181 : vector<16xf32> to vector<16xf32>
      %max3A_183 = arith.maximumf %broadcast_in_dim3A_8, %get3A_182 : vector<16xf32>
      %add3A_184 = arith.constant 2560 : i32
      %add3A_185 = arith.addi %add3A_184, %add3A_174 : i32
      %get3A_186 = arith.index_cast %add3A_185 : i32 to index
      %get3A_187 = tpu.vector_load %arg4[%get3A_186] {strides = array<i32>} : memref<10240xf32, #tpu.memory_space<vmem>>, vector<16xf32>,
      %get3A_188 = vector.shape_cast %get3A_187 : vector<16xf32> to vector<16xf32>
      %max3A_189 = arith.maximumf %broadcast_in_dim3A_10, %get3A_188 : vector<16xf32>
      %add3A_190 = arith.constant 3840 : i32
      %add3A_191 = arith.addi %add3A_190, %add3A_174 : i32
      %get3A_192 = arith.index_cast %add3A_191 : i32 to index
      %get3A_193 = tpu.vector_load %arg4[%get3A_192] {strides = array<i32>} : memref<10240xf32, #tpu.memory_space<vmem>>, vector<16xf32>,
      %get3A_194 = vector.shape_cast %get3A_193 : vector<16xf32> to vector<16xf32>
      %min3A_195 = arith.minimumf %broadcast_in_dim3A_13, %get3A_194 : vector<16xf32>
      %add3A_196 = arith.constant 5120 : i32
      %add3A_197 = arith.addi %add3A_196, %add3A_174 : i32
      %get3A_198 = arith.index_cast %add3A_197 : i32 to index
      %get3A_199 = tpu.vector_load %arg4[%get3A_198] {strides = array<i32>} : memref<10240xf32, #tpu.memory_space<vmem>>, vector<16xf32>,
      %get3A_200 = vector.shape_cast %get3A_199 : vector<16xf32> to vector<16xf32>
      %min3A_201 = arith.minimumf %broadcast_in_dim3A_17, %get3A_200 : vector<16xf32>
      %sub3A_202 = arith.subf %min3A_195, %max3A_183 : vector<16xf32>
      %max3A_203 = arith.constant 0.000000e+00 : f32
      %max3A_204 = vector.broadcast %max3A_203 : f32 to vector<16xf32>
      %max3A_205 = arith.maximumf %sub3A_202, %max3A_204 : vector<16xf32>
      %sub3A_206 = arith.subf %min3A_201, %max3A_189 : vector<16xf32>
      %max3A_207 = arith.constant 0.000000e+00 : f32
      %max3A_208 = vector.broadcast %max3A_207 : f32 to vector<16xf32>
      %max3A_209 = arith.maximumf %sub3A_206, %max3A_208 : vector<16xf32>
      %mul3A_210 = arith.mulf %max3A_205, %max3A_209 : vector<16xf32>
      %add3A_211 = arith.constant 6400 : i32
      %add3A_212 = arith.addi %add3A_211, %add3A_174 : i32
      %get3A_213 = arith.index_cast %add3A_212 : i32 to index
      %get3A_214 = tpu.vector_load %arg4[%get3A_213] {strides = array<i32>} : memref<10240xf32, #tpu.memory_space<vmem>>, vector<16xf32>,
      %get3A_215 = vector.shape_cast %get3A_214 : vector<16xf32> to vector<16xf32>
      %add3A_216 = arith.addf %broadcast_in_dim3A_19, %get3A_215 : vector<16xf32>
      %sub3A_217 = arith.subf %add3A_216, %mul3A_210 : vector<16xf32>
      %add3A_218 = arith.constant 9.99999971E-10 : f32
      %add3A_219 = vector.broadcast %add3A_218 : f32 to vector<16xf32>
      %add3A_220 = arith.addf %sub3A_217, %add3A_219 : vector<16xf32>
      %div3A_221 = arith.divf %mul3A_210, %add3A_220 : vector<16xf32>
      %add3A_222 = arith.addi %mul3A_0, %add3A_174 : i32
      %add3A_223 = vector.broadcast %add3A_222 : i32 to vector<16xi32>
      %add3A_224 = arith.addi %iota3A, %add3A_223 : vector<16xi32>
      %gt3A_225 = arith.constant 5.000000e-01 : f32
      %gt3A_226 = vector.broadcast %gt3A_225 : f32 to vector<16xf32>
      %gt3A_227 = arith.cmpf ogt, %div3A_221, %gt3A_226 : vector<16xf32>
      %eq3A_228 = arith.cmpi eq, %add3A_224, %broadcast_in_dim3A_21 : vector<16xi32>
      %or3A_229 = arith.ori %gt3A_227, %eq3A_228 : vector<16xi1>
      %jit3A_230 = arith.constant -1.000000e+00 : f32
      %broadcast_in_dim3A_231 = vector.broadcast %jit3A_230 : f32 to vector<16xf32>
      %select_n3A_232 = arith.select %or3A_229, %broadcast_in_dim3A_231, %get3A_177 : vector<16xi1>, vector<16xf32>
      %swap3A_233 = arith.index_cast %add3A_174 : i32 to index
      %swap3A_234 = tpu.vector_load %arg4[%swap3A_233] {strides = array<i32>} : memref<10240xf32, #tpu.memory_space<vmem>>, vector<16xf32>,
      %swap3A_235 = vector.shape_cast %swap3A_234 : vector<16xf32> to vector<16xf32>
      %swap3A_236 = vector.shape_cast %select_n3A_232 : vector<16xf32> to vector<16xf32>
      tpu.vector_store %arg4[%swap3A_233], %swap3A_236 {strides = array<i32>} : memref<10240xf32, #tpu.memory_space<vmem>>, vector<16xf32>,
      %gt3A_237 = arith.cmpf ogt, %select_n3A_232, %select_n3A_169 : vector<16xf32>
      %select_n3A_238 = arith.select %gt3A_237, %select_n3A_232, %select_n3A_169 : vector<16xi1>, vector<16xf32>
      %select_n3A_239 = arith.select %gt3A_237, %add3A_224, %select_n3A_170 : vector<16xi1>, vector<16xi32>
      %mul3A_240 = arith.constant 128 : i32
      %mul3A_241 = arith.muli %scan3A_41, %mul3A_240 : i32
      %add3A_242 = arith.constant 48 : i32
      %add3A_243 = arith.addi %mul3A_241, %add3A_242 : i32
      %get3A_244 = arith.index_cast %add3A_243 : i32 to index
      %get3A_245 = tpu.vector_load %arg4[%get3A_244] {strides = array<i32>} : memref<10240xf32, #tpu.memory_space<vmem>>, vector<16xf32>,
      %get3A_246 = vector.shape_cast %get3A_245 : vector<16xf32> to vector<16xf32>
      %add3A_247 = arith.constant 1280 : i32
      %add3A_248 = arith.addi %add3A_247, %add3A_243 : i32
      %get3A_249 = arith.index_cast %add3A_248 : i32 to index
      %get3A_250 = tpu.vector_load %arg4[%get3A_249] {strides = array<i32>} : memref<10240xf32, #tpu.memory_space<vmem>>, vector<16xf32>,
      %get3A_251 = vector.shape_cast %get3A_250 : vector<16xf32> to vector<16xf32>
      %max3A_252 = arith.maximumf %broadcast_in_dim3A_8, %get3A_251 : vector<16xf32>
      %add3A_253 = arith.constant 2560 : i32
      %add3A_254 = arith.addi %add3A_253, %add3A_243 : i32
      %get3A_255 = arith.index_cast %add3A_254 : i32 to index
      %get3A_256 = tpu.vector_load %arg4[%get3A_255] {strides = array<i32>} : memref<10240xf32, #tpu.memory_space<vmem>>, vector<16xf32>,
      %get3A_257 = vector.shape_cast %get3A_256 : vector<16xf32> to vector<16xf32>
      %max3A_258 = arith.maximumf %broadcast_in_dim3A_10, %get3A_257 : vector<16xf32>
      %add3A_259 = arith.constant 3840 : i32
      %add3A_260 = arith.addi %add3A_259, %add3A_243 : i32
      %get3A_261 = arith.index_cast %add3A_260 : i32 to index
      %get3A_262 = tpu.vector_load %arg4[%get3A_261] {strides = array<i32>} : memref<10240xf32, #tpu.memory_space<vmem>>, vector<16xf32>,
      %get3A_263 = vector.shape_cast %get3A_262 : vector<16xf32> to vector<16xf32>
      %min3A_264 = arith.minimumf %broadcast_in_dim3A_13, %get3A_263 : vector<16xf32>
      %add3A_265 = arith.constant 5120 : i32
      %add3A_266 = arith.addi %add3A_265, %add3A_243 : i32
      %get3A_267 = arith.index_cast %add3A_266 : i32 to index
      %get3A_268 = tpu.vector_load %arg4[%get3A_267] {strides = array<i32>} : memref<10240xf32, #tpu.memory_space<vmem>>, vector<16xf32>,
      %get3A_269 = vector.shape_cast %get3A_268 : vector<16xf32> to vector<16xf32>
      %min3A_270 = arith.minimumf %broadcast_in_dim3A_17, %get3A_269 : vector<16xf32>
      %sub3A_271 = arith.subf %min3A_264, %max3A_252 : vector<16xf32>
      %max3A_272 = arith.constant 0.000000e+00 : f32
      %max3A_273 = vector.broadcast %max3A_272 : f32 to vector<16xf32>
      %max3A_274 = arith.maximumf %sub3A_271, %max3A_273 : vector<16xf32>
      %sub3A_275 = arith.subf %min3A_270, %max3A_258 : vector<16xf32>
      %max3A_276 = arith.constant 0.000000e+00 : f32
      %max3A_277 = vector.broadcast %max3A_276 : f32 to vector<16xf32>
      %max3A_278 = arith.maximumf %sub3A_275, %max3A_277 : vector<16xf32>
      %mul3A_279 = arith.mulf %max3A_274, %max3A_278 : vector<16xf32>
      %add3A_280 = arith.constant 6400 : i32
      %add3A_281 = arith.addi %add3A_280, %add3A_243 : i32
      %get3A_282 = arith.index_cast %add3A_281 : i32 to index
      %get3A_283 = tpu.vector_load %arg4[%get3A_282] {strides = array<i32>} : memref<10240xf32, #tpu.memory_space<vmem>>, vector<16xf32>,
      %get3A_284 = vector.shape_cast %get3A_283 : vector<16xf32> to vector<16xf32>
      %add3A_285 = arith.addf %broadcast_in_dim3A_19, %get3A_284 : vector<16xf32>
      %sub3A_286 = arith.subf %add3A_285, %mul3A_279 : vector<16xf32>
      %add3A_287 = arith.constant 9.99999971E-10 : f32
      %add3A_288 = vector.broadcast %add3A_287 : f32 to vector<16xf32>
      %add3A_289 = arith.addf %sub3A_286, %add3A_288 : vector<16xf32>
      %div3A_290 = arith.divf %mul3A_279, %add3A_289 : vector<16xf32>
      %add3A_291 = arith.addi %mul3A_0, %add3A_243 : i32
      %add3A_292 = vector.broadcast %add3A_291 : i32 to vector<16xi32>
      %add3A_293 = arith.addi %iota3A, %add3A_292 : vector<16xi32>
      %gt3A_294 = arith.constant 5.000000e-01 : f32
      %gt3A_295 = vector.broadcast %gt3A_294 : f32 to vector<16xf32>
      %gt3A_296 = arith.cmpf ogt, %div3A_290, %gt3A_295 : vector<16xf32>
      %eq3A_297 = arith.cmpi eq, %add3A_293, %broadcast_in_dim3A_21 : vector<16xi32>
      %or3A_298 = arith.ori %gt3A_296, %eq3A_297 : vector<16xi1>
      %jit3A_299 = arith.constant -1.000000e+00 : f32
      %broadcast_in_dim3A_300 = vector.broadcast %jit3A_299 : f32 to vector<16xf32>
      %select_n3A_301 = arith.select %or3A_298, %broadcast_in_dim3A_300, %get3A_246 : vector<16xi1>, vector<16xf32>
      %swap3A_302 = arith.index_cast %add3A_243 : i32 to index
      %swap3A_303 = tpu.vector_load %arg4[%swap3A_302] {strides = array<i32>} : memref<10240xf32, #tpu.memory_space<vmem>>, vector<16xf32>,
      %swap3A_304 = vector.shape_cast %swap3A_303 : vector<16xf32> to vector<16xf32>
      %swap3A_305 = vector.shape_cast %select_n3A_301 : vector<16xf32> to vector<16xf32>
      tpu.vector_store %arg4[%swap3A_302], %swap3A_305 {strides = array<i32>} : memref<10240xf32, #tpu.memory_space<vmem>>, vector<16xf32>,
      %gt3A_306 = arith.cmpf ogt, %select_n3A_301, %select_n3A_238 : vector<16xf32>
      %select_n3A_307 = arith.select %gt3A_306, %select_n3A_301, %select_n3A_238 : vector<16xi1>, vector<16xf32>
      %select_n3A_308 = arith.select %gt3A_306, %add3A_293, %select_n3A_239 : vector<16xi1>, vector<16xi32>
      %mul3A_309 = arith.constant 128 : i32
      %mul3A_310 = arith.muli %scan3A_41, %mul3A_309 : i32
      %add3A_311 = arith.constant 64 : i32
      %add3A_312 = arith.addi %mul3A_310, %add3A_311 : i32
      %get3A_313 = arith.index_cast %add3A_312 : i32 to index
      %get3A_314 = tpu.vector_load %arg4[%get3A_313] {strides = array<i32>} : memref<10240xf32, #tpu.memory_space<vmem>>, vector<16xf32>,
      %get3A_315 = vector.shape_cast %get3A_314 : vector<16xf32> to vector<16xf32>
      %add3A_316 = arith.constant 1280 : i32
      %add3A_317 = arith.addi %add3A_316, %add3A_312 : i32
      %get3A_318 = arith.index_cast %add3A_317 : i32 to index
      %get3A_319 = tpu.vector_load %arg4[%get3A_318] {strides = array<i32>} : memref<10240xf32, #tpu.memory_space<vmem>>, vector<16xf32>,
      %get3A_320 = vector.shape_cast %get3A_319 : vector<16xf32> to vector<16xf32>
      %max3A_321 = arith.maximumf %broadcast_in_dim3A_8, %get3A_320 : vector<16xf32>
      %add3A_322 = arith.constant 2560 : i32
      %add3A_323 = arith.addi %add3A_322, %add3A_312 : i32
      %get3A_324 = arith.index_cast %add3A_323 : i32 to index
      %get3A_325 = tpu.vector_load %arg4[%get3A_324] {strides = array<i32>} : memref<10240xf32, #tpu.memory_space<vmem>>, vector<16xf32>,
      %get3A_326 = vector.shape_cast %get3A_325 : vector<16xf32> to vector<16xf32>
      %max3A_327 = arith.maximumf %broadcast_in_dim3A_10, %get3A_326 : vector<16xf32>
      %add3A_328 = arith.constant 3840 : i32
      %add3A_329 = arith.addi %add3A_328, %add3A_312 : i32
      %get3A_330 = arith.index_cast %add3A_329 : i32 to index
      %get3A_331 = tpu.vector_load %arg4[%get3A_330] {strides = array<i32>} : memref<10240xf32, #tpu.memory_space<vmem>>, vector<16xf32>,
      %get3A_332 = vector.shape_cast %get3A_331 : vector<16xf32> to vector<16xf32>
      %min3A_333 = arith.minimumf %broadcast_in_dim3A_13, %get3A_332 : vector<16xf32>
      %add3A_334 = arith.constant 5120 : i32
      %add3A_335 = arith.addi %add3A_334, %add3A_312 : i32
      %get3A_336 = arith.index_cast %add3A_335 : i32 to index
      %get3A_337 = tpu.vector_load %arg4[%get3A_336] {strides = array<i32>} : memref<10240xf32, #tpu.memory_space<vmem>>, vector<16xf32>,
      %get3A_338 = vector.shape_cast %get3A_337 : vector<16xf32> to vector<16xf32>
      %min3A_339 = arith.minimumf %broadcast_in_dim3A_17, %get3A_338 : vector<16xf32>
      %sub3A_340 = arith.subf %min3A_333, %max3A_321 : vector<16xf32>
      %max3A_341 = arith.constant 0.000000e+00 : f32
      %max3A_342 = vector.broadcast %max3A_341 : f32 to vector<16xf32>
      %max3A_343 = arith.maximumf %sub3A_340, %max3A_342 : vector<16xf32>
      %sub3A_344 = arith.subf %min3A_339, %max3A_327 : vector<16xf32>
      %max3A_345 = arith.constant 0.000000e+00 : f32
      %max3A_346 = vector.broadcast %max3A_345 : f32 to vector<16xf32>
      %max3A_347 = arith.maximumf %sub3A_344, %max3A_346 : vector<16xf32>
      %mul3A_348 = arith.mulf %max3A_343, %max3A_347 : vector<16xf32>
      %add3A_349 = arith.constant 6400 : i32
      %add3A_350 = arith.addi %add3A_349, %add3A_312 : i32
      %get3A_351 = arith.index_cast %add3A_350 : i32 to index
      %get3A_352 = tpu.vector_load %arg4[%get3A_351] {strides = array<i32>} : memref<10240xf32, #tpu.memory_space<vmem>>, vector<16xf32>,
      %get3A_353 = vector.shape_cast %get3A_352 : vector<16xf32> to vector<16xf32>
      %add3A_354 = arith.addf %broadcast_in_dim3A_19, %get3A_353 : vector<16xf32>
      %sub3A_355 = arith.subf %add3A_354, %mul3A_348 : vector<16xf32>
      %add3A_356 = arith.constant 9.99999971E-10 : f32
      %add3A_357 = vector.broadcast %add3A_356 : f32 to vector<16xf32>
      %add3A_358 = arith.addf %sub3A_355, %add3A_357 : vector<16xf32>
      %div3A_359 = arith.divf %mul3A_348, %add3A_358 : vector<16xf32>
      %add3A_360 = arith.addi %mul3A_0, %add3A_312 : i32
      %add3A_361 = vector.broadcast %add3A_360 : i32 to vector<16xi32>
      %add3A_362 = arith.addi %iota3A, %add3A_361 : vector<16xi32>
      %gt3A_363 = arith.constant 5.000000e-01 : f32
      %gt3A_364 = vector.broadcast %gt3A_363 : f32 to vector<16xf32>
      %gt3A_365 = arith.cmpf ogt, %div3A_359, %gt3A_364 : vector<16xf32>
      %eq3A_366 = arith.cmpi eq, %add3A_362, %broadcast_in_dim3A_21 : vector<16xi32>
      %or3A_367 = arith.ori %gt3A_365, %eq3A_366 : vector<16xi1>
      %jit3A_368 = arith.constant -1.000000e+00 : f32
      %broadcast_in_dim3A_369 = vector.broadcast %jit3A_368 : f32 to vector<16xf32>
      %select_n3A_370 = arith.select %or3A_367, %broadcast_in_dim3A_369, %get3A_315 : vector<16xi1>, vector<16xf32>
      %swap3A_371 = arith.index_cast %add3A_312 : i32 to index
      %swap3A_372 = tpu.vector_load %arg4[%swap3A_371] {strides = array<i32>} : memref<10240xf32, #tpu.memory_space<vmem>>, vector<16xf32>,
      %swap3A_373 = vector.shape_cast %swap3A_372 : vector<16xf32> to vector<16xf32>
      %swap3A_374 = vector.shape_cast %select_n3A_370 : vector<16xf32> to vector<16xf32>
      tpu.vector_store %arg4[%swap3A_371], %swap3A_374 {strides = array<i32>} : memref<10240xf32, #tpu.memory_space<vmem>>, vector<16xf32>,
      %gt3A_375 = arith.cmpf ogt, %select_n3A_370, %select_n3A_307 : vector<16xf32>
      %select_n3A_376 = arith.select %gt3A_375, %select_n3A_370, %select_n3A_307 : vector<16xi1>, vector<16xf32>
      %select_n3A_377 = arith.select %gt3A_375, %add3A_362, %select_n3A_308 : vector<16xi1>, vector<16xi32>
      %mul3A_378 = arith.constant 128 : i32
      %mul3A_379 = arith.muli %scan3A_41, %mul3A_378 : i32
      %add3A_380 = arith.constant 80 : i32
      %add3A_381 = arith.addi %mul3A_379, %add3A_380 : i32
      %get3A_382 = arith.index_cast %add3A_381 : i32 to index
      %get3A_383 = tpu.vector_load %arg4[%get3A_382] {strides = array<i32>} : memref<10240xf32, #tpu.memory_space<vmem>>, vector<16xf32>,
      %get3A_384 = vector.shape_cast %get3A_383 : vector<16xf32> to vector<16xf32>
      %add3A_385 = arith.constant 1280 : i32
      %add3A_386 = arith.addi %add3A_385, %add3A_381 : i32
      %get3A_387 = arith.index_cast %add3A_386 : i32 to index
      %get3A_388 = tpu.vector_load %arg4[%get3A_387] {strides = array<i32>} : memref<10240xf32, #tpu.memory_space<vmem>>, vector<16xf32>,
      %get3A_389 = vector.shape_cast %get3A_388 : vector<16xf32> to vector<16xf32>
      %max3A_390 = arith.maximumf %broadcast_in_dim3A_8, %get3A_389 : vector<16xf32>
      %add3A_391 = arith.constant 2560 : i32
      %add3A_392 = arith.addi %add3A_391, %add3A_381 : i32
      %get3A_393 = arith.index_cast %add3A_392 : i32 to index
      %get3A_394 = tpu.vector_load %arg4[%get3A_393] {strides = array<i32>} : memref<10240xf32, #tpu.memory_space<vmem>>, vector<16xf32>,
      %get3A_395 = vector.shape_cast %get3A_394 : vector<16xf32> to vector<16xf32>
      %max3A_396 = arith.maximumf %broadcast_in_dim3A_10, %get3A_395 : vector<16xf32>
      %add3A_397 = arith.constant 3840 : i32
      %add3A_398 = arith.addi %add3A_397, %add3A_381 : i32
      %get3A_399 = arith.index_cast %add3A_398 : i32 to index
      %get3A_400 = tpu.vector_load %arg4[%get3A_399] {strides = array<i32>} : memref<10240xf32, #tpu.memory_space<vmem>>, vector<16xf32>,
      %get3A_401 = vector.shape_cast %get3A_400 : vector<16xf32> to vector<16xf32>
      %min3A_402 = arith.minimumf %broadcast_in_dim3A_13, %get3A_401 : vector<16xf32>
      %add3A_403 = arith.constant 5120 : i32
      %add3A_404 = arith.addi %add3A_403, %add3A_381 : i32
      %get3A_405 = arith.index_cast %add3A_404 : i32 to index
      %get3A_406 = tpu.vector_load %arg4[%get3A_405] {strides = array<i32>} : memref<10240xf32, #tpu.memory_space<vmem>>, vector<16xf32>,
      %get3A_407 = vector.shape_cast %get3A_406 : vector<16xf32> to vector<16xf32>
      %min3A_408 = arith.minimumf %broadcast_in_dim3A_17, %get3A_407 : vector<16xf32>
      %sub3A_409 = arith.subf %min3A_402, %max3A_390 : vector<16xf32>
      %max3A_410 = arith.constant 0.000000e+00 : f32
      %max3A_411 = vector.broadcast %max3A_410 : f32 to vector<16xf32>
      %max3A_412 = arith.maximumf %sub3A_409, %max3A_411 : vector<16xf32>
      %sub3A_413 = arith.subf %min3A_408, %max3A_396 : vector<16xf32>
      %max3A_414 = arith.constant 0.000000e+00 : f32
      %max3A_415 = vector.broadcast %max3A_414 : f32 to vector<16xf32>
      %max3A_416 = arith.maximumf %sub3A_413, %max3A_415 : vector<16xf32>
      %mul3A_417 = arith.mulf %max3A_412, %max3A_416 : vector<16xf32>
      %add3A_418 = arith.constant 6400 : i32
      %add3A_419 = arith.addi %add3A_418, %add3A_381 : i32
      %get3A_420 = arith.index_cast %add3A_419 : i32 to index
      %get3A_421 = tpu.vector_load %arg4[%get3A_420] {strides = array<i32>} : memref<10240xf32, #tpu.memory_space<vmem>>, vector<16xf32>,
      %get3A_422 = vector.shape_cast %get3A_421 : vector<16xf32> to vector<16xf32>
      %add3A_423 = arith.addf %broadcast_in_dim3A_19, %get3A_422 : vector<16xf32>
      %sub3A_424 = arith.subf %add3A_423, %mul3A_417 : vector<16xf32>
      %add3A_425 = arith.constant 9.99999971E-10 : f32
      %add3A_426 = vector.broadcast %add3A_425 : f32 to vector<16xf32>
      %add3A_427 = arith.addf %sub3A_424, %add3A_426 : vector<16xf32>
      %div3A_428 = arith.divf %mul3A_417, %add3A_427 : vector<16xf32>
      %add3A_429 = arith.addi %mul3A_0, %add3A_381 : i32
      %add3A_430 = vector.broadcast %add3A_429 : i32 to vector<16xi32>
      %add3A_431 = arith.addi %iota3A, %add3A_430 : vector<16xi32>
      %gt3A_432 = arith.constant 5.000000e-01 : f32
      %gt3A_433 = vector.broadcast %gt3A_432 : f32 to vector<16xf32>
      %gt3A_434 = arith.cmpf ogt, %div3A_428, %gt3A_433 : vector<16xf32>
      %eq3A_435 = arith.cmpi eq, %add3A_431, %broadcast_in_dim3A_21 : vector<16xi32>
      %or3A_436 = arith.ori %gt3A_434, %eq3A_435 : vector<16xi1>
      %jit3A_437 = arith.constant -1.000000e+00 : f32
      %broadcast_in_dim3A_438 = vector.broadcast %jit3A_437 : f32 to vector<16xf32>
      %select_n3A_439 = arith.select %or3A_436, %broadcast_in_dim3A_438, %get3A_384 : vector<16xi1>, vector<16xf32>
      %swap3A_440 = arith.index_cast %add3A_381 : i32 to index
      %swap3A_441 = tpu.vector_load %arg4[%swap3A_440] {strides = array<i32>} : memref<10240xf32, #tpu.memory_space<vmem>>, vector<16xf32>,
      %swap3A_442 = vector.shape_cast %swap3A_441 : vector<16xf32> to vector<16xf32>
      %swap3A_443 = vector.shape_cast %select_n3A_439 : vector<16xf32> to vector<16xf32>
      tpu.vector_store %arg4[%swap3A_440], %swap3A_443 {strides = array<i32>} : memref<10240xf32, #tpu.memory_space<vmem>>, vector<16xf32>,
      %gt3A_444 = arith.cmpf ogt, %select_n3A_439, %select_n3A_376 : vector<16xf32>
      %select_n3A_445 = arith.select %gt3A_444, %select_n3A_439, %select_n3A_376 : vector<16xi1>, vector<16xf32>
      %select_n3A_446 = arith.select %gt3A_444, %add3A_431, %select_n3A_377 : vector<16xi1>, vector<16xi32>
      %mul3A_447 = arith.constant 128 : i32
      %mul3A_448 = arith.muli %scan3A_41, %mul3A_447 : i32
      %add3A_449 = arith.constant 96 : i32
      %add3A_450 = arith.addi %mul3A_448, %add3A_449 : i32
      %get3A_451 = arith.index_cast %add3A_450 : i32 to index
      %get3A_452 = tpu.vector_load %arg4[%get3A_451] {strides = array<i32>} : memref<10240xf32, #tpu.memory_space<vmem>>, vector<16xf32>,
      %get3A_453 = vector.shape_cast %get3A_452 : vector<16xf32> to vector<16xf32>
      %add3A_454 = arith.constant 1280 : i32
      %add3A_455 = arith.addi %add3A_454, %add3A_450 : i32
      %get3A_456 = arith.index_cast %add3A_455 : i32 to index
      %get3A_457 = tpu.vector_load %arg4[%get3A_456] {strides = array<i32>} : memref<10240xf32, #tpu.memory_space<vmem>>, vector<16xf32>,
      %get3A_458 = vector.shape_cast %get3A_457 : vector<16xf32> to vector<16xf32>
      %max3A_459 = arith.maximumf %broadcast_in_dim3A_8, %get3A_458 : vector<16xf32>
      %add3A_460 = arith.constant 2560 : i32
      %add3A_461 = arith.addi %add3A_460, %add3A_450 : i32
      %get3A_462 = arith.index_cast %add3A_461 : i32 to index
      %get3A_463 = tpu.vector_load %arg4[%get3A_462] {strides = array<i32>} : memref<10240xf32, #tpu.memory_space<vmem>>, vector<16xf32>,
      %get3A_464 = vector.shape_cast %get3A_463 : vector<16xf32> to vector<16xf32>
      %max3A_465 = arith.maximumf %broadcast_in_dim3A_10, %get3A_464 : vector<16xf32>
      %add3A_466 = arith.constant 3840 : i32
      %add3A_467 = arith.addi %add3A_466, %add3A_450 : i32
      %get3A_468 = arith.index_cast %add3A_467 : i32 to index
      %get3A_469 = tpu.vector_load %arg4[%get3A_468] {strides = array<i32>} : memref<10240xf32, #tpu.memory_space<vmem>>, vector<16xf32>,
      %get3A_470 = vector.shape_cast %get3A_469 : vector<16xf32> to vector<16xf32>
      %min3A_471 = arith.minimumf %broadcast_in_dim3A_13, %get3A_470 : vector<16xf32>
      %add3A_472 = arith.constant 5120 : i32
      %add3A_473 = arith.addi %add3A_472, %add3A_450 : i32
      %get3A_474 = arith.index_cast %add3A_473 : i32 to index
      %get3A_475 = tpu.vector_load %arg4[%get3A_474] {strides = array<i32>} : memref<10240xf32, #tpu.memory_space<vmem>>, vector<16xf32>,
      %get3A_476 = vector.shape_cast %get3A_475 : vector<16xf32> to vector<16xf32>
      %min3A_477 = arith.minimumf %broadcast_in_dim3A_17, %get3A_476 : vector<16xf32>
      %sub3A_478 = arith.subf %min3A_471, %max3A_459 : vector<16xf32>
      %max3A_479 = arith.constant 0.000000e+00 : f32
      %max3A_480 = vector.broadcast %max3A_479 : f32 to vector<16xf32>
      %max3A_481 = arith.maximumf %sub3A_478, %max3A_480 : vector<16xf32>
      %sub3A_482 = arith.subf %min3A_477, %max3A_465 : vector<16xf32>
      %max3A_483 = arith.constant 0.000000e+00 : f32
      %max3A_484 = vector.broadcast %max3A_483 : f32 to vector<16xf32>
      %max3A_485 = arith.maximumf %sub3A_482, %max3A_484 : vector<16xf32>
      %mul3A_486 = arith.mulf %max3A_481, %max3A_485 : vector<16xf32>
      %add3A_487 = arith.constant 6400 : i32
      %add3A_488 = arith.addi %add3A_487, %add3A_450 : i32
      %get3A_489 = arith.index_cast %add3A_488 : i32 to index
      %get3A_490 = tpu.vector_load %arg4[%get3A_489] {strides = array<i32>} : memref<10240xf32, #tpu.memory_space<vmem>>, vector<16xf32>,
      %get3A_491 = vector.shape_cast %get3A_490 : vector<16xf32> to vector<16xf32>
      %add3A_492 = arith.addf %broadcast_in_dim3A_19, %get3A_491 : vector<16xf32>
      %sub3A_493 = arith.subf %add3A_492, %mul3A_486 : vector<16xf32>
      %add3A_494 = arith.constant 9.99999971E-10 : f32
      %add3A_495 = vector.broadcast %add3A_494 : f32 to vector<16xf32>
      %add3A_496 = arith.addf %sub3A_493, %add3A_495 : vector<16xf32>
      %div3A_497 = arith.divf %mul3A_486, %add3A_496 : vector<16xf32>
      %add3A_498 = arith.addi %mul3A_0, %add3A_450 : i32
      %add3A_499 = vector.broadcast %add3A_498 : i32 to vector<16xi32>
      %add3A_500 = arith.addi %iota3A, %add3A_499 : vector<16xi32>
      %gt3A_501 = arith.constant 5.000000e-01 : f32
      %gt3A_502 = vector.broadcast %gt3A_501 : f32 to vector<16xf32>
      %gt3A_503 = arith.cmpf ogt, %div3A_497, %gt3A_502 : vector<16xf32>
      %eq3A_504 = arith.cmpi eq, %add3A_500, %broadcast_in_dim3A_21 : vector<16xi32>
      %or3A_505 = arith.ori %gt3A_503, %eq3A_504 : vector<16xi1>
      %jit3A_506 = arith.constant -1.000000e+00 : f32
      %broadcast_in_dim3A_507 = vector.broadcast %jit3A_506 : f32 to vector<16xf32>
      %select_n3A_508 = arith.select %or3A_505, %broadcast_in_dim3A_507, %get3A_453 : vector<16xi1>, vector<16xf32>
      %swap3A_509 = arith.index_cast %add3A_450 : i32 to index
      %swap3A_510 = tpu.vector_load %arg4[%swap3A_509] {strides = array<i32>} : memref<10240xf32, #tpu.memory_space<vmem>>, vector<16xf32>,
      %swap3A_511 = vector.shape_cast %swap3A_510 : vector<16xf32> to vector<16xf32>
      %swap3A_512 = vector.shape_cast %select_n3A_508 : vector<16xf32> to vector<16xf32>
      tpu.vector_store %arg4[%swap3A_509], %swap3A_512 {strides = array<i32>} : memref<10240xf32, #tpu.memory_space<vmem>>, vector<16xf32>,
      %gt3A_513 = arith.cmpf ogt, %select_n3A_508, %select_n3A_445 : vector<16xf32>
      %select_n3A_514 = arith.select %gt3A_513, %select_n3A_508, %select_n3A_445 : vector<16xi1>, vector<16xf32>
      %select_n3A_515 = arith.select %gt3A_513, %add3A_500, %select_n3A_446 : vector<16xi1>, vector<16xi32>
      %mul3A_516 = arith.constant 128 : i32
      %mul3A_517 = arith.muli %scan3A_41, %mul3A_516 : i32
      %add3A_518 = arith.constant 112 : i32
      %add3A_519 = arith.addi %mul3A_517, %add3A_518 : i32
      %get3A_520 = arith.index_cast %add3A_519 : i32 to index
      %get3A_521 = tpu.vector_load %arg4[%get3A_520] {strides = array<i32>} : memref<10240xf32, #tpu.memory_space<vmem>>, vector<16xf32>,
      %get3A_522 = vector.shape_cast %get3A_521 : vector<16xf32> to vector<16xf32>
      %add3A_523 = arith.constant 1280 : i32
      %add3A_524 = arith.addi %add3A_523, %add3A_519 : i32
      %get3A_525 = arith.index_cast %add3A_524 : i32 to index
      %get3A_526 = tpu.vector_load %arg4[%get3A_525] {strides = array<i32>} : memref<10240xf32, #tpu.memory_space<vmem>>, vector<16xf32>,
      %get3A_527 = vector.shape_cast %get3A_526 : vector<16xf32> to vector<16xf32>
      %max3A_528 = arith.maximumf %broadcast_in_dim3A_8, %get3A_527 : vector<16xf32>
      %add3A_529 = arith.constant 2560 : i32
      %add3A_530 = arith.addi %add3A_529, %add3A_519 : i32
      %get3A_531 = arith.index_cast %add3A_530 : i32 to index
      %get3A_532 = tpu.vector_load %arg4[%get3A_531] {strides = array<i32>} : memref<10240xf32, #tpu.memory_space<vmem>>, vector<16xf32>,
      %get3A_533 = vector.shape_cast %get3A_532 : vector<16xf32> to vector<16xf32>
      %max3A_534 = arith.maximumf %broadcast_in_dim3A_10, %get3A_533 : vector<16xf32>
      %add3A_535 = arith.constant 3840 : i32
      %add3A_536 = arith.addi %add3A_535, %add3A_519 : i32
      %get3A_537 = arith.index_cast %add3A_536 : i32 to index
      %get3A_538 = tpu.vector_load %arg4[%get3A_537] {strides = array<i32>} : memref<10240xf32, #tpu.memory_space<vmem>>, vector<16xf32>,
      %get3A_539 = vector.shape_cast %get3A_538 : vector<16xf32> to vector<16xf32>
      %min3A_540 = arith.minimumf %broadcast_in_dim3A_13, %get3A_539 : vector<16xf32>
      %add3A_541 = arith.constant 5120 : i32
      %add3A_542 = arith.addi %add3A_541, %add3A_519 : i32
      %get3A_543 = arith.index_cast %add3A_542 : i32 to index
      %get3A_544 = tpu.vector_load %arg4[%get3A_543] {strides = array<i32>} : memref<10240xf32, #tpu.memory_space<vmem>>, vector<16xf32>,
      %get3A_545 = vector.shape_cast %get3A_544 : vector<16xf32> to vector<16xf32>
      %min3A_546 = arith.minimumf %broadcast_in_dim3A_17, %get3A_545 : vector<16xf32>
      %sub3A_547 = arith.subf %min3A_540, %max3A_528 : vector<16xf32>
      %max3A_548 = arith.constant 0.000000e+00 : f32
      %max3A_549 = vector.broadcast %max3A_548 : f32 to vector<16xf32>
      %max3A_550 = arith.maximumf %sub3A_547, %max3A_549 : vector<16xf32>
      %sub3A_551 = arith.subf %min3A_546, %max3A_534 : vector<16xf32>
      %max3A_552 = arith.constant 0.000000e+00 : f32
      %max3A_553 = vector.broadcast %max3A_552 : f32 to vector<16xf32>
      %max3A_554 = arith.maximumf %sub3A_551, %max3A_553 : vector<16xf32>
      %mul3A_555 = arith.mulf %max3A_550, %max3A_554 : vector<16xf32>
      %add3A_556 = arith.constant 6400 : i32
      %add3A_557 = arith.addi %add3A_556, %add3A_519 : i32
      %get3A_558 = arith.index_cast %add3A_557 : i32 to index
      %get3A_559 = tpu.vector_load %arg4[%get3A_558] {strides = array<i32>} : memref<10240xf32, #tpu.memory_space<vmem>>, vector<16xf32>,
      %get3A_560 = vector.shape_cast %get3A_559 : vector<16xf32> to vector<16xf32>
      %add3A_561 = arith.addf %broadcast_in_dim3A_19, %get3A_560 : vector<16xf32>
      %sub3A_562 = arith.subf %add3A_561, %mul3A_555 : vector<16xf32>
      %add3A_563 = arith.constant 9.99999971E-10 : f32
      %add3A_564 = vector.broadcast %add3A_563 : f32 to vector<16xf32>
      %add3A_565 = arith.addf %sub3A_562, %add3A_564 : vector<16xf32>
      %div3A_566 = arith.divf %mul3A_555, %add3A_565 : vector<16xf32>
      %add3A_567 = arith.addi %mul3A_0, %add3A_519 : i32
      %add3A_568 = vector.broadcast %add3A_567 : i32 to vector<16xi32>
      %add3A_569 = arith.addi %iota3A, %add3A_568 : vector<16xi32>
      %gt3A_570 = arith.constant 5.000000e-01 : f32
      %gt3A_571 = vector.broadcast %gt3A_570 : f32 to vector<16xf32>
      %gt3A_572 = arith.cmpf ogt, %div3A_566, %gt3A_571 : vector<16xf32>
      %eq3A_573 = arith.cmpi eq, %add3A_569, %broadcast_in_dim3A_21 : vector<16xi32>
      %or3A_574 = arith.ori %gt3A_572, %eq3A_573 : vector<16xi1>
      %jit3A_575 = arith.constant -1.000000e+00 : f32
      %broadcast_in_dim3A_576 = vector.broadcast %jit3A_575 : f32 to vector<16xf32>
      %select_n3A_577 = arith.select %or3A_574, %broadcast_in_dim3A_576, %get3A_522 : vector<16xi1>, vector<16xf32>
      %swap3A_578 = arith.index_cast %add3A_519 : i32 to index
      %swap3A_579 = tpu.vector_load %arg4[%swap3A_578] {strides = array<i32>} : memref<10240xf32, #tpu.memory_space<vmem>>, vector<16xf32>,
      %swap3A_580 = vector.shape_cast %swap3A_579 : vector<16xf32> to vector<16xf32>
      %swap3A_581 = vector.shape_cast %select_n3A_577 : vector<16xf32> to vector<16xf32>
      tpu.vector_store %arg4[%swap3A_578], %swap3A_581 {strides = array<i32>} : memref<10240xf32, #tpu.memory_space<vmem>>, vector<16xf32>,
      %gt3A_582 = arith.cmpf ogt, %select_n3A_577, %select_n3A_514 : vector<16xf32>
      %select_n3A_583 = arith.select %gt3A_582, %select_n3A_577, %select_n3A_514 : vector<16xi1>, vector<16xf32>
      %select_n3A_584 = arith.select %gt3A_582, %add3A_569, %select_n3A_515 : vector<16xi1>, vector<16xi32>
      scf.yield %select_n3A_583, %select_n3A_584 : vector<16xf32>, vector<16xi32>
    }
    %scan3A_30 = arith.constant 10 : i32
    %scan3A_31 = arith.constant 0 : i32
    %scan3A_32 = arith.constant 100 : i32
    %scan3A_33 = arith.addi %scan3A_31, %scan3A_32 : i32
    %scan3A_34 = arith.constant 1 : i32
    %scan3A_35:2 = scf.for %scan3A_41 = %scan3A_31 to %scan3A_33 step %scan3A_34 iter_args(%scan3A_42 = %scan3A_29#0, %scan3A_43 = %scan3A_29#1) -> (vector<16xf32>, vector<16xi32>)  : i32 {
      %iota3A_44 = tpu.iota {dimensions = array<i32: 0>} : vector<16xi32>
      %xor3A = arith.constant 1 : i32
      %xor3A_45 = vector.broadcast %xor3A : i32 to vector<16xi32>
      %xor3A_46 = arith.xori %iota3A_44, %xor3A_45 : vector<16xi32>
      %lt3A = arith.constant 0 : i32
      %lt3A_47 = vector.broadcast %lt3A : i32 to vector<16xi32>
      %lt3A_48 = arith.cmpi slt, %xor3A_46, %lt3A_47 : vector<16xi32>
      %add3A = arith.constant 16 : i32
      %add3A_49 = vector.broadcast %add3A : i32 to vector<16xi32>
      %add3A_50 = arith.addi %xor3A_46, %add3A_49 : vector<16xi32>
      %select_n3A = arith.select %lt3A_48, %add3A_50, %xor3A_46 : vector<16xi1>, vector<16xi32>
      %reshape3A = vector.shape_cast %select_n3A : vector<16xi32> to vector<16x1xi32>
      %gather3A = vector.shape_cast %reshape3A : vector<16x1xi32> to vector<16xi32>
      %gather3A_51 = tpu.dynamic_gather %scan3A_42[%gather3A] in [0] : vector<16xf32>, vector<16xi32> -> vector<16xf32>
      %max3A = arith.maximumf %scan3A_42, %gather3A_51 : vector<16xf32>
      %xor3A_52 = arith.constant 2 : i32
      %xor3A_53 = vector.broadcast %xor3A_52 : i32 to vector<16xi32>
      %xor3A_54 = arith.xori %iota3A_44, %xor3A_53 : vector<16xi32>
      %lt3A_55 = arith.constant 0 : i32
      %lt3A_56 = vector.broadcast %lt3A_55 : i32 to vector<16xi32>
      %lt3A_57 = arith.cmpi slt, %xor3A_54, %lt3A_56 : vector<16xi32>
      %add3A_58 = arith.constant 16 : i32
      %add3A_59 = vector.broadcast %add3A_58 : i32 to vector<16xi32>
      %add3A_60 = arith.addi %xor3A_54, %add3A_59 : vector<16xi32>
      %select_n3A_61 = arith.select %lt3A_57, %add3A_60, %xor3A_54 : vector<16xi1>, vector<16xi32>
      %reshape3A_62 = vector.shape_cast %select_n3A_61 : vector<16xi32> to vector<16x1xi32>
      %gather3A_63 = vector.shape_cast %reshape3A_62 : vector<16x1xi32> to vector<16xi32>
      %gather3A_64 = tpu.dynamic_gather %max3A[%gather3A_63] in [0] : vector<16xf32>, vector<16xi32> -> vector<16xf32>
      %max3A_65 = arith.maximumf %max3A, %gather3A_64 : vector<16xf32>
      %xor3A_66 = arith.constant 4 : i32
      %xor3A_67 = vector.broadcast %xor3A_66 : i32 to vector<16xi32>
      %xor3A_68 = arith.xori %iota3A_44, %xor3A_67 : vector<16xi32>
      %lt3A_69 = arith.constant 0 : i32
      %lt3A_70 = vector.broadcast %lt3A_69 : i32 to vector<16xi32>
      %lt3A_71 = arith.cmpi slt, %xor3A_68, %lt3A_70 : vector<16xi32>
      %add3A_72 = arith.constant 16 : i32
      %add3A_73 = vector.broadcast %add3A_72 : i32 to vector<16xi32>
      %add3A_74 = arith.addi %xor3A_68, %add3A_73 : vector<16xi32>
      %select_n3A_75 = arith.select %lt3A_71, %add3A_74, %xor3A_68 : vector<16xi1>, vector<16xi32>
      %reshape3A_76 = vector.shape_cast %select_n3A_75 : vector<16xi32> to vector<16x1xi32>
      %gather3A_77 = vector.shape_cast %reshape3A_76 : vector<16x1xi32> to vector<16xi32>
      %gather3A_78 = tpu.dynamic_gather %max3A_65[%gather3A_77] in [0] : vector<16xf32>, vector<16xi32> -> vector<16xf32>
      %max3A_79 = arith.maximumf %max3A_65, %gather3A_78 : vector<16xf32>
      %xor3A_80 = arith.constant 8 : i32
      %xor3A_81 = vector.broadcast %xor3A_80 : i32 to vector<16xi32>
      %xor3A_82 = arith.xori %iota3A_44, %xor3A_81 : vector<16xi32>
      %lt3A_83 = arith.constant 0 : i32
      %lt3A_84 = vector.broadcast %lt3A_83 : i32 to vector<16xi32>
      %lt3A_85 = arith.cmpi slt, %xor3A_82, %lt3A_84 : vector<16xi32>
      %add3A_86 = arith.constant 16 : i32
      %add3A_87 = vector.broadcast %add3A_86 : i32 to vector<16xi32>
      %add3A_88 = arith.addi %xor3A_82, %add3A_87 : vector<16xi32>
      %select_n3A_89 = arith.select %lt3A_85, %add3A_88, %xor3A_82 : vector<16xi1>, vector<16xi32>
      %reshape3A_90 = vector.shape_cast %select_n3A_89 : vector<16xi32> to vector<16x1xi32>
      %gather3A_91 = vector.shape_cast %reshape3A_90 : vector<16x1xi32> to vector<16xi32>
      %gather3A_92 = tpu.dynamic_gather %max3A_79[%gather3A_91] in [0] : vector<16xf32>, vector<16xi32> -> vector<16xf32>
      %max3A_93 = arith.maximumf %max3A_79, %gather3A_92 : vector<16xf32>
      %eq3A_94 = arith.cmpf oeq, %scan3A_42, %max3A_93 : vector<16xf32>
      %jit3A = arith.constant 1073741824 : i32
      %broadcast_in_dim3A_95 = vector.broadcast %jit3A : i32 to vector<16xi32>
      %select_n3A_96 = arith.select %eq3A_94, %scan3A_43, %broadcast_in_dim3A_95 : vector<16xi1>, vector<16xi32>
      %iota3A_97 = tpu.iota {dimensions = array<i32: 0>} : vector<16xi32>
      %xor3A_98 = arith.constant 1 : i32
      %xor3A_99 = vector.broadcast %xor3A_98 : i32 to vector<16xi32>
      %xor3A_100 = arith.xori %iota3A_97, %xor3A_99 : vector<16xi32>
      %lt3A_101 = arith.constant 0 : i32
      %lt3A_102 = vector.broadcast %lt3A_101 : i32 to vector<16xi32>
      %lt3A_103 = arith.cmpi slt, %xor3A_100, %lt3A_102 : vector<16xi32>
      %add3A_104 = arith.constant 16 : i32
      %add3A_105 = vector.broadcast %add3A_104 : i32 to vector<16xi32>
      %add3A_106 = arith.addi %xor3A_100, %add3A_105 : vector<16xi32>
      %select_n3A_107 = arith.select %lt3A_103, %add3A_106, %xor3A_100 : vector<16xi1>, vector<16xi32>
      %reshape3A_108 = vector.shape_cast %select_n3A_107 : vector<16xi32> to vector<16x1xi32>
      %gather3A_109 = vector.shape_cast %reshape3A_108 : vector<16x1xi32> to vector<16xi32>
      %gather3A_110 = tpu.dynamic_gather %select_n3A_96[%gather3A_109] in [0] : vector<16xi32>, vector<16xi32> -> vector<16xi32>
      %min3A = arith.minsi %select_n3A_96, %gather3A_110 : vector<16xi32>
      %xor3A_111 = arith.constant 2 : i32
      %xor3A_112 = vector.broadcast %xor3A_111 : i32 to vector<16xi32>
      %xor3A_113 = arith.xori %iota3A_97, %xor3A_112 : vector<16xi32>
      %lt3A_114 = arith.constant 0 : i32
      %lt3A_115 = vector.broadcast %lt3A_114 : i32 to vector<16xi32>
      %lt3A_116 = arith.cmpi slt, %xor3A_113, %lt3A_115 : vector<16xi32>
      %add3A_117 = arith.constant 16 : i32
      %add3A_118 = vector.broadcast %add3A_117 : i32 to vector<16xi32>
      %add3A_119 = arith.addi %xor3A_113, %add3A_118 : vector<16xi32>
      %select_n3A_120 = arith.select %lt3A_116, %add3A_119, %xor3A_113 : vector<16xi1>, vector<16xi32>
      %reshape3A_121 = vector.shape_cast %select_n3A_120 : vector<16xi32> to vector<16x1xi32>
      %gather3A_122 = vector.shape_cast %reshape3A_121 : vector<16x1xi32> to vector<16xi32>
      %gather3A_123 = tpu.dynamic_gather %min3A[%gather3A_122] in [0] : vector<16xi32>, vector<16xi32> -> vector<16xi32>
      %min3A_124 = arith.minsi %min3A, %gather3A_123 : vector<16xi32>
      %xor3A_125 = arith.constant 4 : i32
      %xor3A_126 = vector.broadcast %xor3A_125 : i32 to vector<16xi32>
      %xor3A_127 = arith.xori %iota3A_97, %xor3A_126 : vector<16xi32>
      %lt3A_128 = arith.constant 0 : i32
      %lt3A_129 = vector.broadcast %lt3A_128 : i32 to vector<16xi32>
      %lt3A_130 = arith.cmpi slt, %xor3A_127, %lt3A_129 : vector<16xi32>
      %add3A_131 = arith.constant 16 : i32
      %add3A_132 = vector.broadcast %add3A_131 : i32 to vector<16xi32>
      %add3A_133 = arith.addi %xor3A_127, %add3A_132 : vector<16xi32>
      %select_n3A_134 = arith.select %lt3A_130, %add3A_133, %xor3A_127 : vector<16xi1>, vector<16xi32>
      %reshape3A_135 = vector.shape_cast %select_n3A_134 : vector<16xi32> to vector<16x1xi32>
      %gather3A_136 = vector.shape_cast %reshape3A_135 : vector<16x1xi32> to vector<16xi32>
      %gather3A_137 = tpu.dynamic_gather %min3A_124[%gather3A_136] in [0] : vector<16xi32>, vector<16xi32> -> vector<16xi32>
      %min3A_138 = arith.minsi %min3A_124, %gather3A_137 : vector<16xi32>
      %xor3A_139 = arith.constant 8 : i32
      %xor3A_140 = vector.broadcast %xor3A_139 : i32 to vector<16xi32>
      %xor3A_141 = arith.xori %iota3A_97, %xor3A_140 : vector<16xi32>
      %lt3A_142 = arith.constant 0 : i32
      %lt3A_143 = vector.broadcast %lt3A_142 : i32 to vector<16xi32>
      %lt3A_144 = arith.cmpi slt, %xor3A_141, %lt3A_143 : vector<16xi32>
      %add3A_145 = arith.constant 16 : i32
      %add3A_146 = vector.broadcast %add3A_145 : i32 to vector<16xi32>
      %add3A_147 = arith.addi %xor3A_141, %add3A_146 : vector<16xi32>
      %select_n3A_148 = arith.select %lt3A_144, %add3A_147, %xor3A_141 : vector<16xi1>, vector<16xi32>
      %reshape3A_149 = vector.shape_cast %select_n3A_148 : vector<16xi32> to vector<16x1xi32>
      %gather3A_150 = vector.shape_cast %reshape3A_149 : vector<16x1xi32> to vector<16xi32>
      %gather3A_151 = tpu.dynamic_gather %min3A_138[%gather3A_150] in [0] : vector<16xi32>, vector<16xi32> -> vector<16xi32>
      %min3A_152 = arith.minsi %min3A_138, %gather3A_151 : vector<16xi32>
      %slice3A = vector.extract_strided_slice %min3A_152 {offsets = [0], sizes = [1], strides = [1]} : vector<16xi32> to vector<1xi32>
      %squeeze3A = vector.extract %slice3A[0] : i32 from vector<1xi32>
      %sub3A = arith.subi %squeeze3A, %mul3A_0 : i32
      %jit3A_153 = arith.constant 16 : i32
      %div3A = arith.divsi %sub3A, %jit3A_153 : i32
      %sign3A = arith.constant 0 : i32
      %sign3A_154 = arith.cmpi sgt, %sub3A, %sign3A : i32
      %sign3A_155 = arith.extui %sign3A_154 : i1 to i32
      %sign3A_156 = arith.constant 0 : i32
      %sign3A_157 = arith.cmpi slt, %sub3A, %sign3A_156 : i32
      %sign3A_158 = arith.extui %sign3A_157 : i1 to i32
      %sign3A_159 = arith.subi %sign3A_155, %sign3A_158 : i32
      %sign3A_160 = arith.constant 0 : i32
      %sign3A_161 = arith.cmpi sgt, %jit3A_153, %sign3A_160 : i32
      %sign3A_162 = arith.extui %sign3A_161 : i1 to i32
      %sign3A_163 = arith.constant 0 : i32
      %sign3A_164 = arith.cmpi slt, %jit3A_153, %sign3A_163 : i32
      %sign3A_165 = arith.extui %sign3A_164 : i1 to i32
      %sign3A_166 = arith.subi %sign3A_162, %sign3A_165 : i32
      %ne3A = arith.cmpi ne, %sign3A_159, %sign3A_166 : i32
      %rem3A = arith.remsi %sub3A, %jit3A_153 : i32
      %ne3A_167 = arith.constant 0 : i32
      %ne3A_168 = arith.cmpi ne, %rem3A, %ne3A_167 : i32
      %and3A_169 = arith.andi %ne3A, %ne3A_168 : i1
      %sub3A_170 = arith.constant 1 : i32
      %sub3A_171 = arith.subi %div3A, %sub3A_170 : i32
      %select_n3A_172 = arith.select %and3A_169, %sub3A_171, %div3A : i32
      %mul3A_173 = arith.constant 16 : i32
      %mul3A_174 = arith.muli %select_n3A_172, %mul3A_173 : i32
      %mul3A_175 = arith.constant 0 : i32
      %mul3A_176 = vector.broadcast %mul3A_175 : i32 to vector<16xi32>
      %mul3A_177 = arith.muli %iota3A, %mul3A_176 : vector<16xi32>
      %sub3A_178 = arith.subi %sub3A, %mul3A_174 : i32
      %add3A_179 = vector.broadcast %sub3A_178 : i32 to vector<16xi32>
      %add3A_180 = arith.addi %mul3A_177, %add3A_179 : vector<16xi32>
      %broadcast_in_dim3A_181 = arith.constant -1.000000e+00 : f32
      %broadcast_in_dim3A_182 = vector.broadcast %broadcast_in_dim3A_181 : f32 to vector<16xf32>
      %add3A_183 = arith.constant 0 : i32
      %add3A_184 = arith.addi %add3A_183, %mul3A_174 : i32
      %get3A = arith.index_cast %add3A_184 : i32 to index
      %get3A_185 = tpu.vector_load %arg4[%get3A] {strides = array<i32>} : memref<10240xf32, #tpu.memory_space<vmem>>, vector<16xf32>,
      %get3A_186 = vector.shape_cast %get3A_185 : vector<16xf32> to vector<16xf32>
      %lt3A_187 = arith.constant 0 : i32
      %lt3A_188 = vector.broadcast %lt3A_187 : i32 to vector<16xi32>
      %lt3A_189 = arith.cmpi slt, %add3A_180, %lt3A_188 : vector<16xi32>
      %add3A_190 = arith.constant 16 : i32
      %add3A_191 = vector.broadcast %add3A_190 : i32 to vector<16xi32>
      %add3A_192 = arith.addi %add3A_180, %add3A_191 : vector<16xi32>
      %select_n3A_193 = arith.select %lt3A_189, %add3A_192, %add3A_180 : vector<16xi1>, vector<16xi32>
      %reshape3A_194 = vector.shape_cast %select_n3A_193 : vector<16xi32> to vector<16x1xi32>
      %gather3A_195 = vector.shape_cast %reshape3A_194 : vector<16x1xi32> to vector<16xi32>
      %gather3A_196 = tpu.dynamic_gather %get3A_186[%gather3A_195] in [0] : vector<16xf32>, vector<16xi32> -> vector<16xf32>
      %eq3A_197 = arith.constant 0 : i32
      %eq3A_198 = vector.broadcast %eq3A_197 : i32 to vector<16xi32>
      %eq3A_199 = arith.cmpi eq, %iota3A, %eq3A_198 : vector<16xi32>
      %select_n3A_200 = arith.select %eq3A_199, %gather3A_196, %broadcast_in_dim3A_182 : vector<16xi1>, vector<16xf32>
      %add3A_201 = arith.constant 1280 : i32
      %add3A_202 = arith.addi %add3A_201, %mul3A_174 : i32
      %get3A_203 = arith.index_cast %add3A_202 : i32 to index
      %get3A_204 = tpu.vector_load %arg4[%get3A_203] {strides = array<i32>} : memref<10240xf32, #tpu.memory_space<vmem>>, vector<16xf32>,
      %get3A_205 = vector.shape_cast %get3A_204 : vector<16xf32> to vector<16xf32>
      %lt3A_206 = arith.constant 0 : i32
      %lt3A_207 = vector.broadcast %lt3A_206 : i32 to vector<16xi32>
      %lt3A_208 = arith.cmpi slt, %add3A_180, %lt3A_207 : vector<16xi32>
      %add3A_209 = arith.constant 16 : i32
      %add3A_210 = vector.broadcast %add3A_209 : i32 to vector<16xi32>
      %add3A_211 = arith.addi %add3A_180, %add3A_210 : vector<16xi32>
      %select_n3A_212 = arith.select %lt3A_208, %add3A_211, %add3A_180 : vector<16xi1>, vector<16xi32>
      %reshape3A_213 = vector.shape_cast %select_n3A_212 : vector<16xi32> to vector<16x1xi32>
      %gather3A_214 = vector.shape_cast %reshape3A_213 : vector<16x1xi32> to vector<16xi32>
      %gather3A_215 = tpu.dynamic_gather %get3A_205[%gather3A_214] in [0] : vector<16xf32>, vector<16xi32> -> vector<16xf32>
      %eq3A_216 = arith.constant 1 : i32
      %eq3A_217 = vector.broadcast %eq3A_216 : i32 to vector<16xi32>
      %eq3A_218 = arith.cmpi eq, %iota3A, %eq3A_217 : vector<16xi32>
      %select_n3A_219 = arith.select %eq3A_218, %gather3A_215, %select_n3A_200 : vector<16xi1>, vector<16xf32>
      %add3A_220 = arith.constant 2560 : i32
      %add3A_221 = arith.addi %add3A_220, %mul3A_174 : i32
      %get3A_222 = arith.index_cast %add3A_221 : i32 to index
      %get3A_223 = tpu.vector_load %arg4[%get3A_222] {strides = array<i32>} : memref<10240xf32, #tpu.memory_space<vmem>>, vector<16xf32>,
      %get3A_224 = vector.shape_cast %get3A_223 : vector<16xf32> to vector<16xf32>
      %lt3A_225 = arith.constant 0 : i32
      %lt3A_226 = vector.broadcast %lt3A_225 : i32 to vector<16xi32>
      %lt3A_227 = arith.cmpi slt, %add3A_180, %lt3A_226 : vector<16xi32>
      %add3A_228 = arith.constant 16 : i32
      %add3A_229 = vector.broadcast %add3A_228 : i32 to vector<16xi32>
      %add3A_230 = arith.addi %add3A_180, %add3A_229 : vector<16xi32>
      %select_n3A_231 = arith.select %lt3A_227, %add3A_230, %add3A_180 : vector<16xi1>, vector<16xi32>
      %reshape3A_232 = vector.shape_cast %select_n3A_231 : vector<16xi32> to vector<16x1xi32>
      %gather3A_233 = vector.shape_cast %reshape3A_232 : vector<16x1xi32> to vector<16xi32>
      %gather3A_234 = tpu.dynamic_gather %get3A_224[%gather3A_233] in [0] : vector<16xf32>, vector<16xi32> -> vector<16xf32>
      %eq3A_235 = arith.constant 2 : i32
      %eq3A_236 = vector.broadcast %eq3A_235 : i32 to vector<16xi32>
      %eq3A_237 = arith.cmpi eq, %iota3A, %eq3A_236 : vector<16xi32>
      %select_n3A_238 = arith.select %eq3A_237, %gather3A_234, %select_n3A_219 : vector<16xi1>, vector<16xf32>
      %add3A_239 = arith.constant 3840 : i32
      %add3A_240 = arith.addi %add3A_239, %mul3A_174 : i32
      %get3A_241 = arith.index_cast %add3A_240 : i32 to index
      %get3A_242 = tpu.vector_load %arg4[%get3A_241] {strides = array<i32>} : memref<10240xf32, #tpu.memory_space<vmem>>, vector<16xf32>,
      %get3A_243 = vector.shape_cast %get3A_242 : vector<16xf32> to vector<16xf32>
      %lt3A_244 = arith.constant 0 : i32
      %lt3A_245 = vector.broadcast %lt3A_244 : i32 to vector<16xi32>
      %lt3A_246 = arith.cmpi slt, %add3A_180, %lt3A_245 : vector<16xi32>
      %add3A_247 = arith.constant 16 : i32
      %add3A_248 = vector.broadcast %add3A_247 : i32 to vector<16xi32>
      %add3A_249 = arith.addi %add3A_180, %add3A_248 : vector<16xi32>
      %select_n3A_250 = arith.select %lt3A_246, %add3A_249, %add3A_180 : vector<16xi1>, vector<16xi32>
      %reshape3A_251 = vector.shape_cast %select_n3A_250 : vector<16xi32> to vector<16x1xi32>
      %gather3A_252 = vector.shape_cast %reshape3A_251 : vector<16x1xi32> to vector<16xi32>
      %gather3A_253 = tpu.dynamic_gather %get3A_243[%gather3A_252] in [0] : vector<16xf32>, vector<16xi32> -> vector<16xf32>
      %eq3A_254 = arith.constant 3 : i32
      %eq3A_255 = vector.broadcast %eq3A_254 : i32 to vector<16xi32>
      %eq3A_256 = arith.cmpi eq, %iota3A, %eq3A_255 : vector<16xi32>
      %select_n3A_257 = arith.select %eq3A_256, %gather3A_253, %select_n3A_238 : vector<16xi1>, vector<16xf32>
      %add3A_258 = arith.constant 5120 : i32
      %add3A_259 = arith.addi %add3A_258, %mul3A_174 : i32
      %get3A_260 = arith.index_cast %add3A_259 : i32 to index
      %get3A_261 = tpu.vector_load %arg4[%get3A_260] {strides = array<i32>} : memref<10240xf32, #tpu.memory_space<vmem>>, vector<16xf32>,
      %get3A_262 = vector.shape_cast %get3A_261 : vector<16xf32> to vector<16xf32>
      %lt3A_263 = arith.constant 0 : i32
      %lt3A_264 = vector.broadcast %lt3A_263 : i32 to vector<16xi32>
      %lt3A_265 = arith.cmpi slt, %add3A_180, %lt3A_264 : vector<16xi32>
      %add3A_266 = arith.constant 16 : i32
      %add3A_267 = vector.broadcast %add3A_266 : i32 to vector<16xi32>
      %add3A_268 = arith.addi %add3A_180, %add3A_267 : vector<16xi32>
      %select_n3A_269 = arith.select %lt3A_265, %add3A_268, %add3A_180 : vector<16xi1>, vector<16xi32>
      %reshape3A_270 = vector.shape_cast %select_n3A_269 : vector<16xi32> to vector<16x1xi32>
      %gather3A_271 = vector.shape_cast %reshape3A_270 : vector<16x1xi32> to vector<16xi32>
      %gather3A_272 = tpu.dynamic_gather %get3A_262[%gather3A_271] in [0] : vector<16xf32>, vector<16xi32> -> vector<16xf32>
      %eq3A_273 = arith.constant 4 : i32
      %eq3A_274 = vector.broadcast %eq3A_273 : i32 to vector<16xi32>
      %eq3A_275 = arith.cmpi eq, %iota3A, %eq3A_274 : vector<16xi32>
      %select_n3A_276 = arith.select %eq3A_275, %gather3A_272, %select_n3A_257 : vector<16xi1>, vector<16xf32>
      %add3A_277 = arith.constant 6400 : i32
      %add3A_278 = arith.addi %add3A_277, %mul3A_174 : i32
      %get3A_279 = arith.index_cast %add3A_278 : i32 to index
      %get3A_280 = tpu.vector_load %arg4[%get3A_279] {strides = array<i32>} : memref<10240xf32, #tpu.memory_space<vmem>>, vector<16xf32>,
      %get3A_281 = vector.shape_cast %get3A_280 : vector<16xf32> to vector<16xf32>
      %lt3A_282 = arith.constant 0 : i32
      %lt3A_283 = vector.broadcast %lt3A_282 : i32 to vector<16xi32>
      %lt3A_284 = arith.cmpi slt, %add3A_180, %lt3A_283 : vector<16xi32>
      %add3A_285 = arith.constant 16 : i32
      %add3A_286 = vector.broadcast %add3A_285 : i32 to vector<16xi32>
      %add3A_287 = arith.addi %add3A_180, %add3A_286 : vector<16xi32>
      %select_n3A_288 = arith.select %lt3A_284, %add3A_287, %add3A_180 : vector<16xi1>, vector<16xi32>
      %reshape3A_289 = vector.shape_cast %select_n3A_288 : vector<16xi32> to vector<16x1xi32>
      %gather3A_290 = vector.shape_cast %reshape3A_289 : vector<16x1xi32> to vector<16xi32>
      %gather3A_291 = tpu.dynamic_gather %get3A_281[%gather3A_290] in [0] : vector<16xf32>, vector<16xi32> -> vector<16xf32>
      %eq3A_292 = arith.constant 5 : i32
      %eq3A_293 = vector.broadcast %eq3A_292 : i32 to vector<16xi32>
      %eq3A_294 = arith.cmpi eq, %iota3A, %eq3A_293 : vector<16xi32>
      %select_n3A_295 = arith.select %eq3A_294, %gather3A_291, %select_n3A_276 : vector<16xi1>, vector<16xf32>
      %add3A_296 = arith.constant 7680 : i32
      %add3A_297 = arith.addi %add3A_296, %mul3A_174 : i32
      %get3A_298 = arith.index_cast %add3A_297 : i32 to index
      %get3A_299 = tpu.vector_load %arg4[%get3A_298] {strides = array<i32>} : memref<10240xf32, #tpu.memory_space<vmem>>, vector<16xf32>,
      %get3A_300 = vector.shape_cast %get3A_299 : vector<16xf32> to vector<16xf32>
      %lt3A_301 = arith.constant 0 : i32
      %lt3A_302 = vector.broadcast %lt3A_301 : i32 to vector<16xi32>
      %lt3A_303 = arith.cmpi slt, %add3A_180, %lt3A_302 : vector<16xi32>
      %add3A_304 = arith.constant 16 : i32
      %add3A_305 = vector.broadcast %add3A_304 : i32 to vector<16xi32>
      %add3A_306 = arith.addi %add3A_180, %add3A_305 : vector<16xi32>
      %select_n3A_307 = arith.select %lt3A_303, %add3A_306, %add3A_180 : vector<16xi1>, vector<16xi32>
      %reshape3A_308 = vector.shape_cast %select_n3A_307 : vector<16xi32> to vector<16x1xi32>
      %gather3A_309 = vector.shape_cast %reshape3A_308 : vector<16x1xi32> to vector<16xi32>
      %gather3A_310 = tpu.dynamic_gather %get3A_300[%gather3A_309] in [0] : vector<16xf32>, vector<16xi32> -> vector<16xf32>
      %eq3A_311 = arith.constant 6 : i32
      %eq3A_312 = vector.broadcast %eq3A_311 : i32 to vector<16xi32>
      %eq3A_313 = arith.cmpi eq, %iota3A, %eq3A_312 : vector<16xi32>
      %select_n3A_314 = arith.select %eq3A_313, %gather3A_310, %select_n3A_295 : vector<16xi1>, vector<16xf32>
      %eq3A_315 = arith.constant 7 : i32
      %eq3A_316 = vector.broadcast %eq3A_315 : i32 to vector<16xi32>
      %eq3A_317 = arith.cmpi eq, %iota3A, %eq3A_316 : vector<16xi32>
      %convert_element_type3A_318 = arith.sitofp %min3A_152 : vector<16xi32> to vector<16xf32>
      %select_n3A_319 = arith.select %eq3A_317, %convert_element_type3A_318, %select_n3A_314 : vector<16xi1>, vector<16xf32>
      %jit3A_320 = arith.constant 2 : i32
      %eq3A_321 = arith.constant 0 : i32
      %eq3A_322 = arith.cmpi eq, %jit3A_320, %eq3A_321 : i32
      %jit3A_323 = arith.constant 1 : i32
      %select_n3A_324 = arith.select %eq3A_322, %jit3A_323, %jit3A_320 : i32
      %rem3A_325 = arith.remsi %scan3A_41, %select_n3A_324 : i32
      %ne3A_326 = arith.constant 0 : i32
      %ne3A_327 = arith.cmpi ne, %rem3A_325, %ne3A_326 : i32
      %lt3A_328 = arith.constant 0 : i32
      %lt3A_329 = arith.cmpi slt, %rem3A_325, %lt3A_328 : i32
      %lt3A_330 = arith.constant 0 : i32
      %lt3A_331 = arith.cmpi slt, %select_n3A_324, %lt3A_330 : i32
      %ne3A_332 = arith.xori %lt3A_329, %lt3A_331 : i1
      %and3A_333 = arith.andi %ne3A_332, %ne3A_327 : i1
      %add3A_334 = arith.addi %rem3A_325, %select_n3A_324 : i32
      %select_n3A_335 = arith.select %and3A_333, %add3A_334, %rem3A_325 : i32
      %mul3A_336 = arith.constant 256 : i32
      %mul3A_337 = arith.muli %select_n3A_335, %mul3A_336 : i32
      %swap3A = arith.constant 0 : index
      %swap3A_338 = tpu.vector_load %arg6[%swap3A] {strides = array<i32>} : memref<16xf32, #tpu.memory_space<vmem>>, vector<16xf32>,
      %swap3A_339 = vector.shape_cast %swap3A_338 : vector<16xf32> to vector<16xf32>
      %swap3A_340 = vector.shape_cast %select_n3A_319 : vector<16xf32> to vector<16xf32>
      tpu.vector_store %arg6[%swap3A], %swap3A_340 {strides = array<i32>} : memref<16xf32, #tpu.memory_space<vmem>>, vector<16xf32>,
      %mul3A_341 = arith.constant 16 : i32
      %mul3A_342 = arith.muli %mul3A_341, %arg1 : i32
      %add3A_343 = arith.addi %mul3A_337, %mul3A_342 : i32
      "tpu.region"() ({
        %run_scoped3A_1398 = tpu.sem_alloc : memref<!tpu.dma_semaphore, #tpu.memory_space<semaphore_mem>>
        %dma_start3A = tpu.memref_slice %arg9[%add3A_343] : memref<512xf32, #tpu.memory_space<vmem_shared>> -> memref<16xf32, #tpu.memory_space<vmem_shared>>
        %dma_start3A_1399 = tpu.memref_slice %arg9[%add3A_343] : memref<512xf32, #tpu.memory_space<vmem_shared>> -> memref<16xf32, #tpu.memory_space<vmem_shared>>
        tpu.enqueue_dma source(%arg6 : memref<16xf32, #tpu.memory_space<vmem>>) target(%dma_start3A_1399 : memref<16xf32, #tpu.memory_space<vmem_shared>>) target_semaphore(%run_scoped3A_1398 : memref<!tpu.dma_semaphore, #tpu.memory_space<semaphore_mem>>)
        %dma_wait3A = tpu.memref_slice %arg9[%add3A_343] : memref<512xf32, #tpu.memory_space<vmem_shared>> -> memref<16xf32, #tpu.memory_space<vmem_shared>>
        %dma_wait3A_1400 = tpu.memref_slice %arg9[%add3A_343] : memref<512xf32, #tpu.memory_space<vmem_shared>> -> memref<16xf32, #tpu.memory_space<vmem_shared>>
        tpu.wait_dma2 semaphore(%run_scoped3A_1398 : memref<!tpu.dma_semaphore, #tpu.memory_space<semaphore_mem>>) src(%arg6 : memref<16xf32, #tpu.memory_space<vmem>>) dst(%dma_wait3A_1400 : memref<16xf32, #tpu.memory_space<vmem_shared>>)
        tpu.yield
      }) : () -> ()
      %barrier3A = arith.constant 0 : index
      tpu.barrier barrier_id(%barrier3A)
      "tpu.region"() ({
        %run_scoped3A_1398 = tpu.sem_alloc : memref<!tpu.dma_semaphore, #tpu.memory_space<semaphore_mem>>
        %dma_start3A = tpu.memref_slice %arg9[%mul3A_337] : memref<512xf32, #tpu.memory_space<vmem_shared>> -> memref<256xf32, #tpu.memory_space<vmem_shared>>
        %dma_start3A_1399 = tpu.memref_slice %arg9[%mul3A_337] : memref<512xf32, #tpu.memory_space<vmem_shared>> -> memref<256xf32, #tpu.memory_space<vmem_shared>>
        tpu.enqueue_dma source(%dma_start3A_1399 : memref<256xf32, #tpu.memory_space<vmem_shared>>) target(%arg7 : memref<256xf32, #tpu.memory_space<vmem>>) target_semaphore(%run_scoped3A_1398 : memref<!tpu.dma_semaphore, #tpu.memory_space<semaphore_mem>>)
        %dma_wait3A = tpu.memref_slice %arg9[%mul3A_337] : memref<512xf32, #tpu.memory_space<vmem_shared>> -> memref<256xf32, #tpu.memory_space<vmem_shared>>
        %dma_wait3A_1400 = tpu.memref_slice %arg9[%mul3A_337] : memref<512xf32, #tpu.memory_space<vmem_shared>> -> memref<256xf32, #tpu.memory_space<vmem_shared>>
        tpu.wait_dma2 semaphore(%run_scoped3A_1398 : memref<!tpu.dma_semaphore, #tpu.memory_space<semaphore_mem>>) src(%dma_wait3A_1400 : memref<256xf32, #tpu.memory_space<vmem_shared>>) dst(%arg7 : memref<256xf32, #tpu.memory_space<vmem>>)
        tpu.yield
      }) : () -> ()
      %broadcast_in_dim3A_344 = arith.constant -3.000000e+00 : f32
      %broadcast_in_dim3A_345 = vector.broadcast %broadcast_in_dim3A_344 : f32 to vector<16xf32>
      %broadcast_in_dim3A_346 = arith.constant 0.000000e+00 : f32
      %broadcast_in_dim3A_347 = vector.broadcast %broadcast_in_dim3A_346 : f32 to vector<16xf32>
      %get3A_348 = arith.constant 0 : index
      %get3A_349 = tpu.vector_load %arg7[%get3A_348] {strides = array<i32>} : memref<256xf32, #tpu.memory_space<vmem>>, vector<16xf32>,
      %get3A_350 = vector.shape_cast %get3A_349 : vector<16xf32> to vector<16xf32>
      %eq3A_351 = arith.constant 0 : i32
      %eq3A_352 = vector.broadcast %eq3A_351 : i32 to vector<16xi32>
      %eq3A_353 = arith.cmpi eq, %iota3A, %eq3A_352 : vector<16xi32>
      %mul3A_354 = arith.constant 0 : i32
      %mul3A_355 = vector.broadcast %mul3A_354 : i32 to vector<16xi32>
      %mul3A_356 = arith.muli %iota3A, %mul3A_355 : vector<16xi32>
      %add3A_357 = arith.constant 0 : i32
      %add3A_358 = vector.broadcast %add3A_357 : i32 to vector<16xi32>
      %add3A_359 = arith.addi %mul3A_356, %add3A_358 : vector<16xi32>
      %lt3A_360 = arith.constant 0 : i32
      %lt3A_361 = vector.broadcast %lt3A_360 : i32 to vector<16xi32>
      %lt3A_362 = arith.cmpi slt, %add3A_359, %lt3A_361 : vector<16xi32>
      %add3A_363 = arith.constant 16 : i32
      %add3A_364 = vector.broadcast %add3A_363 : i32 to vector<16xi32>
      %add3A_365 = arith.addi %add3A_359, %add3A_364 : vector<16xi32>
      %select_n3A_366 = arith.select %lt3A_362, %add3A_365, %add3A_359 : vector<16xi1>, vector<16xi32>
      %reshape3A_367 = vector.shape_cast %select_n3A_366 : vector<16xi32> to vector<16x1xi32>
      %gather3A_368 = vector.shape_cast %reshape3A_367 : vector<16x1xi32> to vector<16xi32>
      %gather3A_369 = tpu.dynamic_gather %get3A_350[%gather3A_368] in [0] : vector<16xf32>, vector<16xi32> -> vector<16xf32>
      %select_n3A_370 = arith.select %eq3A_353, %gather3A_369, %broadcast_in_dim3A_345 : vector<16xi1>, vector<16xf32>
      %eq3A_371 = arith.constant 0 : i32
      %eq3A_372 = vector.broadcast %eq3A_371 : i32 to vector<16xi32>
      %eq3A_373 = arith.cmpi eq, %iota3A, %eq3A_372 : vector<16xi32>
      %mul3A_374 = arith.constant 0 : i32
      %mul3A_375 = vector.broadcast %mul3A_374 : i32 to vector<16xi32>
      %mul3A_376 = arith.muli %iota3A, %mul3A_375 : vector<16xi32>
      %add3A_377 = arith.constant 7 : i32
      %add3A_378 = vector.broadcast %add3A_377 : i32 to vector<16xi32>
      %add3A_379 = arith.addi %mul3A_376, %add3A_378 : vector<16xi32>
      %lt3A_380 = arith.constant 0 : i32
      %lt3A_381 = vector.broadcast %lt3A_380 : i32 to vector<16xi32>
      %lt3A_382 = arith.cmpi slt, %add3A_379, %lt3A_381 : vector<16xi32>
      %add3A_383 = arith.constant 16 : i32
      %add3A_384 = vector.broadcast %add3A_383 : i32 to vector<16xi32>
      %add3A_385 = arith.addi %add3A_379, %add3A_384 : vector<16xi32>
      %select_n3A_386 = arith.select %lt3A_382, %add3A_385, %add3A_379 : vector<16xi1>, vector<16xi32>
      %reshape3A_387 = vector.shape_cast %select_n3A_386 : vector<16xi32> to vector<16x1xi32>
      %gather3A_388 = vector.shape_cast %reshape3A_387 : vector<16x1xi32> to vector<16xi32>
      %gather3A_389 = tpu.dynamic_gather %get3A_350[%gather3A_388] in [0] : vector<16xf32>, vector<16xi32> -> vector<16xf32>
      %select_n3A_390 = arith.select %eq3A_373, %gather3A_389, %broadcast_in_dim3A_347 : vector<16xi1>, vector<16xf32>
      %get3A_391 = arith.constant 16 : index
      %get3A_392 = tpu.vector_load %arg7[%get3A_391] {strides = array<i32>} : memref<256xf32, #tpu.memory_space<vmem>>, vector<16xf32>,
      %get3A_393 = vector.shape_cast %get3A_392 : vector<16xf32> to vector<16xf32>
      %eq3A_394 = arith.constant 1 : i32
      %eq3A_395 = vector.broadcast %eq3A_394 : i32 to vector<16xi32>
      %eq3A_396 = arith.cmpi eq, %iota3A, %eq3A_395 : vector<16xi32>
      %mul3A_397 = arith.constant 0 : i32
      %mul3A_398 = vector.broadcast %mul3A_397 : i32 to vector<16xi32>
      %mul3A_399 = arith.muli %iota3A, %mul3A_398 : vector<16xi32>
      %add3A_400 = arith.constant 0 : i32
      %add3A_401 = vector.broadcast %add3A_400 : i32 to vector<16xi32>
      %add3A_402 = arith.addi %mul3A_399, %add3A_401 : vector<16xi32>
      %lt3A_403 = arith.constant 0 : i32
      %lt3A_404 = vector.broadcast %lt3A_403 : i32 to vector<16xi32>
      %lt3A_405 = arith.cmpi slt, %add3A_402, %lt3A_404 : vector<16xi32>
      %add3A_406 = arith.constant 16 : i32
      %add3A_407 = vector.broadcast %add3A_406 : i32 to vector<16xi32>
      %add3A_408 = arith.addi %add3A_402, %add3A_407 : vector<16xi32>
      %select_n3A_409 = arith.select %lt3A_405, %add3A_408, %add3A_402 : vector<16xi1>, vector<16xi32>
      %reshape3A_410 = vector.shape_cast %select_n3A_409 : vector<16xi32> to vector<16x1xi32>
      %gather3A_411 = vector.shape_cast %reshape3A_410 : vector<16x1xi32> to vector<16xi32>
      %gather3A_412 = tpu.dynamic_gather %get3A_393[%gather3A_411] in [0] : vector<16xf32>, vector<16xi32> -> vector<16xf32>
      %select_n3A_413 = arith.select %eq3A_396, %gather3A_412, %select_n3A_370 : vector<16xi1>, vector<16xf32>
      %eq3A_414 = arith.constant 1 : i32
      %eq3A_415 = vector.broadcast %eq3A_414 : i32 to vector<16xi32>
      %eq3A_416 = arith.cmpi eq, %iota3A, %eq3A_415 : vector<16xi32>
      %mul3A_417 = arith.constant 0 : i32
      %mul3A_418 = vector.broadcast %mul3A_417 : i32 to vector<16xi32>
      %mul3A_419 = arith.muli %iota3A, %mul3A_418 : vector<16xi32>
      %add3A_420 = arith.constant 7 : i32
      %add3A_421 = vector.broadcast %add3A_420 : i32 to vector<16xi32>
      %add3A_422 = arith.addi %mul3A_419, %add3A_421 : vector<16xi32>
      %lt3A_423 = arith.constant 0 : i32
      %lt3A_424 = vector.broadcast %lt3A_423 : i32 to vector<16xi32>
      %lt3A_425 = arith.cmpi slt, %add3A_422, %lt3A_424 : vector<16xi32>
      %add3A_426 = arith.constant 16 : i32
      %add3A_427 = vector.broadcast %add3A_426 : i32 to vector<16xi32>
      %add3A_428 = arith.addi %add3A_422, %add3A_427 : vector<16xi32>
      %select_n3A_429 = arith.select %lt3A_425, %add3A_428, %add3A_422 : vector<16xi1>, vector<16xi32>
      %reshape3A_430 = vector.shape_cast %select_n3A_429 : vector<16xi32> to vector<16x1xi32>
      %gather3A_431 = vector.shape_cast %reshape3A_430 : vector<16x1xi32> to vector<16xi32>
      %gather3A_432 = tpu.dynamic_gather %get3A_393[%gather3A_431] in [0] : vector<16xf32>, vector<16xi32> -> vector<16xf32>
      %select_n3A_433 = arith.select %eq3A_416, %gather3A_432, %select_n3A_390 : vector<16xi1>, vector<16xf32>
      %get3A_434 = arith.constant 32 : index
      %get3A_435 = tpu.vector_load %arg7[%get3A_434] {strides = array<i32>} : memref<256xf32, #tpu.memory_space<vmem>>, vector<16xf32>,
      %get3A_436 = vector.shape_cast %get3A_435 : vector<16xf32> to vector<16xf32>
      %eq3A_437 = arith.constant 2 : i32
      %eq3A_438 = vector.broadcast %eq3A_437 : i32 to vector<16xi32>
      %eq3A_439 = arith.cmpi eq, %iota3A, %eq3A_438 : vector<16xi32>
      %mul3A_440 = arith.constant 0 : i32
      %mul3A_441 = vector.broadcast %mul3A_440 : i32 to vector<16xi32>
      %mul3A_442 = arith.muli %iota3A, %mul3A_441 : vector<16xi32>
      %add3A_443 = arith.constant 0 : i32
      %add3A_444 = vector.broadcast %add3A_443 : i32 to vector<16xi32>
      %add3A_445 = arith.addi %mul3A_442, %add3A_444 : vector<16xi32>
      %lt3A_446 = arith.constant 0 : i32
      %lt3A_447 = vector.broadcast %lt3A_446 : i32 to vector<16xi32>
      %lt3A_448 = arith.cmpi slt, %add3A_445, %lt3A_447 : vector<16xi32>
      %add3A_449 = arith.constant 16 : i32
      %add3A_450 = vector.broadcast %add3A_449 : i32 to vector<16xi32>
      %add3A_451 = arith.addi %add3A_445, %add3A_450 : vector<16xi32>
      %select_n3A_452 = arith.select %lt3A_448, %add3A_451, %add3A_445 : vector<16xi1>, vector<16xi32>
      %reshape3A_453 = vector.shape_cast %select_n3A_452 : vector<16xi32> to vector<16x1xi32>
      %gather3A_454 = vector.shape_cast %reshape3A_453 : vector<16x1xi32> to vector<16xi32>
      %gather3A_455 = tpu.dynamic_gather %get3A_436[%gather3A_454] in [0] : vector<16xf32>, vector<16xi32> -> vector<16xf32>
      %select_n3A_456 = arith.select %eq3A_439, %gather3A_455, %select_n3A_413 : vector<16xi1>, vector<16xf32>
      %eq3A_457 = arith.constant 2 : i32
      %eq3A_458 = vector.broadcast %eq3A_457 : i32 to vector<16xi32>
      %eq3A_459 = arith.cmpi eq, %iota3A, %eq3A_458 : vector<16xi32>
      %mul3A_460 = arith.constant 0 : i32
      %mul3A_461 = vector.broadcast %mul3A_460 : i32 to vector<16xi32>
      %mul3A_462 = arith.muli %iota3A, %mul3A_461 : vector<16xi32>
      %add3A_463 = arith.constant 7 : i32
      %add3A_464 = vector.broadcast %add3A_463 : i32 to vector<16xi32>
      %add3A_465 = arith.addi %mul3A_462, %add3A_464 : vector<16xi32>
      %lt3A_466 = arith.constant 0 : i32
      %lt3A_467 = vector.broadcast %lt3A_466 : i32 to vector<16xi32>
      %lt3A_468 = arith.cmpi slt, %add3A_465, %lt3A_467 : vector<16xi32>
      %add3A_469 = arith.constant 16 : i32
      %add3A_470 = vector.broadcast %add3A_469 : i32 to vector<16xi32>
      %add3A_471 = arith.addi %add3A_465, %add3A_470 : vector<16xi32>
      %select_n3A_472 = arith.select %lt3A_468, %add3A_471, %add3A_465 : vector<16xi1>, vector<16xi32>
      %reshape3A_473 = vector.shape_cast %select_n3A_472 : vector<16xi32> to vector<16x1xi32>
      %gather3A_474 = vector.shape_cast %reshape3A_473 : vector<16x1xi32> to vector<16xi32>
      %gather3A_475 = tpu.dynamic_gather %get3A_436[%gather3A_474] in [0] : vector<16xf32>, vector<16xi32> -> vector<16xf32>
      %select_n3A_476 = arith.select %eq3A_459, %gather3A_475, %select_n3A_433 : vector<16xi1>, vector<16xf32>
      %get3A_477 = arith.constant 48 : index
      %get3A_478 = tpu.vector_load %arg7[%get3A_477] {strides = array<i32>} : memref<256xf32, #tpu.memory_space<vmem>>, vector<16xf32>,
      %get3A_479 = vector.shape_cast %get3A_478 : vector<16xf32> to vector<16xf32>
      %eq3A_480 = arith.constant 3 : i32
      %eq3A_481 = vector.broadcast %eq3A_480 : i32 to vector<16xi32>
      %eq3A_482 = arith.cmpi eq, %iota3A, %eq3A_481 : vector<16xi32>
      %mul3A_483 = arith.constant 0 : i32
      %mul3A_484 = vector.broadcast %mul3A_483 : i32 to vector<16xi32>
      %mul3A_485 = arith.muli %iota3A, %mul3A_484 : vector<16xi32>
      %add3A_486 = arith.constant 0 : i32
      %add3A_487 = vector.broadcast %add3A_486 : i32 to vector<16xi32>
      %add3A_488 = arith.addi %mul3A_485, %add3A_487 : vector<16xi32>
      %lt3A_489 = arith.constant 0 : i32
      %lt3A_490 = vector.broadcast %lt3A_489 : i32 to vector<16xi32>
      %lt3A_491 = arith.cmpi slt, %add3A_488, %lt3A_490 : vector<16xi32>
      %add3A_492 = arith.constant 16 : i32
      %add3A_493 = vector.broadcast %add3A_492 : i32 to vector<16xi32>
      %add3A_494 = arith.addi %add3A_488, %add3A_493 : vector<16xi32>
      %select_n3A_495 = arith.select %lt3A_491, %add3A_494, %add3A_488 : vector<16xi1>, vector<16xi32>
      %reshape3A_496 = vector.shape_cast %select_n3A_495 : vector<16xi32> to vector<16x1xi32>
      %gather3A_497 = vector.shape_cast %reshape3A_496 : vector<16x1xi32> to vector<16xi32>
      %gather3A_498 = tpu.dynamic_gather %get3A_479[%gather3A_497] in [0] : vector<16xf32>, vector<16xi32> -> vector<16xf32>
      %select_n3A_499 = arith.select %eq3A_482, %gather3A_498, %select_n3A_456 : vector<16xi1>, vector<16xf32>
      %eq3A_500 = arith.constant 3 : i32
      %eq3A_501 = vector.broadcast %eq3A_500 : i32 to vector<16xi32>
      %eq3A_502 = arith.cmpi eq, %iota3A, %eq3A_501 : vector<16xi32>
      %mul3A_503 = arith.constant 0 : i32
      %mul3A_504 = vector.broadcast %mul3A_503 : i32 to vector<16xi32>
      %mul3A_505 = arith.muli %iota3A, %mul3A_504 : vector<16xi32>
      %add3A_506 = arith.constant 7 : i32
      %add3A_507 = vector.broadcast %add3A_506 : i32 to vector<16xi32>
      %add3A_508 = arith.addi %mul3A_505, %add3A_507 : vector<16xi32>
      %lt3A_509 = arith.constant 0 : i32
      %lt3A_510 = vector.broadcast %lt3A_509 : i32 to vector<16xi32>
      %lt3A_511 = arith.cmpi slt, %add3A_508, %lt3A_510 : vector<16xi32>
      %add3A_512 = arith.constant 16 : i32
      %add3A_513 = vector.broadcast %add3A_512 : i32 to vector<16xi32>
      %add3A_514 = arith.addi %add3A_508, %add3A_513 : vector<16xi32>
      %select_n3A_515 = arith.select %lt3A_511, %add3A_514, %add3A_508 : vector<16xi1>, vector<16xi32>
      %reshape3A_516 = vector.shape_cast %select_n3A_515 : vector<16xi32> to vector<16x1xi32>
      %gather3A_517 = vector.shape_cast %reshape3A_516 : vector<16x1xi32> to vector<16xi32>
      %gather3A_518 = tpu.dynamic_gather %get3A_479[%gather3A_517] in [0] : vector<16xf32>, vector<16xi32> -> vector<16xf32>
      %select_n3A_519 = arith.select %eq3A_502, %gather3A_518, %select_n3A_476 : vector<16xi1>, vector<16xf32>
      %get3A_520 = arith.constant 64 : index
      %get3A_521 = tpu.vector_load %arg7[%get3A_520] {strides = array<i32>} : memref<256xf32, #tpu.memory_space<vmem>>, vector<16xf32>,
      %get3A_522 = vector.shape_cast %get3A_521 : vector<16xf32> to vector<16xf32>
      %eq3A_523 = arith.constant 4 : i32
      %eq3A_524 = vector.broadcast %eq3A_523 : i32 to vector<16xi32>
      %eq3A_525 = arith.cmpi eq, %iota3A, %eq3A_524 : vector<16xi32>
      %mul3A_526 = arith.constant 0 : i32
      %mul3A_527 = vector.broadcast %mul3A_526 : i32 to vector<16xi32>
      %mul3A_528 = arith.muli %iota3A, %mul3A_527 : vector<16xi32>
      %add3A_529 = arith.constant 0 : i32
      %add3A_530 = vector.broadcast %add3A_529 : i32 to vector<16xi32>
      %add3A_531 = arith.addi %mul3A_528, %add3A_530 : vector<16xi32>
      %lt3A_532 = arith.constant 0 : i32
      %lt3A_533 = vector.broadcast %lt3A_532 : i32 to vector<16xi32>
      %lt3A_534 = arith.cmpi slt, %add3A_531, %lt3A_533 : vector<16xi32>
      %add3A_535 = arith.constant 16 : i32
      %add3A_536 = vector.broadcast %add3A_535 : i32 to vector<16xi32>
      %add3A_537 = arith.addi %add3A_531, %add3A_536 : vector<16xi32>
      %select_n3A_538 = arith.select %lt3A_534, %add3A_537, %add3A_531 : vector<16xi1>, vector<16xi32>
      %reshape3A_539 = vector.shape_cast %select_n3A_538 : vector<16xi32> to vector<16x1xi32>
      %gather3A_540 = vector.shape_cast %reshape3A_539 : vector<16x1xi32> to vector<16xi32>
      %gather3A_541 = tpu.dynamic_gather %get3A_522[%gather3A_540] in [0] : vector<16xf32>, vector<16xi32> -> vector<16xf32>
      %select_n3A_542 = arith.select %eq3A_525, %gather3A_541, %select_n3A_499 : vector<16xi1>, vector<16xf32>
      %eq3A_543 = arith.constant 4 : i32
      %eq3A_544 = vector.broadcast %eq3A_543 : i32 to vector<16xi32>
      %eq3A_545 = arith.cmpi eq, %iota3A, %eq3A_544 : vector<16xi32>
      %mul3A_546 = arith.constant 0 : i32
      %mul3A_547 = vector.broadcast %mul3A_546 : i32 to vector<16xi32>
      %mul3A_548 = arith.muli %iota3A, %mul3A_547 : vector<16xi32>
      %add3A_549 = arith.constant 7 : i32
      %add3A_550 = vector.broadcast %add3A_549 : i32 to vector<16xi32>
      %add3A_551 = arith.addi %mul3A_548, %add3A_550 : vector<16xi32>
      %lt3A_552 = arith.constant 0 : i32
      %lt3A_553 = vector.broadcast %lt3A_552 : i32 to vector<16xi32>
      %lt3A_554 = arith.cmpi slt, %add3A_551, %lt3A_553 : vector<16xi32>
      %add3A_555 = arith.constant 16 : i32
      %add3A_556 = vector.broadcast %add3A_555 : i32 to vector<16xi32>
      %add3A_557 = arith.addi %add3A_551, %add3A_556 : vector<16xi32>
      %select_n3A_558 = arith.select %lt3A_554, %add3A_557, %add3A_551 : vector<16xi1>, vector<16xi32>
      %reshape3A_559 = vector.shape_cast %select_n3A_558 : vector<16xi32> to vector<16x1xi32>
      %gather3A_560 = vector.shape_cast %reshape3A_559 : vector<16x1xi32> to vector<16xi32>
      %gather3A_561 = tpu.dynamic_gather %get3A_522[%gather3A_560] in [0] : vector<16xf32>, vector<16xi32> -> vector<16xf32>
      %select_n3A_562 = arith.select %eq3A_545, %gather3A_561, %select_n3A_519 : vector<16xi1>, vector<16xf32>
      %get3A_563 = arith.constant 80 : index
      %get3A_564 = tpu.vector_load %arg7[%get3A_563] {strides = array<i32>} : memref<256xf32, #tpu.memory_space<vmem>>, vector<16xf32>,
      %get3A_565 = vector.shape_cast %get3A_564 : vector<16xf32> to vector<16xf32>
      %eq3A_566 = arith.constant 5 : i32
      %eq3A_567 = vector.broadcast %eq3A_566 : i32 to vector<16xi32>
      %eq3A_568 = arith.cmpi eq, %iota3A, %eq3A_567 : vector<16xi32>
      %mul3A_569 = arith.constant 0 : i32
      %mul3A_570 = vector.broadcast %mul3A_569 : i32 to vector<16xi32>
      %mul3A_571 = arith.muli %iota3A, %mul3A_570 : vector<16xi32>
      %add3A_572 = arith.constant 0 : i32
      %add3A_573 = vector.broadcast %add3A_572 : i32 to vector<16xi32>
      %add3A_574 = arith.addi %mul3A_571, %add3A_573 : vector<16xi32>
      %lt3A_575 = arith.constant 0 : i32
      %lt3A_576 = vector.broadcast %lt3A_575 : i32 to vector<16xi32>
      %lt3A_577 = arith.cmpi slt, %add3A_574, %lt3A_576 : vector<16xi32>
      %add3A_578 = arith.constant 16 : i32
      %add3A_579 = vector.broadcast %add3A_578 : i32 to vector<16xi32>
      %add3A_580 = arith.addi %add3A_574, %add3A_579 : vector<16xi32>
      %select_n3A_581 = arith.select %lt3A_577, %add3A_580, %add3A_574 : vector<16xi1>, vector<16xi32>
      %reshape3A_582 = vector.shape_cast %select_n3A_581 : vector<16xi32> to vector<16x1xi32>
      %gather3A_583 = vector.shape_cast %reshape3A_582 : vector<16x1xi32> to vector<16xi32>
      %gather3A_584 = tpu.dynamic_gather %get3A_565[%gather3A_583] in [0] : vector<16xf32>, vector<16xi32> -> vector<16xf32>
      %select_n3A_585 = arith.select %eq3A_568, %gather3A_584, %select_n3A_542 : vector<16xi1>, vector<16xf32>
      %eq3A_586 = arith.constant 5 : i32
      %eq3A_587 = vector.broadcast %eq3A_586 : i32 to vector<16xi32>
      %eq3A_588 = arith.cmpi eq, %iota3A, %eq3A_587 : vector<16xi32>
      %mul3A_589 = arith.constant 0 : i32
      %mul3A_590 = vector.broadcast %mul3A_589 : i32 to vector<16xi32>
      %mul3A_591 = arith.muli %iota3A, %mul3A_590 : vector<16xi32>
      %add3A_592 = arith.constant 7 : i32
      %add3A_593 = vector.broadcast %add3A_592 : i32 to vector<16xi32>
      %add3A_594 = arith.addi %mul3A_591, %add3A_593 : vector<16xi32>
      %lt3A_595 = arith.constant 0 : i32
      %lt3A_596 = vector.broadcast %lt3A_595 : i32 to vector<16xi32>
      %lt3A_597 = arith.cmpi slt, %add3A_594, %lt3A_596 : vector<16xi32>
      %add3A_598 = arith.constant 16 : i32
      %add3A_599 = vector.broadcast %add3A_598 : i32 to vector<16xi32>
      %add3A_600 = arith.addi %add3A_594, %add3A_599 : vector<16xi32>
      %select_n3A_601 = arith.select %lt3A_597, %add3A_600, %add3A_594 : vector<16xi1>, vector<16xi32>
      %reshape3A_602 = vector.shape_cast %select_n3A_601 : vector<16xi32> to vector<16x1xi32>
      %gather3A_603 = vector.shape_cast %reshape3A_602 : vector<16x1xi32> to vector<16xi32>
      %gather3A_604 = tpu.dynamic_gather %get3A_565[%gather3A_603] in [0] : vector<16xf32>, vector<16xi32> -> vector<16xf32>
      %select_n3A_605 = arith.select %eq3A_588, %gather3A_604, %select_n3A_562 : vector<16xi1>, vector<16xf32>
      %get3A_606 = arith.constant 96 : index
      %get3A_607 = tpu.vector_load %arg7[%get3A_606] {strides = array<i32>} : memref<256xf32, #tpu.memory_space<vmem>>, vector<16xf32>,
      %get3A_608 = vector.shape_cast %get3A_607 : vector<16xf32> to vector<16xf32>
      %eq3A_609 = arith.constant 6 : i32
      %eq3A_610 = vector.broadcast %eq3A_609 : i32 to vector<16xi32>
      %eq3A_611 = arith.cmpi eq, %iota3A, %eq3A_610 : vector<16xi32>
      %mul3A_612 = arith.constant 0 : i32
      %mul3A_613 = vector.broadcast %mul3A_612 : i32 to vector<16xi32>
      %mul3A_614 = arith.muli %iota3A, %mul3A_613 : vector<16xi32>
      %add3A_615 = arith.constant 0 : i32
      %add3A_616 = vector.broadcast %add3A_615 : i32 to vector<16xi32>
      %add3A_617 = arith.addi %mul3A_614, %add3A_616 : vector<16xi32>
      %lt3A_618 = arith.constant 0 : i32
      %lt3A_619 = vector.broadcast %lt3A_618 : i32 to vector<16xi32>
      %lt3A_620 = arith.cmpi slt, %add3A_617, %lt3A_619 : vector<16xi32>
      %add3A_621 = arith.constant 16 : i32
      %add3A_622 = vector.broadcast %add3A_621 : i32 to vector<16xi32>
      %add3A_623 = arith.addi %add3A_617, %add3A_622 : vector<16xi32>
      %select_n3A_624 = arith.select %lt3A_620, %add3A_623, %add3A_617 : vector<16xi1>, vector<16xi32>
      %reshape3A_625 = vector.shape_cast %select_n3A_624 : vector<16xi32> to vector<16x1xi32>
      %gather3A_626 = vector.shape_cast %reshape3A_625 : vector<16x1xi32> to vector<16xi32>
      %gather3A_627 = tpu.dynamic_gather %get3A_608[%gather3A_626] in [0] : vector<16xf32>, vector<16xi32> -> vector<16xf32>
      %select_n3A_628 = arith.select %eq3A_611, %gather3A_627, %select_n3A_585 : vector<16xi1>, vector<16xf32>
      %eq3A_629 = arith.constant 6 : i32
      %eq3A_630 = vector.broadcast %eq3A_629 : i32 to vector<16xi32>
      %eq3A_631 = arith.cmpi eq, %iota3A, %eq3A_630 : vector<16xi32>
      %mul3A_632 = arith.constant 0 : i32
      %mul3A_633 = vector.broadcast %mul3A_632 : i32 to vector<16xi32>
      %mul3A_634 = arith.muli %iota3A, %mul3A_633 : vector<16xi32>
      %add3A_635 = arith.constant 7 : i32
      %add3A_636 = vector.broadcast %add3A_635 : i32 to vector<16xi32>
      %add3A_637 = arith.addi %mul3A_634, %add3A_636 : vector<16xi32>
      %lt3A_638 = arith.constant 0 : i32
      %lt3A_639 = vector.broadcast %lt3A_638 : i32 to vector<16xi32>
      %lt3A_640 = arith.cmpi slt, %add3A_637, %lt3A_639 : vector<16xi32>
      %add3A_641 = arith.constant 16 : i32
      %add3A_642 = vector.broadcast %add3A_641 : i32 to vector<16xi32>
      %add3A_643 = arith.addi %add3A_637, %add3A_642 : vector<16xi32>
      %select_n3A_644 = arith.select %lt3A_640, %add3A_643, %add3A_637 : vector<16xi1>, vector<16xi32>
      %reshape3A_645 = vector.shape_cast %select_n3A_644 : vector<16xi32> to vector<16x1xi32>
      %gather3A_646 = vector.shape_cast %reshape3A_645 : vector<16x1xi32> to vector<16xi32>
      %gather3A_647 = tpu.dynamic_gather %get3A_608[%gather3A_646] in [0] : vector<16xf32>, vector<16xi32> -> vector<16xf32>
      %select_n3A_648 = arith.select %eq3A_631, %gather3A_647, %select_n3A_605 : vector<16xi1>, vector<16xf32>
      %get3A_649 = arith.constant 112 : index
      %get3A_650 = tpu.vector_load %arg7[%get3A_649] {strides = array<i32>} : memref<256xf32, #tpu.memory_space<vmem>>, vector<16xf32>,
      %get3A_651 = vector.shape_cast %get3A_650 : vector<16xf32> to vector<16xf32>
      %eq3A_652 = arith.constant 7 : i32
      %eq3A_653 = vector.broadcast %eq3A_652 : i32 to vector<16xi32>
      %eq3A_654 = arith.cmpi eq, %iota3A, %eq3A_653 : vector<16xi32>
      %mul3A_655 = arith.constant 0 : i32
      %mul3A_656 = vector.broadcast %mul3A_655 : i32 to vector<16xi32>
      %mul3A_657 = arith.muli %iota3A, %mul3A_656 : vector<16xi32>
      %add3A_658 = arith.constant 0 : i32
      %add3A_659 = vector.broadcast %add3A_658 : i32 to vector<16xi32>
      %add3A_660 = arith.addi %mul3A_657, %add3A_659 : vector<16xi32>
      %lt3A_661 = arith.constant 0 : i32
      %lt3A_662 = vector.broadcast %lt3A_661 : i32 to vector<16xi32>
      %lt3A_663 = arith.cmpi slt, %add3A_660, %lt3A_662 : vector<16xi32>
      %add3A_664 = arith.constant 16 : i32
      %add3A_665 = vector.broadcast %add3A_664 : i32 to vector<16xi32>
      %add3A_666 = arith.addi %add3A_660, %add3A_665 : vector<16xi32>
      %select_n3A_667 = arith.select %lt3A_663, %add3A_666, %add3A_660 : vector<16xi1>, vector<16xi32>
      %reshape3A_668 = vector.shape_cast %select_n3A_667 : vector<16xi32> to vector<16x1xi32>
      %gather3A_669 = vector.shape_cast %reshape3A_668 : vector<16x1xi32> to vector<16xi32>
      %gather3A_670 = tpu.dynamic_gather %get3A_651[%gather3A_669] in [0] : vector<16xf32>, vector<16xi32> -> vector<16xf32>
      %select_n3A_671 = arith.select %eq3A_654, %gather3A_670, %select_n3A_628 : vector<16xi1>, vector<16xf32>
      %eq3A_672 = arith.constant 7 : i32
      %eq3A_673 = vector.broadcast %eq3A_672 : i32 to vector<16xi32>
      %eq3A_674 = arith.cmpi eq, %iota3A, %eq3A_673 : vector<16xi32>
      %mul3A_675 = arith.constant 0 : i32
      %mul3A_676 = vector.broadcast %mul3A_675 : i32 to vector<16xi32>
      %mul3A_677 = arith.muli %iota3A, %mul3A_676 : vector<16xi32>
      %add3A_678 = arith.constant 7 : i32
      %add3A_679 = vector.broadcast %add3A_678 : i32 to vector<16xi32>
      %add3A_680 = arith.addi %mul3A_677, %add3A_679 : vector<16xi32>
      %lt3A_681 = arith.constant 0 : i32
      %lt3A_682 = vector.broadcast %lt3A_681 : i32 to vector<16xi32>
      %lt3A_683 = arith.cmpi slt, %add3A_680, %lt3A_682 : vector<16xi32>
      %add3A_684 = arith.constant 16 : i32
      %add3A_685 = vector.broadcast %add3A_684 : i32 to vector<16xi32>
      %add3A_686 = arith.addi %add3A_680, %add3A_685 : vector<16xi32>
      %select_n3A_687 = arith.select %lt3A_683, %add3A_686, %add3A_680 : vector<16xi1>, vector<16xi32>
      %reshape3A_688 = vector.shape_cast %select_n3A_687 : vector<16xi32> to vector<16x1xi32>
      %gather3A_689 = vector.shape_cast %reshape3A_688 : vector<16x1xi32> to vector<16xi32>
      %gather3A_690 = tpu.dynamic_gather %get3A_651[%gather3A_689] in [0] : vector<16xf32>, vector<16xi32> -> vector<16xf32>
      %select_n3A_691 = arith.select %eq3A_674, %gather3A_690, %select_n3A_648 : vector<16xi1>, vector<16xf32>
      %get3A_692 = arith.constant 128 : index
      %get3A_693 = tpu.vector_load %arg7[%get3A_692] {strides = array<i32>} : memref<256xf32, #tpu.memory_space<vmem>>, vector<16xf32>,
      %get3A_694 = vector.shape_cast %get3A_693 : vector<16xf32> to vector<16xf32>
      %eq3A_695 = arith.constant 8 : i32
      %eq3A_696 = vector.broadcast %eq3A_695 : i32 to vector<16xi32>
      %eq3A_697 = arith.cmpi eq, %iota3A, %eq3A_696 : vector<16xi32>
      %mul3A_698 = arith.constant 0 : i32
      %mul3A_699 = vector.broadcast %mul3A_698 : i32 to vector<16xi32>
      %mul3A_700 = arith.muli %iota3A, %mul3A_699 : vector<16xi32>
      %add3A_701 = arith.constant 0 : i32
      %add3A_702 = vector.broadcast %add3A_701 : i32 to vector<16xi32>
      %add3A_703 = arith.addi %mul3A_700, %add3A_702 : vector<16xi32>
      %lt3A_704 = arith.constant 0 : i32
      %lt3A_705 = vector.broadcast %lt3A_704 : i32 to vector<16xi32>
      %lt3A_706 = arith.cmpi slt, %add3A_703, %lt3A_705 : vector<16xi32>
      %add3A_707 = arith.constant 16 : i32
      %add3A_708 = vector.broadcast %add3A_707 : i32 to vector<16xi32>
      %add3A_709 = arith.addi %add3A_703, %add3A_708 : vector<16xi32>
      %select_n3A_710 = arith.select %lt3A_706, %add3A_709, %add3A_703 : vector<16xi1>, vector<16xi32>
      %reshape3A_711 = vector.shape_cast %select_n3A_710 : vector<16xi32> to vector<16x1xi32>
      %gather3A_712 = vector.shape_cast %reshape3A_711 : vector<16x1xi32> to vector<16xi32>
      %gather3A_713 = tpu.dynamic_gather %get3A_694[%gather3A_712] in [0] : vector<16xf32>, vector<16xi32> -> vector<16xf32>
      %select_n3A_714 = arith.select %eq3A_697, %gather3A_713, %select_n3A_671 : vector<16xi1>, vector<16xf32>
      %eq3A_715 = arith.constant 8 : i32
      %eq3A_716 = vector.broadcast %eq3A_715 : i32 to vector<16xi32>
      %eq3A_717 = arith.cmpi eq, %iota3A, %eq3A_716 : vector<16xi32>
      %mul3A_718 = arith.constant 0 : i32
      %mul3A_719 = vector.broadcast %mul3A_718 : i32 to vector<16xi32>
      %mul3A_720 = arith.muli %iota3A, %mul3A_719 : vector<16xi32>
      %add3A_721 = arith.constant 7 : i32
      %add3A_722 = vector.broadcast %add3A_721 : i32 to vector<16xi32>
      %add3A_723 = arith.addi %mul3A_720, %add3A_722 : vector<16xi32>
      %lt3A_724 = arith.constant 0 : i32
      %lt3A_725 = vector.broadcast %lt3A_724 : i32 to vector<16xi32>
      %lt3A_726 = arith.cmpi slt, %add3A_723, %lt3A_725 : vector<16xi32>
      %add3A_727 = arith.constant 16 : i32
      %add3A_728 = vector.broadcast %add3A_727 : i32 to vector<16xi32>
      %add3A_729 = arith.addi %add3A_723, %add3A_728 : vector<16xi32>
      %select_n3A_730 = arith.select %lt3A_726, %add3A_729, %add3A_723 : vector<16xi1>, vector<16xi32>
      %reshape3A_731 = vector.shape_cast %select_n3A_730 : vector<16xi32> to vector<16x1xi32>
      %gather3A_732 = vector.shape_cast %reshape3A_731 : vector<16x1xi32> to vector<16xi32>
      %gather3A_733 = tpu.dynamic_gather %get3A_694[%gather3A_732] in [0] : vector<16xf32>, vector<16xi32> -> vector<16xf32>
      %select_n3A_734 = arith.select %eq3A_717, %gather3A_733, %select_n3A_691 : vector<16xi1>, vector<16xf32>
      %get3A_735 = arith.constant 144 : index
      %get3A_736 = tpu.vector_load %arg7[%get3A_735] {strides = array<i32>} : memref<256xf32, #tpu.memory_space<vmem>>, vector<16xf32>,
      %get3A_737 = vector.shape_cast %get3A_736 : vector<16xf32> to vector<16xf32>
      %eq3A_738 = arith.constant 9 : i32
      %eq3A_739 = vector.broadcast %eq3A_738 : i32 to vector<16xi32>
      %eq3A_740 = arith.cmpi eq, %iota3A, %eq3A_739 : vector<16xi32>
      %mul3A_741 = arith.constant 0 : i32
      %mul3A_742 = vector.broadcast %mul3A_741 : i32 to vector<16xi32>
      %mul3A_743 = arith.muli %iota3A, %mul3A_742 : vector<16xi32>
      %add3A_744 = arith.constant 0 : i32
      %add3A_745 = vector.broadcast %add3A_744 : i32 to vector<16xi32>
      %add3A_746 = arith.addi %mul3A_743, %add3A_745 : vector<16xi32>
      %lt3A_747 = arith.constant 0 : i32
      %lt3A_748 = vector.broadcast %lt3A_747 : i32 to vector<16xi32>
      %lt3A_749 = arith.cmpi slt, %add3A_746, %lt3A_748 : vector<16xi32>
      %add3A_750 = arith.constant 16 : i32
      %add3A_751 = vector.broadcast %add3A_750 : i32 to vector<16xi32>
      %add3A_752 = arith.addi %add3A_746, %add3A_751 : vector<16xi32>
      %select_n3A_753 = arith.select %lt3A_749, %add3A_752, %add3A_746 : vector<16xi1>, vector<16xi32>
      %reshape3A_754 = vector.shape_cast %select_n3A_753 : vector<16xi32> to vector<16x1xi32>
      %gather3A_755 = vector.shape_cast %reshape3A_754 : vector<16x1xi32> to vector<16xi32>
      %gather3A_756 = tpu.dynamic_gather %get3A_737[%gather3A_755] in [0] : vector<16xf32>, vector<16xi32> -> vector<16xf32>
      %select_n3A_757 = arith.select %eq3A_740, %gather3A_756, %select_n3A_714 : vector<16xi1>, vector<16xf32>
      %eq3A_758 = arith.constant 9 : i32
      %eq3A_759 = vector.broadcast %eq3A_758 : i32 to vector<16xi32>
      %eq3A_760 = arith.cmpi eq, %iota3A, %eq3A_759 : vector<16xi32>
      %mul3A_761 = arith.constant 0 : i32
      %mul3A_762 = vector.broadcast %mul3A_761 : i32 to vector<16xi32>
      %mul3A_763 = arith.muli %iota3A, %mul3A_762 : vector<16xi32>
      %add3A_764 = arith.constant 7 : i32
      %add3A_765 = vector.broadcast %add3A_764 : i32 to vector<16xi32>
      %add3A_766 = arith.addi %mul3A_763, %add3A_765 : vector<16xi32>
      %lt3A_767 = arith.constant 0 : i32
      %lt3A_768 = vector.broadcast %lt3A_767 : i32 to vector<16xi32>
      %lt3A_769 = arith.cmpi slt, %add3A_766, %lt3A_768 : vector<16xi32>
      %add3A_770 = arith.constant 16 : i32
      %add3A_771 = vector.broadcast %add3A_770 : i32 to vector<16xi32>
      %add3A_772 = arith.addi %add3A_766, %add3A_771 : vector<16xi32>
      %select_n3A_773 = arith.select %lt3A_769, %add3A_772, %add3A_766 : vector<16xi1>, vector<16xi32>
      %reshape3A_774 = vector.shape_cast %select_n3A_773 : vector<16xi32> to vector<16x1xi32>
      %gather3A_775 = vector.shape_cast %reshape3A_774 : vector<16x1xi32> to vector<16xi32>
      %gather3A_776 = tpu.dynamic_gather %get3A_737[%gather3A_775] in [0] : vector<16xf32>, vector<16xi32> -> vector<16xf32>
      %select_n3A_777 = arith.select %eq3A_760, %gather3A_776, %select_n3A_734 : vector<16xi1>, vector<16xf32>
      %get3A_778 = arith.constant 160 : index
      %get3A_779 = tpu.vector_load %arg7[%get3A_778] {strides = array<i32>} : memref<256xf32, #tpu.memory_space<vmem>>, vector<16xf32>,
      %get3A_780 = vector.shape_cast %get3A_779 : vector<16xf32> to vector<16xf32>
      %eq3A_781 = arith.constant 10 : i32
      %eq3A_782 = vector.broadcast %eq3A_781 : i32 to vector<16xi32>
      %eq3A_783 = arith.cmpi eq, %iota3A, %eq3A_782 : vector<16xi32>
      %mul3A_784 = arith.constant 0 : i32
      %mul3A_785 = vector.broadcast %mul3A_784 : i32 to vector<16xi32>
      %mul3A_786 = arith.muli %iota3A, %mul3A_785 : vector<16xi32>
      %add3A_787 = arith.constant 0 : i32
      %add3A_788 = vector.broadcast %add3A_787 : i32 to vector<16xi32>
      %add3A_789 = arith.addi %mul3A_786, %add3A_788 : vector<16xi32>
      %lt3A_790 = arith.constant 0 : i32
      %lt3A_791 = vector.broadcast %lt3A_790 : i32 to vector<16xi32>
      %lt3A_792 = arith.cmpi slt, %add3A_789, %lt3A_791 : vector<16xi32>
      %add3A_793 = arith.constant 16 : i32
      %add3A_794 = vector.broadcast %add3A_793 : i32 to vector<16xi32>
      %add3A_795 = arith.addi %add3A_789, %add3A_794 : vector<16xi32>
      %select_n3A_796 = arith.select %lt3A_792, %add3A_795, %add3A_789 : vector<16xi1>, vector<16xi32>
      %reshape3A_797 = vector.shape_cast %select_n3A_796 : vector<16xi32> to vector<16x1xi32>
      %gather3A_798 = vector.shape_cast %reshape3A_797 : vector<16x1xi32> to vector<16xi32>
      %gather3A_799 = tpu.dynamic_gather %get3A_780[%gather3A_798] in [0] : vector<16xf32>, vector<16xi32> -> vector<16xf32>
      %select_n3A_800 = arith.select %eq3A_783, %gather3A_799, %select_n3A_757 : vector<16xi1>, vector<16xf32>
      %eq3A_801 = arith.constant 10 : i32
      %eq3A_802 = vector.broadcast %eq3A_801 : i32 to vector<16xi32>
      %eq3A_803 = arith.cmpi eq, %iota3A, %eq3A_802 : vector<16xi32>
      %mul3A_804 = arith.constant 0 : i32
      %mul3A_805 = vector.broadcast %mul3A_804 : i32 to vector<16xi32>
      %mul3A_806 = arith.muli %iota3A, %mul3A_805 : vector<16xi32>
      %add3A_807 = arith.constant 7 : i32
      %add3A_808 = vector.broadcast %add3A_807 : i32 to vector<16xi32>
      %add3A_809 = arith.addi %mul3A_806, %add3A_808 : vector<16xi32>
      %lt3A_810 = arith.constant 0 : i32
      %lt3A_811 = vector.broadcast %lt3A_810 : i32 to vector<16xi32>
      %lt3A_812 = arith.cmpi slt, %add3A_809, %lt3A_811 : vector<16xi32>
      %add3A_813 = arith.constant 16 : i32
      %add3A_814 = vector.broadcast %add3A_813 : i32 to vector<16xi32>
      %add3A_815 = arith.addi %add3A_809, %add3A_814 : vector<16xi32>
      %select_n3A_816 = arith.select %lt3A_812, %add3A_815, %add3A_809 : vector<16xi1>, vector<16xi32>
      %reshape3A_817 = vector.shape_cast %select_n3A_816 : vector<16xi32> to vector<16x1xi32>
      %gather3A_818 = vector.shape_cast %reshape3A_817 : vector<16x1xi32> to vector<16xi32>
      %gather3A_819 = tpu.dynamic_gather %get3A_780[%gather3A_818] in [0] : vector<16xf32>, vector<16xi32> -> vector<16xf32>
      %select_n3A_820 = arith.select %eq3A_803, %gather3A_819, %select_n3A_777 : vector<16xi1>, vector<16xf32>
      %get3A_821 = arith.constant 176 : index
      %get3A_822 = tpu.vector_load %arg7[%get3A_821] {strides = array<i32>} : memref<256xf32, #tpu.memory_space<vmem>>, vector<16xf32>,
      %get3A_823 = vector.shape_cast %get3A_822 : vector<16xf32> to vector<16xf32>
      %eq3A_824 = arith.constant 11 : i32
      %eq3A_825 = vector.broadcast %eq3A_824 : i32 to vector<16xi32>
      %eq3A_826 = arith.cmpi eq, %iota3A, %eq3A_825 : vector<16xi32>
      %mul3A_827 = arith.constant 0 : i32
      %mul3A_828 = vector.broadcast %mul3A_827 : i32 to vector<16xi32>
      %mul3A_829 = arith.muli %iota3A, %mul3A_828 : vector<16xi32>
      %add3A_830 = arith.constant 0 : i32
      %add3A_831 = vector.broadcast %add3A_830 : i32 to vector<16xi32>
      %add3A_832 = arith.addi %mul3A_829, %add3A_831 : vector<16xi32>
      %lt3A_833 = arith.constant 0 : i32
      %lt3A_834 = vector.broadcast %lt3A_833 : i32 to vector<16xi32>
      %lt3A_835 = arith.cmpi slt, %add3A_832, %lt3A_834 : vector<16xi32>
      %add3A_836 = arith.constant 16 : i32
      %add3A_837 = vector.broadcast %add3A_836 : i32 to vector<16xi32>
      %add3A_838 = arith.addi %add3A_832, %add3A_837 : vector<16xi32>
      %select_n3A_839 = arith.select %lt3A_835, %add3A_838, %add3A_832 : vector<16xi1>, vector<16xi32>
      %reshape3A_840 = vector.shape_cast %select_n3A_839 : vector<16xi32> to vector<16x1xi32>
      %gather3A_841 = vector.shape_cast %reshape3A_840 : vector<16x1xi32> to vector<16xi32>
      %gather3A_842 = tpu.dynamic_gather %get3A_823[%gather3A_841] in [0] : vector<16xf32>, vector<16xi32> -> vector<16xf32>
      %select_n3A_843 = arith.select %eq3A_826, %gather3A_842, %select_n3A_800 : vector<16xi1>, vector<16xf32>
      %eq3A_844 = arith.constant 11 : i32
      %eq3A_845 = vector.broadcast %eq3A_844 : i32 to vector<16xi32>
      %eq3A_846 = arith.cmpi eq, %iota3A, %eq3A_845 : vector<16xi32>
      %mul3A_847 = arith.constant 0 : i32
      %mul3A_848 = vector.broadcast %mul3A_847 : i32 to vector<16xi32>
      %mul3A_849 = arith.muli %iota3A, %mul3A_848 : vector<16xi32>
      %add3A_850 = arith.constant 7 : i32
      %add3A_851 = vector.broadcast %add3A_850 : i32 to vector<16xi32>
      %add3A_852 = arith.addi %mul3A_849, %add3A_851 : vector<16xi32>
      %lt3A_853 = arith.constant 0 : i32
      %lt3A_854 = vector.broadcast %lt3A_853 : i32 to vector<16xi32>
      %lt3A_855 = arith.cmpi slt, %add3A_852, %lt3A_854 : vector<16xi32>
      %add3A_856 = arith.constant 16 : i32
      %add3A_857 = vector.broadcast %add3A_856 : i32 to vector<16xi32>
      %add3A_858 = arith.addi %add3A_852, %add3A_857 : vector<16xi32>
      %select_n3A_859 = arith.select %lt3A_855, %add3A_858, %add3A_852 : vector<16xi1>, vector<16xi32>
      %reshape3A_860 = vector.shape_cast %select_n3A_859 : vector<16xi32> to vector<16x1xi32>
      %gather3A_861 = vector.shape_cast %reshape3A_860 : vector<16x1xi32> to vector<16xi32>
      %gather3A_862 = tpu.dynamic_gather %get3A_823[%gather3A_861] in [0] : vector<16xf32>, vector<16xi32> -> vector<16xf32>
      %select_n3A_863 = arith.select %eq3A_846, %gather3A_862, %select_n3A_820 : vector<16xi1>, vector<16xf32>
      %get3A_864 = arith.constant 192 : index
      %get3A_865 = tpu.vector_load %arg7[%get3A_864] {strides = array<i32>} : memref<256xf32, #tpu.memory_space<vmem>>, vector<16xf32>,
      %get3A_866 = vector.shape_cast %get3A_865 : vector<16xf32> to vector<16xf32>
      %eq3A_867 = arith.constant 12 : i32
      %eq3A_868 = vector.broadcast %eq3A_867 : i32 to vector<16xi32>
      %eq3A_869 = arith.cmpi eq, %iota3A, %eq3A_868 : vector<16xi32>
      %mul3A_870 = arith.constant 0 : i32
      %mul3A_871 = vector.broadcast %mul3A_870 : i32 to vector<16xi32>
      %mul3A_872 = arith.muli %iota3A, %mul3A_871 : vector<16xi32>
      %add3A_873 = arith.constant 0 : i32
      %add3A_874 = vector.broadcast %add3A_873 : i32 to vector<16xi32>
      %add3A_875 = arith.addi %mul3A_872, %add3A_874 : vector<16xi32>
      %lt3A_876 = arith.constant 0 : i32
      %lt3A_877 = vector.broadcast %lt3A_876 : i32 to vector<16xi32>
      %lt3A_878 = arith.cmpi slt, %add3A_875, %lt3A_877 : vector<16xi32>
      %add3A_879 = arith.constant 16 : i32
      %add3A_880 = vector.broadcast %add3A_879 : i32 to vector<16xi32>
      %add3A_881 = arith.addi %add3A_875, %add3A_880 : vector<16xi32>
      %select_n3A_882 = arith.select %lt3A_878, %add3A_881, %add3A_875 : vector<16xi1>, vector<16xi32>
      %reshape3A_883 = vector.shape_cast %select_n3A_882 : vector<16xi32> to vector<16x1xi32>
      %gather3A_884 = vector.shape_cast %reshape3A_883 : vector<16x1xi32> to vector<16xi32>
      %gather3A_885 = tpu.dynamic_gather %get3A_866[%gather3A_884] in [0] : vector<16xf32>, vector<16xi32> -> vector<16xf32>
      %select_n3A_886 = arith.select %eq3A_869, %gather3A_885, %select_n3A_843 : vector<16xi1>, vector<16xf32>
      %eq3A_887 = arith.constant 12 : i32
      %eq3A_888 = vector.broadcast %eq3A_887 : i32 to vector<16xi32>
      %eq3A_889 = arith.cmpi eq, %iota3A, %eq3A_888 : vector<16xi32>
      %mul3A_890 = arith.constant 0 : i32
      %mul3A_891 = vector.broadcast %mul3A_890 : i32 to vector<16xi32>
      %mul3A_892 = arith.muli %iota3A, %mul3A_891 : vector<16xi32>
      %add3A_893 = arith.constant 7 : i32
      %add3A_894 = vector.broadcast %add3A_893 : i32 to vector<16xi32>
      %add3A_895 = arith.addi %mul3A_892, %add3A_894 : vector<16xi32>
      %lt3A_896 = arith.constant 0 : i32
      %lt3A_897 = vector.broadcast %lt3A_896 : i32 to vector<16xi32>
      %lt3A_898 = arith.cmpi slt, %add3A_895, %lt3A_897 : vector<16xi32>
      %add3A_899 = arith.constant 16 : i32
      %add3A_900 = vector.broadcast %add3A_899 : i32 to vector<16xi32>
      %add3A_901 = arith.addi %add3A_895, %add3A_900 : vector<16xi32>
      %select_n3A_902 = arith.select %lt3A_898, %add3A_901, %add3A_895 : vector<16xi1>, vector<16xi32>
      %reshape3A_903 = vector.shape_cast %select_n3A_902 : vector<16xi32> to vector<16x1xi32>
      %gather3A_904 = vector.shape_cast %reshape3A_903 : vector<16x1xi32> to vector<16xi32>
      %gather3A_905 = tpu.dynamic_gather %get3A_866[%gather3A_904] in [0] : vector<16xf32>, vector<16xi32> -> vector<16xf32>
      %select_n3A_906 = arith.select %eq3A_889, %gather3A_905, %select_n3A_863 : vector<16xi1>, vector<16xf32>
      %get3A_907 = arith.constant 208 : index
      %get3A_908 = tpu.vector_load %arg7[%get3A_907] {strides = array<i32>} : memref<256xf32, #tpu.memory_space<vmem>>, vector<16xf32>,
      %get3A_909 = vector.shape_cast %get3A_908 : vector<16xf32> to vector<16xf32>
      %eq3A_910 = arith.constant 13 : i32
      %eq3A_911 = vector.broadcast %eq3A_910 : i32 to vector<16xi32>
      %eq3A_912 = arith.cmpi eq, %iota3A, %eq3A_911 : vector<16xi32>
      %mul3A_913 = arith.constant 0 : i32
      %mul3A_914 = vector.broadcast %mul3A_913 : i32 to vector<16xi32>
      %mul3A_915 = arith.muli %iota3A, %mul3A_914 : vector<16xi32>
      %add3A_916 = arith.constant 0 : i32
      %add3A_917 = vector.broadcast %add3A_916 : i32 to vector<16xi32>
      %add3A_918 = arith.addi %mul3A_915, %add3A_917 : vector<16xi32>
      %lt3A_919 = arith.constant 0 : i32
      %lt3A_920 = vector.broadcast %lt3A_919 : i32 to vector<16xi32>
      %lt3A_921 = arith.cmpi slt, %add3A_918, %lt3A_920 : vector<16xi32>
      %add3A_922 = arith.constant 16 : i32
      %add3A_923 = vector.broadcast %add3A_922 : i32 to vector<16xi32>
      %add3A_924 = arith.addi %add3A_918, %add3A_923 : vector<16xi32>
      %select_n3A_925 = arith.select %lt3A_921, %add3A_924, %add3A_918 : vector<16xi1>, vector<16xi32>
      %reshape3A_926 = vector.shape_cast %select_n3A_925 : vector<16xi32> to vector<16x1xi32>
      %gather3A_927 = vector.shape_cast %reshape3A_926 : vector<16x1xi32> to vector<16xi32>
      %gather3A_928 = tpu.dynamic_gather %get3A_909[%gather3A_927] in [0] : vector<16xf32>, vector<16xi32> -> vector<16xf32>
      %select_n3A_929 = arith.select %eq3A_912, %gather3A_928, %select_n3A_886 : vector<16xi1>, vector<16xf32>
      %eq3A_930 = arith.constant 13 : i32
      %eq3A_931 = vector.broadcast %eq3A_930 : i32 to vector<16xi32>
      %eq3A_932 = arith.cmpi eq, %iota3A, %eq3A_931 : vector<16xi32>
      %mul3A_933 = arith.constant 0 : i32
      %mul3A_934 = vector.broadcast %mul3A_933 : i32 to vector<16xi32>
      %mul3A_935 = arith.muli %iota3A, %mul3A_934 : vector<16xi32>
      %add3A_936 = arith.constant 7 : i32
      %add3A_937 = vector.broadcast %add3A_936 : i32 to vector<16xi32>
      %add3A_938 = arith.addi %mul3A_935, %add3A_937 : vector<16xi32>
      %lt3A_939 = arith.constant 0 : i32
      %lt3A_940 = vector.broadcast %lt3A_939 : i32 to vector<16xi32>
      %lt3A_941 = arith.cmpi slt, %add3A_938, %lt3A_940 : vector<16xi32>
      %add3A_942 = arith.constant 16 : i32
      %add3A_943 = vector.broadcast %add3A_942 : i32 to vector<16xi32>
      %add3A_944 = arith.addi %add3A_938, %add3A_943 : vector<16xi32>
      %select_n3A_945 = arith.select %lt3A_941, %add3A_944, %add3A_938 : vector<16xi1>, vector<16xi32>
      %reshape3A_946 = vector.shape_cast %select_n3A_945 : vector<16xi32> to vector<16x1xi32>
      %gather3A_947 = vector.shape_cast %reshape3A_946 : vector<16x1xi32> to vector<16xi32>
      %gather3A_948 = tpu.dynamic_gather %get3A_909[%gather3A_947] in [0] : vector<16xf32>, vector<16xi32> -> vector<16xf32>
      %select_n3A_949 = arith.select %eq3A_932, %gather3A_948, %select_n3A_906 : vector<16xi1>, vector<16xf32>
      %get3A_950 = arith.constant 224 : index
      %get3A_951 = tpu.vector_load %arg7[%get3A_950] {strides = array<i32>} : memref<256xf32, #tpu.memory_space<vmem>>, vector<16xf32>,
      %get3A_952 = vector.shape_cast %get3A_951 : vector<16xf32> to vector<16xf32>
      %eq3A_953 = arith.constant 14 : i32
      %eq3A_954 = vector.broadcast %eq3A_953 : i32 to vector<16xi32>
      %eq3A_955 = arith.cmpi eq, %iota3A, %eq3A_954 : vector<16xi32>
      %mul3A_956 = arith.constant 0 : i32
      %mul3A_957 = vector.broadcast %mul3A_956 : i32 to vector<16xi32>
      %mul3A_958 = arith.muli %iota3A, %mul3A_957 : vector<16xi32>
      %add3A_959 = arith.constant 0 : i32
      %add3A_960 = vector.broadcast %add3A_959 : i32 to vector<16xi32>
      %add3A_961 = arith.addi %mul3A_958, %add3A_960 : vector<16xi32>
      %lt3A_962 = arith.constant 0 : i32
      %lt3A_963 = vector.broadcast %lt3A_962 : i32 to vector<16xi32>
      %lt3A_964 = arith.cmpi slt, %add3A_961, %lt3A_963 : vector<16xi32>
      %add3A_965 = arith.constant 16 : i32
      %add3A_966 = vector.broadcast %add3A_965 : i32 to vector<16xi32>
      %add3A_967 = arith.addi %add3A_961, %add3A_966 : vector<16xi32>
      %select_n3A_968 = arith.select %lt3A_964, %add3A_967, %add3A_961 : vector<16xi1>, vector<16xi32>
      %reshape3A_969 = vector.shape_cast %select_n3A_968 : vector<16xi32> to vector<16x1xi32>
      %gather3A_970 = vector.shape_cast %reshape3A_969 : vector<16x1xi32> to vector<16xi32>
      %gather3A_971 = tpu.dynamic_gather %get3A_952[%gather3A_970] in [0] : vector<16xf32>, vector<16xi32> -> vector<16xf32>
      %select_n3A_972 = arith.select %eq3A_955, %gather3A_971, %select_n3A_929 : vector<16xi1>, vector<16xf32>
      %eq3A_973 = arith.constant 14 : i32
      %eq3A_974 = vector.broadcast %eq3A_973 : i32 to vector<16xi32>
      %eq3A_975 = arith.cmpi eq, %iota3A, %eq3A_974 : vector<16xi32>
      %mul3A_976 = arith.constant 0 : i32
      %mul3A_977 = vector.broadcast %mul3A_976 : i32 to vector<16xi32>
      %mul3A_978 = arith.muli %iota3A, %mul3A_977 : vector<16xi32>
      %add3A_979 = arith.constant 7 : i32
      %add3A_980 = vector.broadcast %add3A_979 : i32 to vector<16xi32>
      %add3A_981 = arith.addi %mul3A_978, %add3A_980 : vector<16xi32>
      %lt3A_982 = arith.constant 0 : i32
      %lt3A_983 = vector.broadcast %lt3A_982 : i32 to vector<16xi32>
      %lt3A_984 = arith.cmpi slt, %add3A_981, %lt3A_983 : vector<16xi32>
      %add3A_985 = arith.constant 16 : i32
      %add3A_986 = vector.broadcast %add3A_985 : i32 to vector<16xi32>
      %add3A_987 = arith.addi %add3A_981, %add3A_986 : vector<16xi32>
      %select_n3A_988 = arith.select %lt3A_984, %add3A_987, %add3A_981 : vector<16xi1>, vector<16xi32>
      %reshape3A_989 = vector.shape_cast %select_n3A_988 : vector<16xi32> to vector<16x1xi32>
      %gather3A_990 = vector.shape_cast %reshape3A_989 : vector<16x1xi32> to vector<16xi32>
      %gather3A_991 = tpu.dynamic_gather %get3A_952[%gather3A_990] in [0] : vector<16xf32>, vector<16xi32> -> vector<16xf32>
      %select_n3A_992 = arith.select %eq3A_975, %gather3A_991, %select_n3A_949 : vector<16xi1>, vector<16xf32>
      %get3A_993 = arith.constant 240 : index
      %get3A_994 = tpu.vector_load %arg7[%get3A_993] {strides = array<i32>} : memref<256xf32, #tpu.memory_space<vmem>>, vector<16xf32>,
      %get3A_995 = vector.shape_cast %get3A_994 : vector<16xf32> to vector<16xf32>
      %eq3A_996 = arith.constant 15 : i32
      %eq3A_997 = vector.broadcast %eq3A_996 : i32 to vector<16xi32>
      %eq3A_998 = arith.cmpi eq, %iota3A, %eq3A_997 : vector<16xi32>
      %mul3A_999 = arith.constant 0 : i32
      %mul3A_1000 = vector.broadcast %mul3A_999 : i32 to vector<16xi32>
      %mul3A_1001 = arith.muli %iota3A, %mul3A_1000 : vector<16xi32>
      %add3A_1002 = arith.constant 0 : i32
      %add3A_1003 = vector.broadcast %add3A_1002 : i32 to vector<16xi32>
      %add3A_1004 = arith.addi %mul3A_1001, %add3A_1003 : vector<16xi32>
      %lt3A_1005 = arith.constant 0 : i32
      %lt3A_1006 = vector.broadcast %lt3A_1005 : i32 to vector<16xi32>
      %lt3A_1007 = arith.cmpi slt, %add3A_1004, %lt3A_1006 : vector<16xi32>
      %add3A_1008 = arith.constant 16 : i32
      %add3A_1009 = vector.broadcast %add3A_1008 : i32 to vector<16xi32>
      %add3A_1010 = arith.addi %add3A_1004, %add3A_1009 : vector<16xi32>
      %select_n3A_1011 = arith.select %lt3A_1007, %add3A_1010, %add3A_1004 : vector<16xi1>, vector<16xi32>
      %reshape3A_1012 = vector.shape_cast %select_n3A_1011 : vector<16xi32> to vector<16x1xi32>
      %gather3A_1013 = vector.shape_cast %reshape3A_1012 : vector<16x1xi32> to vector<16xi32>
      %gather3A_1014 = tpu.dynamic_gather %get3A_995[%gather3A_1013] in [0] : vector<16xf32>, vector<16xi32> -> vector<16xf32>
      %select_n3A_1015 = arith.select %eq3A_998, %gather3A_1014, %select_n3A_972 : vector<16xi1>, vector<16xf32>
      %eq3A_1016 = arith.constant 15 : i32
      %eq3A_1017 = vector.broadcast %eq3A_1016 : i32 to vector<16xi32>
      %eq3A_1018 = arith.cmpi eq, %iota3A, %eq3A_1017 : vector<16xi32>
      %mul3A_1019 = arith.constant 0 : i32
      %mul3A_1020 = vector.broadcast %mul3A_1019 : i32 to vector<16xi32>
      %mul3A_1021 = arith.muli %iota3A, %mul3A_1020 : vector<16xi32>
      %add3A_1022 = arith.constant 7 : i32
      %add3A_1023 = vector.broadcast %add3A_1022 : i32 to vector<16xi32>
      %add3A_1024 = arith.addi %mul3A_1021, %add3A_1023 : vector<16xi32>
      %lt3A_1025 = arith.constant 0 : i32
      %lt3A_1026 = vector.broadcast %lt3A_1025 : i32 to vector<16xi32>
      %lt3A_1027 = arith.cmpi slt, %add3A_1024, %lt3A_1026 : vector<16xi32>
      %add3A_1028 = arith.constant 16 : i32
      %add3A_1029 = vector.broadcast %add3A_1028 : i32 to vector<16xi32>
      %add3A_1030 = arith.addi %add3A_1024, %add3A_1029 : vector<16xi32>
      %select_n3A_1031 = arith.select %lt3A_1027, %add3A_1030, %add3A_1024 : vector<16xi1>, vector<16xi32>
      %reshape3A_1032 = vector.shape_cast %select_n3A_1031 : vector<16xi32> to vector<16x1xi32>
      %gather3A_1033 = vector.shape_cast %reshape3A_1032 : vector<16x1xi32> to vector<16xi32>
      %gather3A_1034 = tpu.dynamic_gather %get3A_995[%gather3A_1033] in [0] : vector<16xf32>, vector<16xi32> -> vector<16xf32>
      %select_n3A_1035 = arith.select %eq3A_1018, %gather3A_1034, %select_n3A_992 : vector<16xi1>, vector<16xf32>
      %iota3A_1036 = tpu.iota {dimensions = array<i32: 0>} : vector<16xi32>
      %xor3A_1037 = arith.constant 1 : i32
      %xor3A_1038 = vector.broadcast %xor3A_1037 : i32 to vector<16xi32>
      %xor3A_1039 = arith.xori %iota3A_1036, %xor3A_1038 : vector<16xi32>
      %lt3A_1040 = arith.constant 0 : i32
      %lt3A_1041 = vector.broadcast %lt3A_1040 : i32 to vector<16xi32>
      %lt3A_1042 = arith.cmpi slt, %xor3A_1039, %lt3A_1041 : vector<16xi32>
      %add3A_1043 = arith.constant 16 : i32
      %add3A_1044 = vector.broadcast %add3A_1043 : i32 to vector<16xi32>
      %add3A_1045 = arith.addi %xor3A_1039, %add3A_1044 : vector<16xi32>
      %select_n3A_1046 = arith.select %lt3A_1042, %add3A_1045, %xor3A_1039 : vector<16xi1>, vector<16xi32>
      %reshape3A_1047 = vector.shape_cast %select_n3A_1046 : vector<16xi32> to vector<16x1xi32>
      %gather3A_1048 = vector.shape_cast %reshape3A_1047 : vector<16x1xi32> to vector<16xi32>
      %gather3A_1049 = tpu.dynamic_gather %select_n3A_1015[%gather3A_1048] in [0] : vector<16xf32>, vector<16xi32> -> vector<16xf32>
      %max3A_1050 = arith.maximumf %select_n3A_1015, %gather3A_1049 : vector<16xf32>
      %xor3A_1051 = arith.constant 2 : i32
      %xor3A_1052 = vector.broadcast %xor3A_1051 : i32 to vector<16xi32>
      %xor3A_1053 = arith.xori %iota3A_1036, %xor3A_1052 : vector<16xi32>
      %lt3A_1054 = arith.constant 0 : i32
      %lt3A_1055 = vector.broadcast %lt3A_1054 : i32 to vector<16xi32>
      %lt3A_1056 = arith.cmpi slt, %xor3A_1053, %lt3A_1055 : vector<16xi32>
      %add3A_1057 = arith.constant 16 : i32
      %add3A_1058 = vector.broadcast %add3A_1057 : i32 to vector<16xi32>
      %add3A_1059 = arith.addi %xor3A_1053, %add3A_1058 : vector<16xi32>
      %select_n3A_1060 = arith.select %lt3A_1056, %add3A_1059, %xor3A_1053 : vector<16xi1>, vector<16xi32>
      %reshape3A_1061 = vector.shape_cast %select_n3A_1060 : vector<16xi32> to vector<16x1xi32>
      %gather3A_1062 = vector.shape_cast %reshape3A_1061 : vector<16x1xi32> to vector<16xi32>
      %gather3A_1063 = tpu.dynamic_gather %max3A_1050[%gather3A_1062] in [0] : vector<16xf32>, vector<16xi32> -> vector<16xf32>
      %max3A_1064 = arith.maximumf %max3A_1050, %gather3A_1063 : vector<16xf32>
      %xor3A_1065 = arith.constant 4 : i32
      %xor3A_1066 = vector.broadcast %xor3A_1065 : i32 to vector<16xi32>
      %xor3A_1067 = arith.xori %iota3A_1036, %xor3A_1066 : vector<16xi32>
      %lt3A_1068 = arith.constant 0 : i32
      %lt3A_1069 = vector.broadcast %lt3A_1068 : i32 to vector<16xi32>
      %lt3A_1070 = arith.cmpi slt, %xor3A_1067, %lt3A_1069 : vector<16xi32>
      %add3A_1071 = arith.constant 16 : i32
      %add3A_1072 = vector.broadcast %add3A_1071 : i32 to vector<16xi32>
      %add3A_1073 = arith.addi %xor3A_1067, %add3A_1072 : vector<16xi32>
      %select_n3A_1074 = arith.select %lt3A_1070, %add3A_1073, %xor3A_1067 : vector<16xi1>, vector<16xi32>
      %reshape3A_1075 = vector.shape_cast %select_n3A_1074 : vector<16xi32> to vector<16x1xi32>
      %gather3A_1076 = vector.shape_cast %reshape3A_1075 : vector<16x1xi32> to vector<16xi32>
      %gather3A_1077 = tpu.dynamic_gather %max3A_1064[%gather3A_1076] in [0] : vector<16xf32>, vector<16xi32> -> vector<16xf32>
      %max3A_1078 = arith.maximumf %max3A_1064, %gather3A_1077 : vector<16xf32>
      %xor3A_1079 = arith.constant 8 : i32
      %xor3A_1080 = vector.broadcast %xor3A_1079 : i32 to vector<16xi32>
      %xor3A_1081 = arith.xori %iota3A_1036, %xor3A_1080 : vector<16xi32>
      %lt3A_1082 = arith.constant 0 : i32
      %lt3A_1083 = vector.broadcast %lt3A_1082 : i32 to vector<16xi32>
      %lt3A_1084 = arith.cmpi slt, %xor3A_1081, %lt3A_1083 : vector<16xi32>
      %add3A_1085 = arith.constant 16 : i32
      %add3A_1086 = vector.broadcast %add3A_1085 : i32 to vector<16xi32>
      %add3A_1087 = arith.addi %xor3A_1081, %add3A_1086 : vector<16xi32>
      %select_n3A_1088 = arith.select %lt3A_1084, %add3A_1087, %xor3A_1081 : vector<16xi1>, vector<16xi32>
      %reshape3A_1089 = vector.shape_cast %select_n3A_1088 : vector<16xi32> to vector<16x1xi32>
      %gather3A_1090 = vector.shape_cast %reshape3A_1089 : vector<16x1xi32> to vector<16xi32>
      %gather3A_1091 = tpu.dynamic_gather %max3A_1078[%gather3A_1090] in [0] : vector<16xf32>, vector<16xi32> -> vector<16xf32>
      %max3A_1092 = arith.maximumf %max3A_1078, %gather3A_1091 : vector<16xf32>
      %eq3A_1093 = arith.cmpf oeq, %select_n3A_1015, %max3A_1092 : vector<16xf32>
      %jit3A_1094 = arith.constant 3.000000e+09 : f32
      %broadcast_in_dim3A_1095 = vector.broadcast %jit3A_1094 : f32 to vector<16xf32>
      %select_n3A_1096 = arith.select %eq3A_1093, %select_n3A_1035, %broadcast_in_dim3A_1095 : vector<16xi1>, vector<16xf32>
      %iota3A_1097 = tpu.iota {dimensions = array<i32: 0>} : vector<16xi32>
      %xor3A_1098 = arith.constant 1 : i32
      %xor3A_1099 = vector.broadcast %xor3A_1098 : i32 to vector<16xi32>
      %xor3A_1100 = arith.xori %iota3A_1097, %xor3A_1099 : vector<16xi32>
      %lt3A_1101 = arith.constant 0 : i32
      %lt3A_1102 = vector.broadcast %lt3A_1101 : i32 to vector<16xi32>
      %lt3A_1103 = arith.cmpi slt, %xor3A_1100, %lt3A_1102 : vector<16xi32>
      %add3A_1104 = arith.constant 16 : i32
      %add3A_1105 = vector.broadcast %add3A_1104 : i32 to vector<16xi32>
      %add3A_1106 = arith.addi %xor3A_1100, %add3A_1105 : vector<16xi32>
      %select_n3A_1107 = arith.select %lt3A_1103, %add3A_1106, %xor3A_1100 : vector<16xi1>, vector<16xi32>
      %reshape3A_1108 = vector.shape_cast %select_n3A_1107 : vector<16xi32> to vector<16x1xi32>
      %gather3A_1109 = vector.shape_cast %reshape3A_1108 : vector<16x1xi32> to vector<16xi32>
      %gather3A_1110 = tpu.dynamic_gather %select_n3A_1096[%gather3A_1109] in [0] : vector<16xf32>, vector<16xi32> -> vector<16xf32>
      %min3A_1111 = arith.minimumf %select_n3A_1096, %gather3A_1110 : vector<16xf32>
      %xor3A_1112 = arith.constant 2 : i32
      %xor3A_1113 = vector.broadcast %xor3A_1112 : i32 to vector<16xi32>
      %xor3A_1114 = arith.xori %iota3A_1097, %xor3A_1113 : vector<16xi32>
      %lt3A_1115 = arith.constant 0 : i32
      %lt3A_1116 = vector.broadcast %lt3A_1115 : i32 to vector<16xi32>
      %lt3A_1117 = arith.cmpi slt, %xor3A_1114, %lt3A_1116 : vector<16xi32>
      %add3A_1118 = arith.constant 16 : i32
      %add3A_1119 = vector.broadcast %add3A_1118 : i32 to vector<16xi32>
      %add3A_1120 = arith.addi %xor3A_1114, %add3A_1119 : vector<16xi32>
      %select_n3A_1121 = arith.select %lt3A_1117, %add3A_1120, %xor3A_1114 : vector<16xi1>, vector<16xi32>
      %reshape3A_1122 = vector.shape_cast %select_n3A_1121 : vector<16xi32> to vector<16x1xi32>
      %gather3A_1123 = vector.shape_cast %reshape3A_1122 : vector<16x1xi32> to vector<16xi32>
      %gather3A_1124 = tpu.dynamic_gather %min3A_1111[%gather3A_1123] in [0] : vector<16xf32>, vector<16xi32> -> vector<16xf32>
      %min3A_1125 = arith.minimumf %min3A_1111, %gather3A_1124 : vector<16xf32>
      %xor3A_1126 = arith.constant 4 : i32
      %xor3A_1127 = vector.broadcast %xor3A_1126 : i32 to vector<16xi32>
      %xor3A_1128 = arith.xori %iota3A_1097, %xor3A_1127 : vector<16xi32>
      %lt3A_1129 = arith.constant 0 : i32
      %lt3A_1130 = vector.broadcast %lt3A_1129 : i32 to vector<16xi32>
      %lt3A_1131 = arith.cmpi slt, %xor3A_1128, %lt3A_1130 : vector<16xi32>
      %add3A_1132 = arith.constant 16 : i32
      %add3A_1133 = vector.broadcast %add3A_1132 : i32 to vector<16xi32>
      %add3A_1134 = arith.addi %xor3A_1128, %add3A_1133 : vector<16xi32>
      %select_n3A_1135 = arith.select %lt3A_1131, %add3A_1134, %xor3A_1128 : vector<16xi1>, vector<16xi32>
      %reshape3A_1136 = vector.shape_cast %select_n3A_1135 : vector<16xi32> to vector<16x1xi32>
      %gather3A_1137 = vector.shape_cast %reshape3A_1136 : vector<16x1xi32> to vector<16xi32>
      %gather3A_1138 = tpu.dynamic_gather %min3A_1125[%gather3A_1137] in [0] : vector<16xf32>, vector<16xi32> -> vector<16xf32>
      %min3A_1139 = arith.minimumf %min3A_1125, %gather3A_1138 : vector<16xf32>
      %xor3A_1140 = arith.constant 8 : i32
      %xor3A_1141 = vector.broadcast %xor3A_1140 : i32 to vector<16xi32>
      %xor3A_1142 = arith.xori %iota3A_1097, %xor3A_1141 : vector<16xi32>
      %lt3A_1143 = arith.constant 0 : i32
      %lt3A_1144 = vector.broadcast %lt3A_1143 : i32 to vector<16xi32>
      %lt3A_1145 = arith.cmpi slt, %xor3A_1142, %lt3A_1144 : vector<16xi32>
      %add3A_1146 = arith.constant 16 : i32
      %add3A_1147 = vector.broadcast %add3A_1146 : i32 to vector<16xi32>
      %add3A_1148 = arith.addi %xor3A_1142, %add3A_1147 : vector<16xi32>
      %select_n3A_1149 = arith.select %lt3A_1145, %add3A_1148, %xor3A_1142 : vector<16xi1>, vector<16xi32>
      %reshape3A_1150 = vector.shape_cast %select_n3A_1149 : vector<16xi32> to vector<16x1xi32>
      %gather3A_1151 = vector.shape_cast %reshape3A_1150 : vector<16x1xi32> to vector<16xi32>
      %gather3A_1152 = tpu.dynamic_gather %min3A_1139[%gather3A_1151] in [0] : vector<16xf32>, vector<16xi32> -> vector<16xf32>
      %min3A_1153 = arith.minimumf %min3A_1139, %gather3A_1152 : vector<16xf32>
      %convert_element_type3A_1154 = arith.fptosi %min3A_1153 : vector<16xf32> to vector<16xi32>
      %eq3A_1155 = arith.cmpf oeq, %select_n3A_1035, %min3A_1153 : vector<16xf32>
      %jit3A_1156 = arith.constant 99 : i32
      %broadcast_in_dim3A_1157 = vector.broadcast %jit3A_1156 : i32 to vector<16xi32>
      %select_n3A_1158 = arith.select %eq3A_1155, %iota3A, %broadcast_in_dim3A_1157 : vector<16xi1>, vector<16xi32>
      %iota3A_1159 = tpu.iota {dimensions = array<i32: 0>} : vector<16xi32>
      %xor3A_1160 = arith.constant 1 : i32
      %xor3A_1161 = vector.broadcast %xor3A_1160 : i32 to vector<16xi32>
      %xor3A_1162 = arith.xori %iota3A_1159, %xor3A_1161 : vector<16xi32>
      %lt3A_1163 = arith.constant 0 : i32
      %lt3A_1164 = vector.broadcast %lt3A_1163 : i32 to vector<16xi32>
      %lt3A_1165 = arith.cmpi slt, %xor3A_1162, %lt3A_1164 : vector<16xi32>
      %add3A_1166 = arith.constant 16 : i32
      %add3A_1167 = vector.broadcast %add3A_1166 : i32 to vector<16xi32>
      %add3A_1168 = arith.addi %xor3A_1162, %add3A_1167 : vector<16xi32>
      %select_n3A_1169 = arith.select %lt3A_1165, %add3A_1168, %xor3A_1162 : vector<16xi1>, vector<16xi32>
      %reshape3A_1170 = vector.shape_cast %select_n3A_1169 : vector<16xi32> to vector<16x1xi32>
      %gather3A_1171 = vector.shape_cast %reshape3A_1170 : vector<16x1xi32> to vector<16xi32>
      %gather3A_1172 = tpu.dynamic_gather %select_n3A_1158[%gather3A_1171] in [0] : vector<16xi32>, vector<16xi32> -> vector<16xi32>
      %min3A_1173 = arith.minsi %select_n3A_1158, %gather3A_1172 : vector<16xi32>
      %xor3A_1174 = arith.constant 2 : i32
      %xor3A_1175 = vector.broadcast %xor3A_1174 : i32 to vector<16xi32>
      %xor3A_1176 = arith.xori %iota3A_1159, %xor3A_1175 : vector<16xi32>
      %lt3A_1177 = arith.constant 0 : i32
      %lt3A_1178 = vector.broadcast %lt3A_1177 : i32 to vector<16xi32>
      %lt3A_1179 = arith.cmpi slt, %xor3A_1176, %lt3A_1178 : vector<16xi32>
      %add3A_1180 = arith.constant 16 : i32
      %add3A_1181 = vector.broadcast %add3A_1180 : i32 to vector<16xi32>
      %add3A_1182 = arith.addi %xor3A_1176, %add3A_1181 : vector<16xi32>
      %select_n3A_1183 = arith.select %lt3A_1179, %add3A_1182, %xor3A_1176 : vector<16xi1>, vector<16xi32>
      %reshape3A_1184 = vector.shape_cast %select_n3A_1183 : vector<16xi32> to vector<16x1xi32>
      %gather3A_1185 = vector.shape_cast %reshape3A_1184 : vector<16x1xi32> to vector<16xi32>
      %gather3A_1186 = tpu.dynamic_gather %min3A_1173[%gather3A_1185] in [0] : vector<16xi32>, vector<16xi32> -> vector<16xi32>
      %min3A_1187 = arith.minsi %min3A_1173, %gather3A_1186 : vector<16xi32>
      %xor3A_1188 = arith.constant 4 : i32
      %xor3A_1189 = vector.broadcast %xor3A_1188 : i32 to vector<16xi32>
      %xor3A_1190 = arith.xori %iota3A_1159, %xor3A_1189 : vector<16xi32>
      %lt3A_1191 = arith.constant 0 : i32
      %lt3A_1192 = vector.broadcast %lt3A_1191 : i32 to vector<16xi32>
      %lt3A_1193 = arith.cmpi slt, %xor3A_1190, %lt3A_1192 : vector<16xi32>
      %add3A_1194 = arith.constant 16 : i32
      %add3A_1195 = vector.broadcast %add3A_1194 : i32 to vector<16xi32>
      %add3A_1196 = arith.addi %xor3A_1190, %add3A_1195 : vector<16xi32>
      %select_n3A_1197 = arith.select %lt3A_1193, %add3A_1196, %xor3A_1190 : vector<16xi1>, vector<16xi32>
      %reshape3A_1198 = vector.shape_cast %select_n3A_1197 : vector<16xi32> to vector<16x1xi32>
      %gather3A_1199 = vector.shape_cast %reshape3A_1198 : vector<16x1xi32> to vector<16xi32>
      %gather3A_1200 = tpu.dynamic_gather %min3A_1187[%gather3A_1199] in [0] : vector<16xi32>, vector<16xi32> -> vector<16xi32>
      %min3A_1201 = arith.minsi %min3A_1187, %gather3A_1200 : vector<16xi32>
      %xor3A_1202 = arith.constant 8 : i32
      %xor3A_1203 = vector.broadcast %xor3A_1202 : i32 to vector<16xi32>
      %xor3A_1204 = arith.xori %iota3A_1159, %xor3A_1203 : vector<16xi32>
      %lt3A_1205 = arith.constant 0 : i32
      %lt3A_1206 = vector.broadcast %lt3A_1205 : i32 to vector<16xi32>
      %lt3A_1207 = arith.cmpi slt, %xor3A_1204, %lt3A_1206 : vector<16xi32>
      %add3A_1208 = arith.constant 16 : i32
      %add3A_1209 = vector.broadcast %add3A_1208 : i32 to vector<16xi32>
      %add3A_1210 = arith.addi %xor3A_1204, %add3A_1209 : vector<16xi32>
      %select_n3A_1211 = arith.select %lt3A_1207, %add3A_1210, %xor3A_1204 : vector<16xi1>, vector<16xi32>
      %reshape3A_1212 = vector.shape_cast %select_n3A_1211 : vector<16xi32> to vector<16x1xi32>
      %gather3A_1213 = vector.shape_cast %reshape3A_1212 : vector<16x1xi32> to vector<16xi32>
      %gather3A_1214 = tpu.dynamic_gather %min3A_1201[%gather3A_1213] in [0] : vector<16xi32>, vector<16xi32> -> vector<16xi32>
      %min3A_1215 = arith.minsi %min3A_1201, %gather3A_1214 : vector<16xi32>
      %slice3A_1216 = vector.extract_strided_slice %min3A_1215 {offsets = [0], sizes = [1], strides = [1]} : vector<16xi32> to vector<1xi32>
      %squeeze3A_1217 = vector.extract %slice3A_1216[0] : i32 from vector<1xi32>
      %mul3A_1218 = arith.constant 16 : i32
      %mul3A_1219 = arith.muli %squeeze3A_1217, %mul3A_1218 : i32
      %get3A_1220 = arith.index_cast %mul3A_1219 : i32 to index
      %get3A_1221 = tpu.vector_load %arg7[%get3A_1220] {strides = array<i32>} : memref<256xf32, #tpu.memory_space<vmem>>, vector<16xf32>,
      %get3A_1222 = vector.shape_cast %get3A_1221 : vector<16xf32> to vector<16xf32>
      %mul3A_1223 = arith.constant 0 : i32
      %mul3A_1224 = vector.broadcast %mul3A_1223 : i32 to vector<16xi32>
      %mul3A_1225 = arith.muli %iota3A, %mul3A_1224 : vector<16xi32>
      %add3A_1226 = arith.constant 1 : i32
      %add3A_1227 = vector.broadcast %add3A_1226 : i32 to vector<16xi32>
      %add3A_1228 = arith.addi %mul3A_1225, %add3A_1227 : vector<16xi32>
      %lt3A_1229 = arith.constant 0 : i32
      %lt3A_1230 = vector.broadcast %lt3A_1229 : i32 to vector<16xi32>
      %lt3A_1231 = arith.cmpi slt, %add3A_1228, %lt3A_1230 : vector<16xi32>
      %add3A_1232 = arith.constant 16 : i32
      %add3A_1233 = vector.broadcast %add3A_1232 : i32 to vector<16xi32>
      %add3A_1234 = arith.addi %add3A_1228, %add3A_1233 : vector<16xi32>
      %select_n3A_1235 = arith.select %lt3A_1231, %add3A_1234, %add3A_1228 : vector<16xi1>, vector<16xi32>
      %reshape3A_1236 = vector.shape_cast %select_n3A_1235 : vector<16xi32> to vector<16x1xi32>
      %gather3A_1237 = vector.shape_cast %reshape3A_1236 : vector<16x1xi32> to vector<16xi32>
      %gather3A_1238 = tpu.dynamic_gather %get3A_1222[%gather3A_1237] in [0] : vector<16xf32>, vector<16xi32> -> vector<16xf32>
      %mul3A_1239 = arith.constant 0 : i32
      %mul3A_1240 = vector.broadcast %mul3A_1239 : i32 to vector<16xi32>
      %mul3A_1241 = arith.muli %iota3A, %mul3A_1240 : vector<16xi32>
      %add3A_1242 = arith.constant 2 : i32
      %add3A_1243 = vector.broadcast %add3A_1242 : i32 to vector<16xi32>
      %add3A_1244 = arith.addi %mul3A_1241, %add3A_1243 : vector<16xi32>
      %lt3A_1245 = arith.constant 0 : i32
      %lt3A_1246 = vector.broadcast %lt3A_1245 : i32 to vector<16xi32>
      %lt3A_1247 = arith.cmpi slt, %add3A_1244, %lt3A_1246 : vector<16xi32>
      %add3A_1248 = arith.constant 16 : i32
      %add3A_1249 = vector.broadcast %add3A_1248 : i32 to vector<16xi32>
      %add3A_1250 = arith.addi %add3A_1244, %add3A_1249 : vector<16xi32>
      %select_n3A_1251 = arith.select %lt3A_1247, %add3A_1250, %add3A_1244 : vector<16xi1>, vector<16xi32>
      %reshape3A_1252 = vector.shape_cast %select_n3A_1251 : vector<16xi32> to vector<16x1xi32>
      %gather3A_1253 = vector.shape_cast %reshape3A_1252 : vector<16x1xi32> to vector<16xi32>
      %gather3A_1254 = tpu.dynamic_gather %get3A_1222[%gather3A_1253] in [0] : vector<16xf32>, vector<16xi32> -> vector<16xf32>
      %mul3A_1255 = arith.constant 0 : i32
      %mul3A_1256 = vector.broadcast %mul3A_1255 : i32 to vector<16xi32>
      %mul3A_1257 = arith.muli %iota3A, %mul3A_1256 : vector<16xi32>
      %add3A_1258 = arith.constant 3 : i32
      %add3A_1259 = vector.broadcast %add3A_1258 : i32 to vector<16xi32>
      %add3A_1260 = arith.addi %mul3A_1257, %add3A_1259 : vector<16xi32>
      %lt3A_1261 = arith.constant 0 : i32
      %lt3A_1262 = vector.broadcast %lt3A_1261 : i32 to vector<16xi32>
      %lt3A_1263 = arith.cmpi slt, %add3A_1260, %lt3A_1262 : vector<16xi32>
      %add3A_1264 = arith.constant 16 : i32
      %add3A_1265 = vector.broadcast %add3A_1264 : i32 to vector<16xi32>
      %add3A_1266 = arith.addi %add3A_1260, %add3A_1265 : vector<16xi32>
      %select_n3A_1267 = arith.select %lt3A_1263, %add3A_1266, %add3A_1260 : vector<16xi1>, vector<16xi32>
      %reshape3A_1268 = vector.shape_cast %select_n3A_1267 : vector<16xi32> to vector<16x1xi32>
      %gather3A_1269 = vector.shape_cast %reshape3A_1268 : vector<16x1xi32> to vector<16xi32>
      %gather3A_1270 = tpu.dynamic_gather %get3A_1222[%gather3A_1269] in [0] : vector<16xf32>, vector<16xi32> -> vector<16xf32>
      %mul3A_1271 = arith.constant 0 : i32
      %mul3A_1272 = vector.broadcast %mul3A_1271 : i32 to vector<16xi32>
      %mul3A_1273 = arith.muli %iota3A, %mul3A_1272 : vector<16xi32>
      %add3A_1274 = arith.constant 4 : i32
      %add3A_1275 = vector.broadcast %add3A_1274 : i32 to vector<16xi32>
      %add3A_1276 = arith.addi %mul3A_1273, %add3A_1275 : vector<16xi32>
      %lt3A_1277 = arith.constant 0 : i32
      %lt3A_1278 = vector.broadcast %lt3A_1277 : i32 to vector<16xi32>
      %lt3A_1279 = arith.cmpi slt, %add3A_1276, %lt3A_1278 : vector<16xi32>
      %add3A_1280 = arith.constant 16 : i32
      %add3A_1281 = vector.broadcast %add3A_1280 : i32 to vector<16xi32>
      %add3A_1282 = arith.addi %add3A_1276, %add3A_1281 : vector<16xi32>
      %select_n3A_1283 = arith.select %lt3A_1279, %add3A_1282, %add3A_1276 : vector<16xi1>, vector<16xi32>
      %reshape3A_1284 = vector.shape_cast %select_n3A_1283 : vector<16xi32> to vector<16x1xi32>
      %gather3A_1285 = vector.shape_cast %reshape3A_1284 : vector<16x1xi32> to vector<16xi32>
      %gather3A_1286 = tpu.dynamic_gather %get3A_1222[%gather3A_1285] in [0] : vector<16xf32>, vector<16xi32> -> vector<16xf32>
      %mul3A_1287 = arith.constant 0 : i32
      %mul3A_1288 = vector.broadcast %mul3A_1287 : i32 to vector<16xi32>
      %mul3A_1289 = arith.muli %iota3A, %mul3A_1288 : vector<16xi32>
      %add3A_1290 = arith.constant 5 : i32
      %add3A_1291 = vector.broadcast %add3A_1290 : i32 to vector<16xi32>
      %add3A_1292 = arith.addi %mul3A_1289, %add3A_1291 : vector<16xi32>
      %lt3A_1293 = arith.constant 0 : i32
      %lt3A_1294 = vector.broadcast %lt3A_1293 : i32 to vector<16xi32>
      %lt3A_1295 = arith.cmpi slt, %add3A_1292, %lt3A_1294 : vector<16xi32>
      %add3A_1296 = arith.constant 16 : i32
      %add3A_1297 = vector.broadcast %add3A_1296 : i32 to vector<16xi32>
      %add3A_1298 = arith.addi %add3A_1292, %add3A_1297 : vector<16xi32>
      %select_n3A_1299 = arith.select %lt3A_1295, %add3A_1298, %add3A_1292 : vector<16xi1>, vector<16xi32>
      %reshape3A_1300 = vector.shape_cast %select_n3A_1299 : vector<16xi32> to vector<16x1xi32>
      %gather3A_1301 = vector.shape_cast %reshape3A_1300 : vector<16x1xi32> to vector<16xi32>
      %gather3A_1302 = tpu.dynamic_gather %get3A_1222[%gather3A_1301] in [0] : vector<16xf32>, vector<16xi32> -> vector<16xf32>
      %mul3A_1303 = arith.constant 0 : i32
      %mul3A_1304 = vector.broadcast %mul3A_1303 : i32 to vector<16xi32>
      %mul3A_1305 = arith.muli %iota3A, %mul3A_1304 : vector<16xi32>
      %add3A_1306 = arith.constant 0 : i32
      %add3A_1307 = vector.broadcast %add3A_1306 : i32 to vector<16xi32>
      %add3A_1308 = arith.addi %mul3A_1305, %add3A_1307 : vector<16xi32>
      %lt3A_1309 = arith.constant 0 : i32
      %lt3A_1310 = vector.broadcast %lt3A_1309 : i32 to vector<16xi32>
      %lt3A_1311 = arith.cmpi slt, %add3A_1308, %lt3A_1310 : vector<16xi32>
      %add3A_1312 = arith.constant 16 : i32
      %add3A_1313 = vector.broadcast %add3A_1312 : i32 to vector<16xi32>
      %add3A_1314 = arith.addi %add3A_1308, %add3A_1313 : vector<16xi32>
      %select_n3A_1315 = arith.select %lt3A_1311, %add3A_1314, %add3A_1308 : vector<16xi1>, vector<16xi32>
      %reshape3A_1316 = vector.shape_cast %select_n3A_1315 : vector<16xi32> to vector<16x1xi32>
      %gather3A_1317 = vector.shape_cast %reshape3A_1316 : vector<16x1xi32> to vector<16xi32>
      %gather3A_1318 = tpu.dynamic_gather %get3A_1222[%gather3A_1317] in [0] : vector<16xf32>, vector<16xi32> -> vector<16xf32>
      %mul3A_1319 = arith.constant 0 : i32
      %mul3A_1320 = vector.broadcast %mul3A_1319 : i32 to vector<16xi32>
      %mul3A_1321 = arith.muli %iota3A, %mul3A_1320 : vector<16xi32>
      %add3A_1322 = arith.constant 6 : i32
      %add3A_1323 = vector.broadcast %add3A_1322 : i32 to vector<16xi32>
      %add3A_1324 = arith.addi %mul3A_1321, %add3A_1323 : vector<16xi32>
      %lt3A_1325 = arith.constant 0 : i32
      %lt3A_1326 = vector.broadcast %lt3A_1325 : i32 to vector<16xi32>
      %lt3A_1327 = arith.cmpi slt, %add3A_1324, %lt3A_1326 : vector<16xi32>
      %add3A_1328 = arith.constant 16 : i32
      %add3A_1329 = vector.broadcast %add3A_1328 : i32 to vector<16xi32>
      %add3A_1330 = arith.addi %add3A_1324, %add3A_1329 : vector<16xi32>
      %select_n3A_1331 = arith.select %lt3A_1327, %add3A_1330, %add3A_1324 : vector<16xi1>, vector<16xi32>
      %reshape3A_1332 = vector.shape_cast %select_n3A_1331 : vector<16xi32> to vector<16x1xi32>
      %gather3A_1333 = vector.shape_cast %reshape3A_1332 : vector<16x1xi32> to vector<16xi32>
      %gather3A_1334 = tpu.dynamic_gather %get3A_1222[%gather3A_1333] in [0] : vector<16xf32>, vector<16xi32> -> vector<16xf32>
      %sub3A_1335 = arith.constant 1 : i32
      %sub3A_1336 = vector.broadcast %sub3A_1335 : i32 to vector<16xi32>
      %sub3A_1337 = arith.subi %iota3A, %sub3A_1336 : vector<16xi32>
      %max3A_1338 = arith.constant 0 : i32
      %max3A_1339 = vector.broadcast %max3A_1338 : i32 to vector<16xi32>
      %max3A_1340 = arith.maxsi %sub3A_1337, %max3A_1339 : vector<16xi32>
      %lt3A_1341 = arith.constant 0 : i32
      %lt3A_1342 = vector.broadcast %lt3A_1341 : i32 to vector<16xi32>
      %lt3A_1343 = arith.cmpi slt, %max3A_1340, %lt3A_1342 : vector<16xi32>
      %add3A_1344 = arith.constant 16 : i32
      %add3A_1345 = vector.broadcast %add3A_1344 : i32 to vector<16xi32>
      %add3A_1346 = arith.addi %max3A_1340, %add3A_1345 : vector<16xi32>
      %select_n3A_1347 = arith.select %lt3A_1343, %add3A_1346, %max3A_1340 : vector<16xi1>, vector<16xi32>
      %reshape3A_1348 = vector.shape_cast %select_n3A_1347 : vector<16xi32> to vector<16x1xi32>
      %gather3A_1349 = vector.shape_cast %reshape3A_1348 : vector<16x1xi32> to vector<16xi32>
      %gather3A_1350 = tpu.dynamic_gather %get3A_1222[%gather3A_1349] in [0] : vector<16xf32>, vector<16xi32> -> vector<16xf32>
      %mul3A_1351 = arith.constant 1.024000e+03 : f32
      %mul3A_1352 = vector.broadcast %mul3A_1351 : f32 to vector<16xf32>
      %mul3A_1353 = arith.mulf %gather3A_1334, %mul3A_1352 : vector<16xf32>
      %eq3A_1354 = arith.constant 0 : i32
      %eq3A_1355 = vector.broadcast %eq3A_1354 : i32 to vector<16xi32>
      %eq3A_1356 = arith.cmpi eq, %iota3A, %eq3A_1355 : vector<16xi32>
      %eq3A_1357 = arith.constant 1 : i32
      %eq3A_1358 = vector.broadcast %eq3A_1357 : i32 to vector<16xi32>
      %eq3A_1359 = arith.cmpi eq, %iota3A, %eq3A_1358 : vector<16xi32>
      %le3A = arith.constant 5 : i32
      %le3A_1360 = vector.broadcast %le3A : i32 to vector<16xi32>
      %le3A_1361 = arith.cmpi sle, %iota3A, %le3A_1360 : vector<16xi32>
      %sub3A_1362 = arith.subf %gather3A_1350, %mul3A_1353 : vector<16xf32>
      %jit3A_1363 = arith.constant -1.000000e+00 : f32
      %broadcast_in_dim3A_1364 = vector.broadcast %jit3A_1363 : f32 to vector<16xf32>
      %select_n3A_1365 = arith.select %le3A_1361, %sub3A_1362, %broadcast_in_dim3A_1364 : vector<16xi1>, vector<16xf32>
      %select_n3A_1366 = arith.select %eq3A_1359, %gather3A_1318, %select_n3A_1365 : vector<16xi1>, vector<16xf32>
      %select_n3A_1367 = arith.select %eq3A_1356, %gather3A_1334, %select_n3A_1366 : vector<16xi1>, vector<16xf32>
      %mul3A_1368 = arith.constant 1.000000e+30 : f32
      %mul3A_1369 = vector.broadcast %mul3A_1368 : f32 to vector<16xf32>
      %mul3A_1370 = arith.mulf %gather3A_1318, %mul3A_1369 : vector<16xf32>
      %max3A_1371 = arith.constant 0.000000e+00 : f32
      %max3A_1372 = vector.broadcast %max3A_1371 : f32 to vector<16xf32>
      %max3A_1373 = arith.maximumf %mul3A_1370, %max3A_1372 : vector<16xf32>
      %min3A_1374 = arith.constant 1.000000e+00 : f32
      %min3A_1375 = vector.broadcast %min3A_1374 : f32 to vector<16xf32>
      %min3A_1376 = arith.minimumf %max3A_1373, %min3A_1375 : vector<16xf32>
      %mul3A_1377 = arith.mulf %select_n3A_1367, %min3A_1376 : vector<16xf32>
      %sub3A_1378 = arith.constant 1.000000e+00 : f32
      %sub3A_1379 = vector.broadcast %sub3A_1378 : f32 to vector<16xf32>
      %sub3A_1380 = arith.subf %sub3A_1379, %min3A_1376 : vector<16xf32>
      %sub3A_1381 = arith.subf %mul3A_1377, %sub3A_1380 : vector<16xf32>
      %mul3A_1382 = arith.constant 16 : i32
      %mul3A_1383 = arith.muli %scan3A_41, %mul3A_1382 : i32
      %swap3A_1384 = arith.index_cast %mul3A_1383 : i32 to index
      %swap3A_1385 = tpu.vector_load %arg8[%swap3A_1384] {strides = array<i32>} : memref<1600xf32, #tpu.memory_space<vmem>>, vector<16xf32>,
      %swap3A_1386 = vector.shape_cast %swap3A_1385 : vector<16xf32> to vector<16xf32>
      %swap3A_1387 = vector.shape_cast %sub3A_1381 : vector<16xf32> to vector<16xf32>
      tpu.vector_store %arg8[%swap3A_1384], %swap3A_1387 {strides = array<i32>} : memref<1600xf32, #tpu.memory_space<vmem>>, vector<16xf32>,
      %broadcast_in_dim3A_1388 = arith.constant -2.000000e+00 : f32
      %broadcast_in_dim3A_1389 = vector.broadcast %broadcast_in_dim3A_1388 : f32 to vector<16xf32>
      %broadcast_in_dim3A_1390 = arith.constant 0 : i32
      %broadcast_in_dim3A_1391 = vector.broadcast %broadcast_in_dim3A_1390 : i32 to vector<16xi32>
      %scan3A_1392 = arith.constant 0 : i32
      %scan3A_1393 = arith.constant 10 : i32
      %scan3A_1394 = arith.addi %scan3A_1392, %scan3A_1393 : i32
      %scan3A_1395 = arith.constant 1 : i32
      %scan3A_1396:2 = scf.for %scan3A_1398 = %scan3A_1392 to %scan3A_1394 step %scan3A_1395 iter_args(%scan3A_1399 = %broadcast_in_dim3A_1389, %scan3A_1400 = %broadcast_in_dim3A_1391) -> (vector<16xf32>, vector<16xi32>)  : i32 {
        %mul3A_1401 = arith.constant 128 : i32
        %mul3A_1402 = arith.muli %scan3A_1398, %mul3A_1401 : i32
        %add3A_1403 = arith.constant 0 : i32
        %add3A_1404 = arith.addi %mul3A_1402, %add3A_1403 : i32
        %get3A_1405 = arith.index_cast %add3A_1404 : i32 to index
        %get3A_1406 = tpu.vector_load %arg4[%get3A_1405] {strides = array<i32>} : memref<10240xf32, #tpu.memory_space<vmem>>, vector<16xf32>,
        %get3A_1407 = vector.shape_cast %get3A_1406 : vector<16xf32> to vector<16xf32>
        %add3A_1408 = arith.constant 1280 : i32
        %add3A_1409 = arith.addi %add3A_1408, %add3A_1404 : i32
        %get3A_1410 = arith.index_cast %add3A_1409 : i32 to index
        %get3A_1411 = tpu.vector_load %arg4[%get3A_1410] {strides = array<i32>} : memref<10240xf32, #tpu.memory_space<vmem>>, vector<16xf32>,
        %get3A_1412 = vector.shape_cast %get3A_1411 : vector<16xf32> to vector<16xf32>
        %max3A_1413 = arith.maximumf %gather3A_1238, %get3A_1412 : vector<16xf32>
        %add3A_1414 = arith.constant 2560 : i32
        %add3A_1415 = arith.addi %add3A_1414, %add3A_1404 : i32
        %get3A_1416 = arith.index_cast %add3A_1415 : i32 to index
        %get3A_1417 = tpu.vector_load %arg4[%get3A_1416] {strides = array<i32>} : memref<10240xf32, #tpu.memory_space<vmem>>, vector<16xf32>,
        %get3A_1418 = vector.shape_cast %get3A_1417 : vector<16xf32> to vector<16xf32>
        %max3A_1419 = arith.maximumf %gather3A_1254, %get3A_1418 : vector<16xf32>
        %add3A_1420 = arith.constant 3840 : i32
        %add3A_1421 = arith.addi %add3A_1420, %add3A_1404 : i32
        %get3A_1422 = arith.index_cast %add3A_1421 : i32 to index
        %get3A_1423 = tpu.vector_load %arg4[%get3A_1422] {strides = array<i32>} : memref<10240xf32, #tpu.memory_space<vmem>>, vector<16xf32>,
        %get3A_1424 = vector.shape_cast %get3A_1423 : vector<16xf32> to vector<16xf32>
        %min3A_1425 = arith.minimumf %gather3A_1270, %get3A_1424 : vector<16xf32>
        %add3A_1426 = arith.constant 5120 : i32
        %add3A_1427 = arith.addi %add3A_1426, %add3A_1404 : i32
        %get3A_1428 = arith.index_cast %add3A_1427 : i32 to index
        %get3A_1429 = tpu.vector_load %arg4[%get3A_1428] {strides = array<i32>} : memref<10240xf32, #tpu.memory_space<vmem>>, vector<16xf32>,
        %get3A_1430 = vector.shape_cast %get3A_1429 : vector<16xf32> to vector<16xf32>
        %min3A_1431 = arith.minimumf %gather3A_1286, %get3A_1430 : vector<16xf32>
        %sub3A_1432 = arith.subf %min3A_1425, %max3A_1413 : vector<16xf32>
        %max3A_1433 = arith.constant 0.000000e+00 : f32
        %max3A_1434 = vector.broadcast %max3A_1433 : f32 to vector<16xf32>
        %max3A_1435 = arith.maximumf %sub3A_1432, %max3A_1434 : vector<16xf32>
        %sub3A_1436 = arith.subf %min3A_1431, %max3A_1419 : vector<16xf32>
        %max3A_1437 = arith.constant 0.000000e+00 : f32
        %max3A_1438 = vector.broadcast %max3A_1437 : f32 to vector<16xf32>
        %max3A_1439 = arith.maximumf %sub3A_1436, %max3A_1438 : vector<16xf32>
        %mul3A_1440 = arith.mulf %max3A_1435, %max3A_1439 : vector<16xf32>
        %add3A_1441 = arith.constant 6400 : i32
        %add3A_1442 = arith.addi %add3A_1441, %add3A_1404 : i32
        %get3A_1443 = arith.index_cast %add3A_1442 : i32 to index
        %get3A_1444 = tpu.vector_load %arg4[%get3A_1443] {strides = array<i32>} : memref<10240xf32, #tpu.memory_space<vmem>>, vector<16xf32>,
        %get3A_1445 = vector.shape_cast %get3A_1444 : vector<16xf32> to vector<16xf32>
        %add3A_1446 = arith.addf %gather3A_1302, %get3A_1445 : vector<16xf32>
        %sub3A_1447 = arith.subf %add3A_1446, %mul3A_1440 : vector<16xf32>
        %add3A_1448 = arith.constant 9.99999971E-10 : f32
        %add3A_1449 = vector.broadcast %add3A_1448 : f32 to vector<16xf32>
        %add3A_1450 = arith.addf %sub3A_1447, %add3A_1449 : vector<16xf32>
        %div3A_1451 = arith.divf %mul3A_1440, %add3A_1450 : vector<16xf32>
        %add3A_1452 = arith.addi %mul3A_0, %add3A_1404 : i32
        %add3A_1453 = vector.broadcast %add3A_1452 : i32 to vector<16xi32>
        %add3A_1454 = arith.addi %iota3A, %add3A_1453 : vector<16xi32>
        %gt3A = arith.constant 5.000000e-01 : f32
        %gt3A_1455 = vector.broadcast %gt3A : f32 to vector<16xf32>
        %gt3A_1456 = arith.cmpf ogt, %div3A_1451, %gt3A_1455 : vector<16xf32>
        %eq3A_1457 = arith.cmpi eq, %add3A_1454, %convert_element_type3A_1154 : vector<16xi32>
        %or3A = arith.ori %gt3A_1456, %eq3A_1457 : vector<16xi1>
        %jit3A_1458 = arith.constant -1.000000e+00 : f32
        %broadcast_in_dim3A_1459 = vector.broadcast %jit3A_1458 : f32 to vector<16xf32>
        %select_n3A_1460 = arith.select %or3A, %broadcast_in_dim3A_1459, %get3A_1407 : vector<16xi1>, vector<16xf32>
        %swap3A_1461 = arith.index_cast %add3A_1404 : i32 to index
        %swap3A_1462 = tpu.vector_load %arg4[%swap3A_1461] {strides = array<i32>} : memref<10240xf32, #tpu.memory_space<vmem>>, vector<16xf32>,
        %swap3A_1463 = vector.shape_cast %swap3A_1462 : vector<16xf32> to vector<16xf32>
        %swap3A_1464 = vector.shape_cast %select_n3A_1460 : vector<16xf32> to vector<16xf32>
        tpu.vector_store %arg4[%swap3A_1461], %swap3A_1464 {strides = array<i32>} : memref<10240xf32, #tpu.memory_space<vmem>>, vector<16xf32>,
        %gt3A_1465 = arith.cmpf ogt, %select_n3A_1460, %scan3A_1399 : vector<16xf32>
        %select_n3A_1466 = arith.select %gt3A_1465, %select_n3A_1460, %scan3A_1399 : vector<16xi1>, vector<16xf32>
        %select_n3A_1467 = arith.select %gt3A_1465, %add3A_1454, %scan3A_1400 : vector<16xi1>, vector<16xi32>
        %mul3A_1468 = arith.constant 128 : i32
        %mul3A_1469 = arith.muli %scan3A_1398, %mul3A_1468 : i32
        %add3A_1470 = arith.constant 16 : i32
        %add3A_1471 = arith.addi %mul3A_1469, %add3A_1470 : i32
        %get3A_1472 = arith.index_cast %add3A_1471 : i32 to index
        %get3A_1473 = tpu.vector_load %arg4[%get3A_1472] {strides = array<i32>} : memref<10240xf32, #tpu.memory_space<vmem>>, vector<16xf32>,
        %get3A_1474 = vector.shape_cast %get3A_1473 : vector<16xf32> to vector<16xf32>
        %add3A_1475 = arith.constant 1280 : i32
        %add3A_1476 = arith.addi %add3A_1475, %add3A_1471 : i32
        %get3A_1477 = arith.index_cast %add3A_1476 : i32 to index
        %get3A_1478 = tpu.vector_load %arg4[%get3A_1477] {strides = array<i32>} : memref<10240xf32, #tpu.memory_space<vmem>>, vector<16xf32>,
        %get3A_1479 = vector.shape_cast %get3A_1478 : vector<16xf32> to vector<16xf32>
        %max3A_1480 = arith.maximumf %gather3A_1238, %get3A_1479 : vector<16xf32>
        %add3A_1481 = arith.constant 2560 : i32
        %add3A_1482 = arith.addi %add3A_1481, %add3A_1471 : i32
        %get3A_1483 = arith.index_cast %add3A_1482 : i32 to index
        %get3A_1484 = tpu.vector_load %arg4[%get3A_1483] {strides = array<i32>} : memref<10240xf32, #tpu.memory_space<vmem>>, vector<16xf32>,
        %get3A_1485 = vector.shape_cast %get3A_1484 : vector<16xf32> to vector<16xf32>
        %max3A_1486 = arith.maximumf %gather3A_1254, %get3A_1485 : vector<16xf32>
        %add3A_1487 = arith.constant 3840 : i32
        %add3A_1488 = arith.addi %add3A_1487, %add3A_1471 : i32
        %get3A_1489 = arith.index_cast %add3A_1488 : i32 to index
        %get3A_1490 = tpu.vector_load %arg4[%get3A_1489] {strides = array<i32>} : memref<10240xf32, #tpu.memory_space<vmem>>, vector<16xf32>,
        %get3A_1491 = vector.shape_cast %get3A_1490 : vector<16xf32> to vector<16xf32>
        %min3A_1492 = arith.minimumf %gather3A_1270, %get3A_1491 : vector<16xf32>
        %add3A_1493 = arith.constant 5120 : i32
        %add3A_1494 = arith.addi %add3A_1493, %add3A_1471 : i32
        %get3A_1495 = arith.index_cast %add3A_1494 : i32 to index
        %get3A_1496 = tpu.vector_load %arg4[%get3A_1495] {strides = array<i32>} : memref<10240xf32, #tpu.memory_space<vmem>>, vector<16xf32>,
        %get3A_1497 = vector.shape_cast %get3A_1496 : vector<16xf32> to vector<16xf32>
        %min3A_1498 = arith.minimumf %gather3A_1286, %get3A_1497 : vector<16xf32>
        %sub3A_1499 = arith.subf %min3A_1492, %max3A_1480 : vector<16xf32>
        %max3A_1500 = arith.constant 0.000000e+00 : f32
        %max3A_1501 = vector.broadcast %max3A_1500 : f32 to vector<16xf32>
        %max3A_1502 = arith.maximumf %sub3A_1499, %max3A_1501 : vector<16xf32>
        %sub3A_1503 = arith.subf %min3A_1498, %max3A_1486 : vector<16xf32>
        %max3A_1504 = arith.constant 0.000000e+00 : f32
        %max3A_1505 = vector.broadcast %max3A_1504 : f32 to vector<16xf32>
        %max3A_1506 = arith.maximumf %sub3A_1503, %max3A_1505 : vector<16xf32>
        %mul3A_1507 = arith.mulf %max3A_1502, %max3A_1506 : vector<16xf32>
        %add3A_1508 = arith.constant 6400 : i32
        %add3A_1509 = arith.addi %add3A_1508, %add3A_1471 : i32
        %get3A_1510 = arith.index_cast %add3A_1509 : i32 to index
        %get3A_1511 = tpu.vector_load %arg4[%get3A_1510] {strides = array<i32>} : memref<10240xf32, #tpu.memory_space<vmem>>, vector<16xf32>,
        %get3A_1512 = vector.shape_cast %get3A_1511 : vector<16xf32> to vector<16xf32>
        %add3A_1513 = arith.addf %gather3A_1302, %get3A_1512 : vector<16xf32>
        %sub3A_1514 = arith.subf %add3A_1513, %mul3A_1507 : vector<16xf32>
        %add3A_1515 = arith.constant 9.99999971E-10 : f32
        %add3A_1516 = vector.broadcast %add3A_1515 : f32 to vector<16xf32>
        %add3A_1517 = arith.addf %sub3A_1514, %add3A_1516 : vector<16xf32>
        %div3A_1518 = arith.divf %mul3A_1507, %add3A_1517 : vector<16xf32>
        %add3A_1519 = arith.addi %mul3A_0, %add3A_1471 : i32
        %add3A_1520 = vector.broadcast %add3A_1519 : i32 to vector<16xi32>
        %add3A_1521 = arith.addi %iota3A, %add3A_1520 : vector<16xi32>
        %gt3A_1522 = arith.constant 5.000000e-01 : f32
        %gt3A_1523 = vector.broadcast %gt3A_1522 : f32 to vector<16xf32>
        %gt3A_1524 = arith.cmpf ogt, %div3A_1518, %gt3A_1523 : vector<16xf32>
        %eq3A_1525 = arith.cmpi eq, %add3A_1521, %convert_element_type3A_1154 : vector<16xi32>
        %or3A_1526 = arith.ori %gt3A_1524, %eq3A_1525 : vector<16xi1>
        %jit3A_1527 = arith.constant -1.000000e+00 : f32
        %broadcast_in_dim3A_1528 = vector.broadcast %jit3A_1527 : f32 to vector<16xf32>
        %select_n3A_1529 = arith.select %or3A_1526, %broadcast_in_dim3A_1528, %get3A_1474 : vector<16xi1>, vector<16xf32>
        %swap3A_1530 = arith.index_cast %add3A_1471 : i32 to index
        %swap3A_1531 = tpu.vector_load %arg4[%swap3A_1530] {strides = array<i32>} : memref<10240xf32, #tpu.memory_space<vmem>>, vector<16xf32>,
        %swap3A_1532 = vector.shape_cast %swap3A_1531 : vector<16xf32> to vector<16xf32>
        %swap3A_1533 = vector.shape_cast %select_n3A_1529 : vector<16xf32> to vector<16xf32>
        tpu.vector_store %arg4[%swap3A_1530], %swap3A_1533 {strides = array<i32>} : memref<10240xf32, #tpu.memory_space<vmem>>, vector<16xf32>,
        %gt3A_1534 = arith.cmpf ogt, %select_n3A_1529, %select_n3A_1466 : vector<16xf32>
        %select_n3A_1535 = arith.select %gt3A_1534, %select_n3A_1529, %select_n3A_1466 : vector<16xi1>, vector<16xf32>
        %select_n3A_1536 = arith.select %gt3A_1534, %add3A_1521, %select_n3A_1467 : vector<16xi1>, vector<16xi32>
        %mul3A_1537 = arith.constant 128 : i32
        %mul3A_1538 = arith.muli %scan3A_1398, %mul3A_1537 : i32
        %add3A_1539 = arith.constant 32 : i32
        %add3A_1540 = arith.addi %mul3A_1538, %add3A_1539 : i32
        %get3A_1541 = arith.index_cast %add3A_1540 : i32 to index
        %get3A_1542 = tpu.vector_load %arg4[%get3A_1541] {strides = array<i32>} : memref<10240xf32, #tpu.memory_space<vmem>>, vector<16xf32>,
        %get3A_1543 = vector.shape_cast %get3A_1542 : vector<16xf32> to vector<16xf32>
        %add3A_1544 = arith.constant 1280 : i32
        %add3A_1545 = arith.addi %add3A_1544, %add3A_1540 : i32
        %get3A_1546 = arith.index_cast %add3A_1545 : i32 to index
        %get3A_1547 = tpu.vector_load %arg4[%get3A_1546] {strides = array<i32>} : memref<10240xf32, #tpu.memory_space<vmem>>, vector<16xf32>,
        %get3A_1548 = vector.shape_cast %get3A_1547 : vector<16xf32> to vector<16xf32>
        %max3A_1549 = arith.maximumf %gather3A_1238, %get3A_1548 : vector<16xf32>
        %add3A_1550 = arith.constant 2560 : i32
        %add3A_1551 = arith.addi %add3A_1550, %add3A_1540 : i32
        %get3A_1552 = arith.index_cast %add3A_1551 : i32 to index
        %get3A_1553 = tpu.vector_load %arg4[%get3A_1552] {strides = array<i32>} : memref<10240xf32, #tpu.memory_space<vmem>>, vector<16xf32>,
        %get3A_1554 = vector.shape_cast %get3A_1553 : vector<16xf32> to vector<16xf32>
        %max3A_1555 = arith.maximumf %gather3A_1254, %get3A_1554 : vector<16xf32>
        %add3A_1556 = arith.constant 3840 : i32
        %add3A_1557 = arith.addi %add3A_1556, %add3A_1540 : i32
        %get3A_1558 = arith.index_cast %add3A_1557 : i32 to index
        %get3A_1559 = tpu.vector_load %arg4[%get3A_1558] {strides = array<i32>} : memref<10240xf32, #tpu.memory_space<vmem>>, vector<16xf32>,
        %get3A_1560 = vector.shape_cast %get3A_1559 : vector<16xf32> to vector<16xf32>
        %min3A_1561 = arith.minimumf %gather3A_1270, %get3A_1560 : vector<16xf32>
        %add3A_1562 = arith.constant 5120 : i32
        %add3A_1563 = arith.addi %add3A_1562, %add3A_1540 : i32
        %get3A_1564 = arith.index_cast %add3A_1563 : i32 to index
        %get3A_1565 = tpu.vector_load %arg4[%get3A_1564] {strides = array<i32>} : memref<10240xf32, #tpu.memory_space<vmem>>, vector<16xf32>,
        %get3A_1566 = vector.shape_cast %get3A_1565 : vector<16xf32> to vector<16xf32>
        %min3A_1567 = arith.minimumf %gather3A_1286, %get3A_1566 : vector<16xf32>
        %sub3A_1568 = arith.subf %min3A_1561, %max3A_1549 : vector<16xf32>
        %max3A_1569 = arith.constant 0.000000e+00 : f32
        %max3A_1570 = vector.broadcast %max3A_1569 : f32 to vector<16xf32>
        %max3A_1571 = arith.maximumf %sub3A_1568, %max3A_1570 : vector<16xf32>
        %sub3A_1572 = arith.subf %min3A_1567, %max3A_1555 : vector<16xf32>
        %max3A_1573 = arith.constant 0.000000e+00 : f32
        %max3A_1574 = vector.broadcast %max3A_1573 : f32 to vector<16xf32>
        %max3A_1575 = arith.maximumf %sub3A_1572, %max3A_1574 : vector<16xf32>
        %mul3A_1576 = arith.mulf %max3A_1571, %max3A_1575 : vector<16xf32>
        %add3A_1577 = arith.constant 6400 : i32
        %add3A_1578 = arith.addi %add3A_1577, %add3A_1540 : i32
        %get3A_1579 = arith.index_cast %add3A_1578 : i32 to index
        %get3A_1580 = tpu.vector_load %arg4[%get3A_1579] {strides = array<i32>} : memref<10240xf32, #tpu.memory_space<vmem>>, vector<16xf32>,
        %get3A_1581 = vector.shape_cast %get3A_1580 : vector<16xf32> to vector<16xf32>
        %add3A_1582 = arith.addf %gather3A_1302, %get3A_1581 : vector<16xf32>
        %sub3A_1583 = arith.subf %add3A_1582, %mul3A_1576 : vector<16xf32>
        %add3A_1584 = arith.constant 9.99999971E-10 : f32
        %add3A_1585 = vector.broadcast %add3A_1584 : f32 to vector<16xf32>
        %add3A_1586 = arith.addf %sub3A_1583, %add3A_1585 : vector<16xf32>
        %div3A_1587 = arith.divf %mul3A_1576, %add3A_1586 : vector<16xf32>
        %add3A_1588 = arith.addi %mul3A_0, %add3A_1540 : i32
        %add3A_1589 = vector.broadcast %add3A_1588 : i32 to vector<16xi32>
        %add3A_1590 = arith.addi %iota3A, %add3A_1589 : vector<16xi32>
        %gt3A_1591 = arith.constant 5.000000e-01 : f32
        %gt3A_1592 = vector.broadcast %gt3A_1591 : f32 to vector<16xf32>
        %gt3A_1593 = arith.cmpf ogt, %div3A_1587, %gt3A_1592 : vector<16xf32>
        %eq3A_1594 = arith.cmpi eq, %add3A_1590, %convert_element_type3A_1154 : vector<16xi32>
        %or3A_1595 = arith.ori %gt3A_1593, %eq3A_1594 : vector<16xi1>
        %jit3A_1596 = arith.constant -1.000000e+00 : f32
        %broadcast_in_dim3A_1597 = vector.broadcast %jit3A_1596 : f32 to vector<16xf32>
        %select_n3A_1598 = arith.select %or3A_1595, %broadcast_in_dim3A_1597, %get3A_1543 : vector<16xi1>, vector<16xf32>
        %swap3A_1599 = arith.index_cast %add3A_1540 : i32 to index
        %swap3A_1600 = tpu.vector_load %arg4[%swap3A_1599] {strides = array<i32>} : memref<10240xf32, #tpu.memory_space<vmem>>, vector<16xf32>,
        %swap3A_1601 = vector.shape_cast %swap3A_1600 : vector<16xf32> to vector<16xf32>
        %swap3A_1602 = vector.shape_cast %select_n3A_1598 : vector<16xf32> to vector<16xf32>
        tpu.vector_store %arg4[%swap3A_1599], %swap3A_1602 {strides = array<i32>} : memref<10240xf32, #tpu.memory_space<vmem>>, vector<16xf32>,
        %gt3A_1603 = arith.cmpf ogt, %select_n3A_1598, %select_n3A_1535 : vector<16xf32>
        %select_n3A_1604 = arith.select %gt3A_1603, %select_n3A_1598, %select_n3A_1535 : vector<16xi1>, vector<16xf32>
        %select_n3A_1605 = arith.select %gt3A_1603, %add3A_1590, %select_n3A_1536 : vector<16xi1>, vector<16xi32>
        %mul3A_1606 = arith.constant 128 : i32
        %mul3A_1607 = arith.muli %scan3A_1398, %mul3A_1606 : i32
        %add3A_1608 = arith.constant 48 : i32
        %add3A_1609 = arith.addi %mul3A_1607, %add3A_1608 : i32
        %get3A_1610 = arith.index_cast %add3A_1609 : i32 to index
        %get3A_1611 = tpu.vector_load %arg4[%get3A_1610] {strides = array<i32>} : memref<10240xf32, #tpu.memory_space<vmem>>, vector<16xf32>,
        %get3A_1612 = vector.shape_cast %get3A_1611 : vector<16xf32> to vector<16xf32>
        %add3A_1613 = arith.constant 1280 : i32
        %add3A_1614 = arith.addi %add3A_1613, %add3A_1609 : i32
        %get3A_1615 = arith.index_cast %add3A_1614 : i32 to index
        %get3A_1616 = tpu.vector_load %arg4[%get3A_1615] {strides = array<i32>} : memref<10240xf32, #tpu.memory_space<vmem>>, vector<16xf32>,
        %get3A_1617 = vector.shape_cast %get3A_1616 : vector<16xf32> to vector<16xf32>
        %max3A_1618 = arith.maximumf %gather3A_1238, %get3A_1617 : vector<16xf32>
        %add3A_1619 = arith.constant 2560 : i32
        %add3A_1620 = arith.addi %add3A_1619, %add3A_1609 : i32
        %get3A_1621 = arith.index_cast %add3A_1620 : i32 to index
        %get3A_1622 = tpu.vector_load %arg4[%get3A_1621] {strides = array<i32>} : memref<10240xf32, #tpu.memory_space<vmem>>, vector<16xf32>,
        %get3A_1623 = vector.shape_cast %get3A_1622 : vector<16xf32> to vector<16xf32>
        %max3A_1624 = arith.maximumf %gather3A_1254, %get3A_1623 : vector<16xf32>
        %add3A_1625 = arith.constant 3840 : i32
        %add3A_1626 = arith.addi %add3A_1625, %add3A_1609 : i32
        %get3A_1627 = arith.index_cast %add3A_1626 : i32 to index
        %get3A_1628 = tpu.vector_load %arg4[%get3A_1627] {strides = array<i32>} : memref<10240xf32, #tpu.memory_space<vmem>>, vector<16xf32>,
        %get3A_1629 = vector.shape_cast %get3A_1628 : vector<16xf32> to vector<16xf32>
        %min3A_1630 = arith.minimumf %gather3A_1270, %get3A_1629 : vector<16xf32>
        %add3A_1631 = arith.constant 5120 : i32
        %add3A_1632 = arith.addi %add3A_1631, %add3A_1609 : i32
        %get3A_1633 = arith.index_cast %add3A_1632 : i32 to index
        %get3A_1634 = tpu.vector_load %arg4[%get3A_1633] {strides = array<i32>} : memref<10240xf32, #tpu.memory_space<vmem>>, vector<16xf32>,
        %get3A_1635 = vector.shape_cast %get3A_1634 : vector<16xf32> to vector<16xf32>
        %min3A_1636 = arith.minimumf %gather3A_1286, %get3A_1635 : vector<16xf32>
        %sub3A_1637 = arith.subf %min3A_1630, %max3A_1618 : vector<16xf32>
        %max3A_1638 = arith.constant 0.000000e+00 : f32
        %max3A_1639 = vector.broadcast %max3A_1638 : f32 to vector<16xf32>
        %max3A_1640 = arith.maximumf %sub3A_1637, %max3A_1639 : vector<16xf32>
        %sub3A_1641 = arith.subf %min3A_1636, %max3A_1624 : vector<16xf32>
        %max3A_1642 = arith.constant 0.000000e+00 : f32
        %max3A_1643 = vector.broadcast %max3A_1642 : f32 to vector<16xf32>
        %max3A_1644 = arith.maximumf %sub3A_1641, %max3A_1643 : vector<16xf32>
        %mul3A_1645 = arith.mulf %max3A_1640, %max3A_1644 : vector<16xf32>
        %add3A_1646 = arith.constant 6400 : i32
        %add3A_1647 = arith.addi %add3A_1646, %add3A_1609 : i32
        %get3A_1648 = arith.index_cast %add3A_1647 : i32 to index
        %get3A_1649 = tpu.vector_load %arg4[%get3A_1648] {strides = array<i32>} : memref<10240xf32, #tpu.memory_space<vmem>>, vector<16xf32>,
        %get3A_1650 = vector.shape_cast %get3A_1649 : vector<16xf32> to vector<16xf32>
        %add3A_1651 = arith.addf %gather3A_1302, %get3A_1650 : vector<16xf32>
        %sub3A_1652 = arith.subf %add3A_1651, %mul3A_1645 : vector<16xf32>
        %add3A_1653 = arith.constant 9.99999971E-10 : f32
        %add3A_1654 = vector.broadcast %add3A_1653 : f32 to vector<16xf32>
        %add3A_1655 = arith.addf %sub3A_1652, %add3A_1654 : vector<16xf32>
        %div3A_1656 = arith.divf %mul3A_1645, %add3A_1655 : vector<16xf32>
        %add3A_1657 = arith.addi %mul3A_0, %add3A_1609 : i32
        %add3A_1658 = vector.broadcast %add3A_1657 : i32 to vector<16xi32>
        %add3A_1659 = arith.addi %iota3A, %add3A_1658 : vector<16xi32>
        %gt3A_1660 = arith.constant 5.000000e-01 : f32
        %gt3A_1661 = vector.broadcast %gt3A_1660 : f32 to vector<16xf32>
        %gt3A_1662 = arith.cmpf ogt, %div3A_1656, %gt3A_1661 : vector<16xf32>
        %eq3A_1663 = arith.cmpi eq, %add3A_1659, %convert_element_type3A_1154 : vector<16xi32>
        %or3A_1664 = arith.ori %gt3A_1662, %eq3A_1663 : vector<16xi1>
        %jit3A_1665 = arith.constant -1.000000e+00 : f32
        %broadcast_in_dim3A_1666 = vector.broadcast %jit3A_1665 : f32 to vector<16xf32>
        %select_n3A_1667 = arith.select %or3A_1664, %broadcast_in_dim3A_1666, %get3A_1612 : vector<16xi1>, vector<16xf32>
        %swap3A_1668 = arith.index_cast %add3A_1609 : i32 to index
        %swap3A_1669 = tpu.vector_load %arg4[%swap3A_1668] {strides = array<i32>} : memref<10240xf32, #tpu.memory_space<vmem>>, vector<16xf32>,
        %swap3A_1670 = vector.shape_cast %swap3A_1669 : vector<16xf32> to vector<16xf32>
        %swap3A_1671 = vector.shape_cast %select_n3A_1667 : vector<16xf32> to vector<16xf32>
        tpu.vector_store %arg4[%swap3A_1668], %swap3A_1671 {strides = array<i32>} : memref<10240xf32, #tpu.memory_space<vmem>>, vector<16xf32>,
        %gt3A_1672 = arith.cmpf ogt, %select_n3A_1667, %select_n3A_1604 : vector<16xf32>
        %select_n3A_1673 = arith.select %gt3A_1672, %select_n3A_1667, %select_n3A_1604 : vector<16xi1>, vector<16xf32>
        %select_n3A_1674 = arith.select %gt3A_1672, %add3A_1659, %select_n3A_1605 : vector<16xi1>, vector<16xi32>
        %mul3A_1675 = arith.constant 128 : i32
        %mul3A_1676 = arith.muli %scan3A_1398, %mul3A_1675 : i32
        %add3A_1677 = arith.constant 64 : i32
        %add3A_1678 = arith.addi %mul3A_1676, %add3A_1677 : i32
        %get3A_1679 = arith.index_cast %add3A_1678 : i32 to index
        %get3A_1680 = tpu.vector_load %arg4[%get3A_1679] {strides = array<i32>} : memref<10240xf32, #tpu.memory_space<vmem>>, vector<16xf32>,
        %get3A_1681 = vector.shape_cast %get3A_1680 : vector<16xf32> to vector<16xf32>
        %add3A_1682 = arith.constant 1280 : i32
        %add3A_1683 = arith.addi %add3A_1682, %add3A_1678 : i32
        %get3A_1684 = arith.index_cast %add3A_1683 : i32 to index
        %get3A_1685 = tpu.vector_load %arg4[%get3A_1684] {strides = array<i32>} : memref<10240xf32, #tpu.memory_space<vmem>>, vector<16xf32>,
        %get3A_1686 = vector.shape_cast %get3A_1685 : vector<16xf32> to vector<16xf32>
        %max3A_1687 = arith.maximumf %gather3A_1238, %get3A_1686 : vector<16xf32>
        %add3A_1688 = arith.constant 2560 : i32
        %add3A_1689 = arith.addi %add3A_1688, %add3A_1678 : i32
        %get3A_1690 = arith.index_cast %add3A_1689 : i32 to index
        %get3A_1691 = tpu.vector_load %arg4[%get3A_1690] {strides = array<i32>} : memref<10240xf32, #tpu.memory_space<vmem>>, vector<16xf32>,
        %get3A_1692 = vector.shape_cast %get3A_1691 : vector<16xf32> to vector<16xf32>
        %max3A_1693 = arith.maximumf %gather3A_1254, %get3A_1692 : vector<16xf32>
        %add3A_1694 = arith.constant 3840 : i32
        %add3A_1695 = arith.addi %add3A_1694, %add3A_1678 : i32
        %get3A_1696 = arith.index_cast %add3A_1695 : i32 to index
        %get3A_1697 = tpu.vector_load %arg4[%get3A_1696] {strides = array<i32>} : memref<10240xf32, #tpu.memory_space<vmem>>, vector<16xf32>,
        %get3A_1698 = vector.shape_cast %get3A_1697 : vector<16xf32> to vector<16xf32>
        %min3A_1699 = arith.minimumf %gather3A_1270, %get3A_1698 : vector<16xf32>
        %add3A_1700 = arith.constant 5120 : i32
        %add3A_1701 = arith.addi %add3A_1700, %add3A_1678 : i32
        %get3A_1702 = arith.index_cast %add3A_1701 : i32 to index
        %get3A_1703 = tpu.vector_load %arg4[%get3A_1702] {strides = array<i32>} : memref<10240xf32, #tpu.memory_space<vmem>>, vector<16xf32>,
        %get3A_1704 = vector.shape_cast %get3A_1703 : vector<16xf32> to vector<16xf32>
        %min3A_1705 = arith.minimumf %gather3A_1286, %get3A_1704 : vector<16xf32>
        %sub3A_1706 = arith.subf %min3A_1699, %max3A_1687 : vector<16xf32>
        %max3A_1707 = arith.constant 0.000000e+00 : f32
        %max3A_1708 = vector.broadcast %max3A_1707 : f32 to vector<16xf32>
        %max3A_1709 = arith.maximumf %sub3A_1706, %max3A_1708 : vector<16xf32>
        %sub3A_1710 = arith.subf %min3A_1705, %max3A_1693 : vector<16xf32>
        %max3A_1711 = arith.constant 0.000000e+00 : f32
        %max3A_1712 = vector.broadcast %max3A_1711 : f32 to vector<16xf32>
        %max3A_1713 = arith.maximumf %sub3A_1710, %max3A_1712 : vector<16xf32>
        %mul3A_1714 = arith.mulf %max3A_1709, %max3A_1713 : vector<16xf32>
        %add3A_1715 = arith.constant 6400 : i32
        %add3A_1716 = arith.addi %add3A_1715, %add3A_1678 : i32
        %get3A_1717 = arith.index_cast %add3A_1716 : i32 to index
        %get3A_1718 = tpu.vector_load %arg4[%get3A_1717] {strides = array<i32>} : memref<10240xf32, #tpu.memory_space<vmem>>, vector<16xf32>,
        %get3A_1719 = vector.shape_cast %get3A_1718 : vector<16xf32> to vector<16xf32>
        %add3A_1720 = arith.addf %gather3A_1302, %get3A_1719 : vector<16xf32>
        %sub3A_1721 = arith.subf %add3A_1720, %mul3A_1714 : vector<16xf32>
        %add3A_1722 = arith.constant 9.99999971E-10 : f32
        %add3A_1723 = vector.broadcast %add3A_1722 : f32 to vector<16xf32>
        %add3A_1724 = arith.addf %sub3A_1721, %add3A_1723 : vector<16xf32>
        %div3A_1725 = arith.divf %mul3A_1714, %add3A_1724 : vector<16xf32>
        %add3A_1726 = arith.addi %mul3A_0, %add3A_1678 : i32
        %add3A_1727 = vector.broadcast %add3A_1726 : i32 to vector<16xi32>
        %add3A_1728 = arith.addi %iota3A, %add3A_1727 : vector<16xi32>
        %gt3A_1729 = arith.constant 5.000000e-01 : f32
        %gt3A_1730 = vector.broadcast %gt3A_1729 : f32 to vector<16xf32>
        %gt3A_1731 = arith.cmpf ogt, %div3A_1725, %gt3A_1730 : vector<16xf32>
        %eq3A_1732 = arith.cmpi eq, %add3A_1728, %convert_element_type3A_1154 : vector<16xi32>
        %or3A_1733 = arith.ori %gt3A_1731, %eq3A_1732 : vector<16xi1>
        %jit3A_1734 = arith.constant -1.000000e+00 : f32
        %broadcast_in_dim3A_1735 = vector.broadcast %jit3A_1734 : f32 to vector<16xf32>
        %select_n3A_1736 = arith.select %or3A_1733, %broadcast_in_dim3A_1735, %get3A_1681 : vector<16xi1>, vector<16xf32>
        %swap3A_1737 = arith.index_cast %add3A_1678 : i32 to index
        %swap3A_1738 = tpu.vector_load %arg4[%swap3A_1737] {strides = array<i32>} : memref<10240xf32, #tpu.memory_space<vmem>>, vector<16xf32>,
        %swap3A_1739 = vector.shape_cast %swap3A_1738 : vector<16xf32> to vector<16xf32>
        %swap3A_1740 = vector.shape_cast %select_n3A_1736 : vector<16xf32> to vector<16xf32>
        tpu.vector_store %arg4[%swap3A_1737], %swap3A_1740 {strides = array<i32>} : memref<10240xf32, #tpu.memory_space<vmem>>, vector<16xf32>,
        %gt3A_1741 = arith.cmpf ogt, %select_n3A_1736, %select_n3A_1673 : vector<16xf32>
        %select_n3A_1742 = arith.select %gt3A_1741, %select_n3A_1736, %select_n3A_1673 : vector<16xi1>, vector<16xf32>
        %select_n3A_1743 = arith.select %gt3A_1741, %add3A_1728, %select_n3A_1674 : vector<16xi1>, vector<16xi32>
        %mul3A_1744 = arith.constant 128 : i32
        %mul3A_1745 = arith.muli %scan3A_1398, %mul3A_1744 : i32
        %add3A_1746 = arith.constant 80 : i32
        %add3A_1747 = arith.addi %mul3A_1745, %add3A_1746 : i32
        %get3A_1748 = arith.index_cast %add3A_1747 : i32 to index
        %get3A_1749 = tpu.vector_load %arg4[%get3A_1748] {strides = array<i32>} : memref<10240xf32, #tpu.memory_space<vmem>>, vector<16xf32>,
        %get3A_1750 = vector.shape_cast %get3A_1749 : vector<16xf32> to vector<16xf32>
        %add3A_1751 = arith.constant 1280 : i32
        %add3A_1752 = arith.addi %add3A_1751, %add3A_1747 : i32
        %get3A_1753 = arith.index_cast %add3A_1752 : i32 to index
        %get3A_1754 = tpu.vector_load %arg4[%get3A_1753] {strides = array<i32>} : memref<10240xf32, #tpu.memory_space<vmem>>, vector<16xf32>,
        %get3A_1755 = vector.shape_cast %get3A_1754 : vector<16xf32> to vector<16xf32>
        %max3A_1756 = arith.maximumf %gather3A_1238, %get3A_1755 : vector<16xf32>
        %add3A_1757 = arith.constant 2560 : i32
        %add3A_1758 = arith.addi %add3A_1757, %add3A_1747 : i32
        %get3A_1759 = arith.index_cast %add3A_1758 : i32 to index
        %get3A_1760 = tpu.vector_load %arg4[%get3A_1759] {strides = array<i32>} : memref<10240xf32, #tpu.memory_space<vmem>>, vector<16xf32>,
        %get3A_1761 = vector.shape_cast %get3A_1760 : vector<16xf32> to vector<16xf32>
        %max3A_1762 = arith.maximumf %gather3A_1254, %get3A_1761 : vector<16xf32>
        %add3A_1763 = arith.constant 3840 : i32
        %add3A_1764 = arith.addi %add3A_1763, %add3A_1747 : i32
        %get3A_1765 = arith.index_cast %add3A_1764 : i32 to index
        %get3A_1766 = tpu.vector_load %arg4[%get3A_1765] {strides = array<i32>} : memref<10240xf32, #tpu.memory_space<vmem>>, vector<16xf32>,
        %get3A_1767 = vector.shape_cast %get3A_1766 : vector<16xf32> to vector<16xf32>
        %min3A_1768 = arith.minimumf %gather3A_1270, %get3A_1767 : vector<16xf32>
        %add3A_1769 = arith.constant 5120 : i32
        %add3A_1770 = arith.addi %add3A_1769, %add3A_1747 : i32
        %get3A_1771 = arith.index_cast %add3A_1770 : i32 to index
        %get3A_1772 = tpu.vector_load %arg4[%get3A_1771] {strides = array<i32>} : memref<10240xf32, #tpu.memory_space<vmem>>, vector<16xf32>,
        %get3A_1773 = vector.shape_cast %get3A_1772 : vector<16xf32> to vector<16xf32>
        %min3A_1774 = arith.minimumf %gather3A_1286, %get3A_1773 : vector<16xf32>
        %sub3A_1775 = arith.subf %min3A_1768, %max3A_1756 : vector<16xf32>
        %max3A_1776 = arith.constant 0.000000e+00 : f32
        %max3A_1777 = vector.broadcast %max3A_1776 : f32 to vector<16xf32>
        %max3A_1778 = arith.maximumf %sub3A_1775, %max3A_1777 : vector<16xf32>
        %sub3A_1779 = arith.subf %min3A_1774, %max3A_1762 : vector<16xf32>
        %max3A_1780 = arith.constant 0.000000e+00 : f32
        %max3A_1781 = vector.broadcast %max3A_1780 : f32 to vector<16xf32>
        %max3A_1782 = arith.maximumf %sub3A_1779, %max3A_1781 : vector<16xf32>
        %mul3A_1783 = arith.mulf %max3A_1778, %max3A_1782 : vector<16xf32>
        %add3A_1784 = arith.constant 6400 : i32
        %add3A_1785 = arith.addi %add3A_1784, %add3A_1747 : i32
        %get3A_1786 = arith.index_cast %add3A_1785 : i32 to index
        %get3A_1787 = tpu.vector_load %arg4[%get3A_1786] {strides = array<i32>} : memref<10240xf32, #tpu.memory_space<vmem>>, vector<16xf32>,
        %get3A_1788 = vector.shape_cast %get3A_1787 : vector<16xf32> to vector<16xf32>
        %add3A_1789 = arith.addf %gather3A_1302, %get3A_1788 : vector<16xf32>
        %sub3A_1790 = arith.subf %add3A_1789, %mul3A_1783 : vector<16xf32>
        %add3A_1791 = arith.constant 9.99999971E-10 : f32
        %add3A_1792 = vector.broadcast %add3A_1791 : f32 to vector<16xf32>
        %add3A_1793 = arith.addf %sub3A_1790, %add3A_1792 : vector<16xf32>
        %div3A_1794 = arith.divf %mul3A_1783, %add3A_1793 : vector<16xf32>
        %add3A_1795 = arith.addi %mul3A_0, %add3A_1747 : i32
        %add3A_1796 = vector.broadcast %add3A_1795 : i32 to vector<16xi32>
        %add3A_1797 = arith.addi %iota3A, %add3A_1796 : vector<16xi32>
        %gt3A_1798 = arith.constant 5.000000e-01 : f32
        %gt3A_1799 = vector.broadcast %gt3A_1798 : f32 to vector<16xf32>
        %gt3A_1800 = arith.cmpf ogt, %div3A_1794, %gt3A_1799 : vector<16xf32>
        %eq3A_1801 = arith.cmpi eq, %add3A_1797, %convert_element_type3A_1154 : vector<16xi32>
        %or3A_1802 = arith.ori %gt3A_1800, %eq3A_1801 : vector<16xi1>
        %jit3A_1803 = arith.constant -1.000000e+00 : f32
        %broadcast_in_dim3A_1804 = vector.broadcast %jit3A_1803 : f32 to vector<16xf32>
        %select_n3A_1805 = arith.select %or3A_1802, %broadcast_in_dim3A_1804, %get3A_1750 : vector<16xi1>, vector<16xf32>
        %swap3A_1806 = arith.index_cast %add3A_1747 : i32 to index
        %swap3A_1807 = tpu.vector_load %arg4[%swap3A_1806] {strides = array<i32>} : memref<10240xf32, #tpu.memory_space<vmem>>, vector<16xf32>,
        %swap3A_1808 = vector.shape_cast %swap3A_1807 : vector<16xf32> to vector<16xf32>
        %swap3A_1809 = vector.shape_cast %select_n3A_1805 : vector<16xf32> to vector<16xf32>
        tpu.vector_store %arg4[%swap3A_1806], %swap3A_1809 {strides = array<i32>} : memref<10240xf32, #tpu.memory_space<vmem>>, vector<16xf32>,
        %gt3A_1810 = arith.cmpf ogt, %select_n3A_1805, %select_n3A_1742 : vector<16xf32>
        %select_n3A_1811 = arith.select %gt3A_1810, %select_n3A_1805, %select_n3A_1742 : vector<16xi1>, vector<16xf32>
        %select_n3A_1812 = arith.select %gt3A_1810, %add3A_1797, %select_n3A_1743 : vector<16xi1>, vector<16xi32>
        %mul3A_1813 = arith.constant 128 : i32
        %mul3A_1814 = arith.muli %scan3A_1398, %mul3A_1813 : i32
        %add3A_1815 = arith.constant 96 : i32
        %add3A_1816 = arith.addi %mul3A_1814, %add3A_1815 : i32
        %get3A_1817 = arith.index_cast %add3A_1816 : i32 to index
        %get3A_1818 = tpu.vector_load %arg4[%get3A_1817] {strides = array<i32>} : memref<10240xf32, #tpu.memory_space<vmem>>, vector<16xf32>,
        %get3A_1819 = vector.shape_cast %get3A_1818 : vector<16xf32> to vector<16xf32>
        %add3A_1820 = arith.constant 1280 : i32
        %add3A_1821 = arith.addi %add3A_1820, %add3A_1816 : i32
        %get3A_1822 = arith.index_cast %add3A_1821 : i32 to index
        %get3A_1823 = tpu.vector_load %arg4[%get3A_1822] {strides = array<i32>} : memref<10240xf32, #tpu.memory_space<vmem>>, vector<16xf32>,
        %get3A_1824 = vector.shape_cast %get3A_1823 : vector<16xf32> to vector<16xf32>
        %max3A_1825 = arith.maximumf %gather3A_1238, %get3A_1824 : vector<16xf32>
        %add3A_1826 = arith.constant 2560 : i32
        %add3A_1827 = arith.addi %add3A_1826, %add3A_1816 : i32
        %get3A_1828 = arith.index_cast %add3A_1827 : i32 to index
        %get3A_1829 = tpu.vector_load %arg4[%get3A_1828] {strides = array<i32>} : memref<10240xf32, #tpu.memory_space<vmem>>, vector<16xf32>,
        %get3A_1830 = vector.shape_cast %get3A_1829 : vector<16xf32> to vector<16xf32>
        %max3A_1831 = arith.maximumf %gather3A_1254, %get3A_1830 : vector<16xf32>
        %add3A_1832 = arith.constant 3840 : i32
        %add3A_1833 = arith.addi %add3A_1832, %add3A_1816 : i32
        %get3A_1834 = arith.index_cast %add3A_1833 : i32 to index
        %get3A_1835 = tpu.vector_load %arg4[%get3A_1834] {strides = array<i32>} : memref<10240xf32, #tpu.memory_space<vmem>>, vector<16xf32>,
        %get3A_1836 = vector.shape_cast %get3A_1835 : vector<16xf32> to vector<16xf32>
        %min3A_1837 = arith.minimumf %gather3A_1270, %get3A_1836 : vector<16xf32>
        %add3A_1838 = arith.constant 5120 : i32
        %add3A_1839 = arith.addi %add3A_1838, %add3A_1816 : i32
        %get3A_1840 = arith.index_cast %add3A_1839 : i32 to index
        %get3A_1841 = tpu.vector_load %arg4[%get3A_1840] {strides = array<i32>} : memref<10240xf32, #tpu.memory_space<vmem>>, vector<16xf32>,
        %get3A_1842 = vector.shape_cast %get3A_1841 : vector<16xf32> to vector<16xf32>
        %min3A_1843 = arith.minimumf %gather3A_1286, %get3A_1842 : vector<16xf32>
        %sub3A_1844 = arith.subf %min3A_1837, %max3A_1825 : vector<16xf32>
        %max3A_1845 = arith.constant 0.000000e+00 : f32
        %max3A_1846 = vector.broadcast %max3A_1845 : f32 to vector<16xf32>
        %max3A_1847 = arith.maximumf %sub3A_1844, %max3A_1846 : vector<16xf32>
        %sub3A_1848 = arith.subf %min3A_1843, %max3A_1831 : vector<16xf32>
        %max3A_1849 = arith.constant 0.000000e+00 : f32
        %max3A_1850 = vector.broadcast %max3A_1849 : f32 to vector<16xf32>
        %max3A_1851 = arith.maximumf %sub3A_1848, %max3A_1850 : vector<16xf32>
        %mul3A_1852 = arith.mulf %max3A_1847, %max3A_1851 : vector<16xf32>
        %add3A_1853 = arith.constant 6400 : i32
        %add3A_1854 = arith.addi %add3A_1853, %add3A_1816 : i32
        %get3A_1855 = arith.index_cast %add3A_1854 : i32 to index
        %get3A_1856 = tpu.vector_load %arg4[%get3A_1855] {strides = array<i32>} : memref<10240xf32, #tpu.memory_space<vmem>>, vector<16xf32>,
        %get3A_1857 = vector.shape_cast %get3A_1856 : vector<16xf32> to vector<16xf32>
        %add3A_1858 = arith.addf %gather3A_1302, %get3A_1857 : vector<16xf32>
        %sub3A_1859 = arith.subf %add3A_1858, %mul3A_1852 : vector<16xf32>
        %add3A_1860 = arith.constant 9.99999971E-10 : f32
        %add3A_1861 = vector.broadcast %add3A_1860 : f32 to vector<16xf32>
        %add3A_1862 = arith.addf %sub3A_1859, %add3A_1861 : vector<16xf32>
        %div3A_1863 = arith.divf %mul3A_1852, %add3A_1862 : vector<16xf32>
        %add3A_1864 = arith.addi %mul3A_0, %add3A_1816 : i32
        %add3A_1865 = vector.broadcast %add3A_1864 : i32 to vector<16xi32>
        %add3A_1866 = arith.addi %iota3A, %add3A_1865 : vector<16xi32>
        %gt3A_1867 = arith.constant 5.000000e-01 : f32
        %gt3A_1868 = vector.broadcast %gt3A_1867 : f32 to vector<16xf32>
        %gt3A_1869 = arith.cmpf ogt, %div3A_1863, %gt3A_1868 : vector<16xf32>
        %eq3A_1870 = arith.cmpi eq, %add3A_1866, %convert_element_type3A_1154 : vector<16xi32>
        %or3A_1871 = arith.ori %gt3A_1869, %eq3A_1870 : vector<16xi1>
        %jit3A_1872 = arith.constant -1.000000e+00 : f32
        %broadcast_in_dim3A_1873 = vector.broadcast %jit3A_1872 : f32 to vector<16xf32>
        %select_n3A_1874 = arith.select %or3A_1871, %broadcast_in_dim3A_1873, %get3A_1819 : vector<16xi1>, vector<16xf32>
        %swap3A_1875 = arith.index_cast %add3A_1816 : i32 to index
        %swap3A_1876 = tpu.vector_load %arg4[%swap3A_1875] {strides = array<i32>} : memref<10240xf32, #tpu.memory_space<vmem>>, vector<16xf32>,
        %swap3A_1877 = vector.shape_cast %swap3A_1876 : vector<16xf32> to vector<16xf32>
        %swap3A_1878 = vector.shape_cast %select_n3A_1874 : vector<16xf32> to vector<16xf32>
        tpu.vector_store %arg4[%swap3A_1875], %swap3A_1878 {strides = array<i32>} : memref<10240xf32, #tpu.memory_space<vmem>>, vector<16xf32>,
        %gt3A_1879 = arith.cmpf ogt, %select_n3A_1874, %select_n3A_1811 : vector<16xf32>
        %select_n3A_1880 = arith.select %gt3A_1879, %select_n3A_1874, %select_n3A_1811 : vector<16xi1>, vector<16xf32>
        %select_n3A_1881 = arith.select %gt3A_1879, %add3A_1866, %select_n3A_1812 : vector<16xi1>, vector<16xi32>
        %mul3A_1882 = arith.constant 128 : i32
        %mul3A_1883 = arith.muli %scan3A_1398, %mul3A_1882 : i32
        %add3A_1884 = arith.constant 112 : i32
        %add3A_1885 = arith.addi %mul3A_1883, %add3A_1884 : i32
        %get3A_1886 = arith.index_cast %add3A_1885 : i32 to index
        %get3A_1887 = tpu.vector_load %arg4[%get3A_1886] {strides = array<i32>} : memref<10240xf32, #tpu.memory_space<vmem>>, vector<16xf32>,
        %get3A_1888 = vector.shape_cast %get3A_1887 : vector<16xf32> to vector<16xf32>
        %add3A_1889 = arith.constant 1280 : i32
        %add3A_1890 = arith.addi %add3A_1889, %add3A_1885 : i32
        %get3A_1891 = arith.index_cast %add3A_1890 : i32 to index
        %get3A_1892 = tpu.vector_load %arg4[%get3A_1891] {strides = array<i32>} : memref<10240xf32, #tpu.memory_space<vmem>>, vector<16xf32>,
        %get3A_1893 = vector.shape_cast %get3A_1892 : vector<16xf32> to vector<16xf32>
        %max3A_1894 = arith.maximumf %gather3A_1238, %get3A_1893 : vector<16xf32>
        %add3A_1895 = arith.constant 2560 : i32
        %add3A_1896 = arith.addi %add3A_1895, %add3A_1885 : i32
        %get3A_1897 = arith.index_cast %add3A_1896 : i32 to index
        %get3A_1898 = tpu.vector_load %arg4[%get3A_1897] {strides = array<i32>} : memref<10240xf32, #tpu.memory_space<vmem>>, vector<16xf32>,
        %get3A_1899 = vector.shape_cast %get3A_1898 : vector<16xf32> to vector<16xf32>
        %max3A_1900 = arith.maximumf %gather3A_1254, %get3A_1899 : vector<16xf32>
        %add3A_1901 = arith.constant 3840 : i32
        %add3A_1902 = arith.addi %add3A_1901, %add3A_1885 : i32
        %get3A_1903 = arith.index_cast %add3A_1902 : i32 to index
        %get3A_1904 = tpu.vector_load %arg4[%get3A_1903] {strides = array<i32>} : memref<10240xf32, #tpu.memory_space<vmem>>, vector<16xf32>,
        %get3A_1905 = vector.shape_cast %get3A_1904 : vector<16xf32> to vector<16xf32>
        %min3A_1906 = arith.minimumf %gather3A_1270, %get3A_1905 : vector<16xf32>
        %add3A_1907 = arith.constant 5120 : i32
        %add3A_1908 = arith.addi %add3A_1907, %add3A_1885 : i32
        %get3A_1909 = arith.index_cast %add3A_1908 : i32 to index
        %get3A_1910 = tpu.vector_load %arg4[%get3A_1909] {strides = array<i32>} : memref<10240xf32, #tpu.memory_space<vmem>>, vector<16xf32>,
        %get3A_1911 = vector.shape_cast %get3A_1910 : vector<16xf32> to vector<16xf32>
        %min3A_1912 = arith.minimumf %gather3A_1286, %get3A_1911 : vector<16xf32>
        %sub3A_1913 = arith.subf %min3A_1906, %max3A_1894 : vector<16xf32>
        %max3A_1914 = arith.constant 0.000000e+00 : f32
        %max3A_1915 = vector.broadcast %max3A_1914 : f32 to vector<16xf32>
        %max3A_1916 = arith.maximumf %sub3A_1913, %max3A_1915 : vector<16xf32>
        %sub3A_1917 = arith.subf %min3A_1912, %max3A_1900 : vector<16xf32>
        %max3A_1918 = arith.constant 0.000000e+00 : f32
        %max3A_1919 = vector.broadcast %max3A_1918 : f32 to vector<16xf32>
        %max3A_1920 = arith.maximumf %sub3A_1917, %max3A_1919 : vector<16xf32>
        %mul3A_1921 = arith.mulf %max3A_1916, %max3A_1920 : vector<16xf32>
        %add3A_1922 = arith.constant 6400 : i32
        %add3A_1923 = arith.addi %add3A_1922, %add3A_1885 : i32
        %get3A_1924 = arith.index_cast %add3A_1923 : i32 to index
        %get3A_1925 = tpu.vector_load %arg4[%get3A_1924] {strides = array<i32>} : memref<10240xf32, #tpu.memory_space<vmem>>, vector<16xf32>,
        %get3A_1926 = vector.shape_cast %get3A_1925 : vector<16xf32> to vector<16xf32>
        %add3A_1927 = arith.addf %gather3A_1302, %get3A_1926 : vector<16xf32>
        %sub3A_1928 = arith.subf %add3A_1927, %mul3A_1921 : vector<16xf32>
        %add3A_1929 = arith.constant 9.99999971E-10 : f32
        %add3A_1930 = vector.broadcast %add3A_1929 : f32 to vector<16xf32>
        %add3A_1931 = arith.addf %sub3A_1928, %add3A_1930 : vector<16xf32>
        %div3A_1932 = arith.divf %mul3A_1921, %add3A_1931 : vector<16xf32>
        %add3A_1933 = arith.addi %mul3A_0, %add3A_1885 : i32
        %add3A_1934 = vector.broadcast %add3A_1933 : i32 to vector<16xi32>
        %add3A_1935 = arith.addi %iota3A, %add3A_1934 : vector<16xi32>
        %gt3A_1936 = arith.constant 5.000000e-01 : f32
        %gt3A_1937 = vector.broadcast %gt3A_1936 : f32 to vector<16xf32>
        %gt3A_1938 = arith.cmpf ogt, %div3A_1932, %gt3A_1937 : vector<16xf32>
        %eq3A_1939 = arith.cmpi eq, %add3A_1935, %convert_element_type3A_1154 : vector<16xi32>
        %or3A_1940 = arith.ori %gt3A_1938, %eq3A_1939 : vector<16xi1>
        %jit3A_1941 = arith.constant -1.000000e+00 : f32
        %broadcast_in_dim3A_1942 = vector.broadcast %jit3A_1941 : f32 to vector<16xf32>
        %select_n3A_1943 = arith.select %or3A_1940, %broadcast_in_dim3A_1942, %get3A_1888 : vector<16xi1>, vector<16xf32>
        %swap3A_1944 = arith.index_cast %add3A_1885 : i32 to index
        %swap3A_1945 = tpu.vector_load %arg4[%swap3A_1944] {strides = array<i32>} : memref<10240xf32, #tpu.memory_space<vmem>>, vector<16xf32>,
        %swap3A_1946 = vector.shape_cast %swap3A_1945 : vector<16xf32> to vector<16xf32>
        %swap3A_1947 = vector.shape_cast %select_n3A_1943 : vector<16xf32> to vector<16xf32>
        tpu.vector_store %arg4[%swap3A_1944], %swap3A_1947 {strides = array<i32>} : memref<10240xf32, #tpu.memory_space<vmem>>, vector<16xf32>,
        %gt3A_1948 = arith.cmpf ogt, %select_n3A_1943, %select_n3A_1880 : vector<16xf32>
        %select_n3A_1949 = arith.select %gt3A_1948, %select_n3A_1943, %select_n3A_1880 : vector<16xi1>, vector<16xf32>
        %select_n3A_1950 = arith.select %gt3A_1948, %add3A_1935, %select_n3A_1881 : vector<16xi1>, vector<16xi32>
        scf.yield %select_n3A_1949, %select_n3A_1950 : vector<16xf32>, vector<16xi32>
      }
      %scan3A_1397 = arith.constant 10 : i32
      scf.yield %scan3A_1396#0, %scan3A_1396#1 : vector<16xf32>, vector<16xi32>
    }
    %scan3A_36 = arith.constant 100 : i32
    %eq3A = arith.constant 0 : i32
    %eq3A_37 = arith.cmpi eq, %arg1, %eq3A : i32
    %eq3A_38 = arith.constant 0 : i32
    %eq3A_39 = arith.cmpi eq, %arg0, %eq3A_38 : i32
    %and3A = arith.andi %eq3A_37, %eq3A_39 : i1
    %convert_element_type3A = arith.extui %and3A : i1 to i32
    %cond3A = arith.constant 0 : i32
    %cond3A_40 = arith.cmpi ne, %convert_element_type3A, %cond3A : i32
    scf.if %cond3A_40 {
      "tpu.region"() ({
        %run_scoped3A_41 = tpu.sem_alloc : memref<!tpu.dma_semaphore, #tpu.memory_space<semaphore_mem>>
        tpu.enqueue_dma source(%arg8 : memref<1600xf32, #tpu.memory_space<vmem>>) target(%arg3 : memref<1600xf32, #tpu.memory_space<hbm>>) target_semaphore(%run_scoped3A_41 : memref<!tpu.dma_semaphore, #tpu.memory_space<semaphore_mem>>)
        tpu.wait_dma2 semaphore(%run_scoped3A_41 : memref<!tpu.dma_semaphore, #tpu.memory_space<semaphore_mem>>) src(%arg8 : memref<1600xf32, #tpu.memory_space<vmem>>) dst(%arg3 : memref<1600xf32, #tpu.memory_space<hbm>>)
        tpu.yield
      }) : () -> ()
    } else {
    }
    return
  }
}

module attributes {stable_mosaic.version = 14 : i64} {
  func.func @_dense_body(%arg0: memref<20000x80xf32, #tpu.memory_space<vmem>>, %arg1: memref<160x128xf32, #tpu.memory_space<vmem>>, %arg2: memref<160x128xf32, #tpu.memory_space<vmem>>, %arg3: memref<160x128xf32, #tpu.memory_space<vmem>>, %arg4: memref<160x128xf32, #tpu.memory_space<vmem>>, %arg5: memref<160x128xf32, #tpu.memory_space<vmem>>, %arg6: memref<160x128xf32, #tpu.memory_space<vmem>>, %arg7: memref<160x128xf32, #tpu.memory_space<vmem>>, %arg8: memref<160x128xf32, #tpu.memory_space<vmem>>, %arg9: memref<8x160x128xf32, #tpu.memory_space<vmem>>) attributes {dimension_semantics = [], scalar_prefetch = 0 : i64, scratch_operands = 0 : i64, tpu.core_type = #tpu.core_type<tc>} {
    %get3A = arith.constant 0 : index
    %get3A_0 = arith.constant 0 : index
    %get3A_1 = vector.load %arg1[%get3A, %get3A_0] : memref<160x128xf32, #tpu.memory_space<vmem>>, vector<160x128xf32>
    %get3A_2 = arith.constant 0 : index
    %get3A_3 = arith.constant 0 : index
    %get3A_4 = vector.load %arg2[%get3A_2, %get3A_3] : memref<160x128xf32, #tpu.memory_space<vmem>>, vector<160x128xf32>
    %get3A_5 = arith.constant 0 : index
    %get3A_6 = arith.constant 0 : index
    %get3A_7 = vector.load %arg3[%get3A_5, %get3A_6] : memref<160x128xf32, #tpu.memory_space<vmem>>, vector<160x128xf32>
    %get3A_8 = arith.constant 0 : index
    %get3A_9 = arith.constant 0 : index
    %get3A_10 = vector.load %arg4[%get3A_8, %get3A_9] : memref<160x128xf32, #tpu.memory_space<vmem>>, vector<160x128xf32>
    %get3A_11 = arith.constant 0 : index
    %get3A_12 = arith.constant 0 : index
    %get3A_13 = vector.load %arg5[%get3A_11, %get3A_12] : memref<160x128xf32, #tpu.memory_space<vmem>>, vector<160x128xf32>
    %get3A_14 = arith.constant 0 : index
    %get3A_15 = arith.constant 0 : index
    %get3A_16 = vector.load %arg6[%get3A_14, %get3A_15] : memref<160x128xf32, #tpu.memory_space<vmem>>, vector<160x128xf32>
    %get3A_17 = arith.constant 0 : index
    %get3A_18 = arith.constant 0 : index
    %get3A_19 = vector.load %arg7[%get3A_17, %get3A_18] : memref<160x128xf32, #tpu.memory_space<vmem>>, vector<160x128xf32>
    %get3A_20 = arith.constant 0 : index
    %get3A_21 = arith.constant 0 : index
    %get3A_22 = vector.load %arg8[%get3A_20, %get3A_21] : memref<160x128xf32, #tpu.memory_space<vmem>>, vector<160x128xf32>
    %sub3A = arith.subf %get3A_7, %get3A_1 : vector<160x128xf32>
    %sub3A_23 = arith.subf %get3A_10, %get3A_4 : vector<160x128xf32>
    %add3A = arith.addf %get3A_1, %get3A_7 : vector<160x128xf32>
    %mul3A = arith.constant 5.000000e-01 : f32
    %mul3A_24 = vector.broadcast %mul3A : f32 to vector<160x128xf32>
    %mul3A_25 = arith.mulf %add3A, %mul3A_24 : vector<160x128xf32>
    %add3A_26 = arith.addf %get3A_4, %get3A_10 : vector<160x128xf32>
    %mul3A_27 = arith.constant 5.000000e-01 : f32
    %mul3A_28 = vector.broadcast %mul3A_27 : f32 to vector<160x128xf32>
    %mul3A_29 = arith.mulf %add3A_26, %mul3A_28 : vector<160x128xf32>
    %min3A = arith.constant 4.13516665 : f32
    %min3A_30 = vector.broadcast %min3A : f32 to vector<160x128xf32>
    %min3A_31 = arith.minimumf %get3A_19, %min3A_30 : vector<160x128xf32>
    %min3A_32 = arith.constant 4.13516665 : f32
    %min3A_33 = vector.broadcast %min3A_32 : f32 to vector<160x128xf32>
    %min3A_34 = arith.minimumf %get3A_22, %min3A_33 : vector<160x128xf32>
    %mul3A_35 = arith.mulf %get3A_13, %sub3A : vector<160x128xf32>
    %add3A_36 = arith.addf %mul3A_35, %mul3A_25 : vector<160x128xf32>
    %mul3A_37 = arith.mulf %get3A_16, %sub3A_23 : vector<160x128xf32>
    %add3A_38 = arith.addf %mul3A_37, %mul3A_29 : vector<160x128xf32>
    %exp3A = math.exp %min3A_31 : vector<160x128xf32>
    %mul3A_39 = arith.mulf %exp3A, %sub3A : vector<160x128xf32>
    %exp3A_40 = math.exp %min3A_34 : vector<160x128xf32>
    %mul3A_41 = arith.mulf %exp3A_40, %sub3A_23 : vector<160x128xf32>
    %mul3A_42 = arith.constant 5.000000e-01 : f32
    %mul3A_43 = vector.broadcast %mul3A_42 : f32 to vector<160x128xf32>
    %mul3A_44 = arith.mulf %mul3A_43, %mul3A_39 : vector<160x128xf32>
    %sub3A_45 = arith.subf %add3A_36, %mul3A_44 : vector<160x128xf32>
    %jit3A = arith.constant 0.000000e+00 : f32
    %jit3A_46 = arith.constant 1.023000e+03 : f32
    %max3A = vector.broadcast %jit3A : f32 to vector<160x128xf32>
    %max3A_47 = arith.maximumf %max3A, %sub3A_45 : vector<160x128xf32>
    %min3A_48 = vector.broadcast %jit3A_46 : f32 to vector<160x128xf32>
    %min3A_49 = arith.minimumf %min3A_48, %max3A_47 : vector<160x128xf32>
    %mul3A_50 = arith.constant 5.000000e-01 : f32
    %mul3A_51 = vector.broadcast %mul3A_50 : f32 to vector<160x128xf32>
    %mul3A_52 = arith.mulf %mul3A_51, %mul3A_41 : vector<160x128xf32>
    %sub3A_53 = arith.subf %add3A_38, %mul3A_52 : vector<160x128xf32>
    %jit3A_54 = arith.constant 0.000000e+00 : f32
    %jit3A_55 = arith.constant 1.023000e+03 : f32
    %max3A_56 = vector.broadcast %jit3A_54 : f32 to vector<160x128xf32>
    %max3A_57 = arith.maximumf %max3A_56, %sub3A_53 : vector<160x128xf32>
    %min3A_58 = vector.broadcast %jit3A_55 : f32 to vector<160x128xf32>
    %min3A_59 = arith.minimumf %min3A_58, %max3A_57 : vector<160x128xf32>
    %mul3A_60 = arith.constant 5.000000e-01 : f32
    %mul3A_61 = vector.broadcast %mul3A_60 : f32 to vector<160x128xf32>
    %mul3A_62 = arith.mulf %mul3A_61, %mul3A_39 : vector<160x128xf32>
    %add3A_63 = arith.addf %add3A_36, %mul3A_62 : vector<160x128xf32>
    %jit3A_64 = arith.constant 0.000000e+00 : f32
    %jit3A_65 = arith.constant 1.023000e+03 : f32
    %max3A_66 = vector.broadcast %jit3A_64 : f32 to vector<160x128xf32>
    %max3A_67 = arith.maximumf %max3A_66, %add3A_63 : vector<160x128xf32>
    %min3A_68 = vector.broadcast %jit3A_65 : f32 to vector<160x128xf32>
    %min3A_69 = arith.minimumf %min3A_68, %max3A_67 : vector<160x128xf32>
    %mul3A_70 = arith.constant 5.000000e-01 : f32
    %mul3A_71 = vector.broadcast %mul3A_70 : f32 to vector<160x128xf32>
    %mul3A_72 = arith.mulf %mul3A_71, %mul3A_41 : vector<160x128xf32>
    %add3A_73 = arith.addf %add3A_38, %mul3A_72 : vector<160x128xf32>
    %jit3A_74 = arith.constant 0.000000e+00 : f32
    %jit3A_75 = arith.constant 1.023000e+03 : f32
    %max3A_76 = vector.broadcast %jit3A_74 : f32 to vector<160x128xf32>
    %max3A_77 = arith.maximumf %max3A_76, %add3A_73 : vector<160x128xf32>
    %min3A_78 = vector.broadcast %jit3A_75 : f32 to vector<160x128xf32>
    %min3A_79 = arith.minimumf %min3A_78, %max3A_77 : vector<160x128xf32>
    %get3A_80 = arith.constant 0 : index
    %get3A_81 = arith.constant 0 : index
    %get3A_82 = vector.load %arg0[%get3A_80, %get3A_81] : memref<20000x80xf32, #tpu.memory_space<vmem>>, vector<20000x80xf32>
    %broadcast_in_dim3A = arith.constant -1.000000e+02 : f32
    %broadcast_in_dim3A_83 = vector.broadcast %broadcast_in_dim3A : f32 to vector<480x80xf32>
    %concatenate3A = tpu.concatenate %get3A_82, %broadcast_in_dim3A_83 in 0 : vector<20000x80xf32>, vector<480x80xf32> -> vector<20480x80xf32>
    %reshape3A = vector.shape_cast %concatenate3A : vector<20480x80xf32> to vector<160x128x80xf32>
    %logistic3A = arith.negf %reshape3A : vector<160x128x80xf32>
    %logistic3A_84 = math.exp %logistic3A : vector<160x128x80xf32>
    %logistic3A_85 = arith.constant 1.000000e+00 : f32
    %logistic3A_86 = vector.broadcast %logistic3A_85 : f32 to vector<160x128x80xf32>
    %logistic3A_87 = arith.addf %logistic3A_86, %logistic3A_84 : vector<160x128x80xf32>
    %logistic3A_88 = arith.divf %logistic3A_86, %logistic3A_87 : vector<160x128x80xf32>
    %reduce_max3A = arith.constant dense<0xFF800000> : vector<160x128xf32>
    %reduce_max3A_89 = vector.multi_reduction <maximumf>, %logistic3A_88, %reduce_max3A [2] : vector<160x128x80xf32> to vector<160x128xf32>
    %argmax3A = tpu.reduce_index %logistic3A_88 {axis = 2 : i32, kind = #tpu.reduction_kind<arg_max>} : vector<160x128x80xf32> -> vector<160x128xi32>
    %convert_element_type3A = arith.sitofp %argmax3A : vector<160x128xi32> to vector<160x128xf32>
    %ge3A = arith.constant 3.000000e-01 : f32
    %ge3A_90 = vector.broadcast %ge3A : f32 to vector<160x128xf32>
    %ge3A_91 = arith.cmpf oge, %reduce_max3A_89, %ge3A_90 : vector<160x128xf32>
    %jit3A_92 = arith.constant -1.000000e+00 : f32
    %broadcast_in_dim3A_93 = vector.broadcast %jit3A_92 : f32 to vector<160x128xf32>
    %select_n3A = arith.select %ge3A_91, %reduce_max3A_89, %broadcast_in_dim3A_93 : vector<160x128xi1>, vector<160x128xf32>
    %mul3A_94 = arith.constant 1.024000e+03 : f32
    %mul3A_95 = vector.broadcast %mul3A_94 : f32 to vector<160x128xf32>
    %mul3A_96 = arith.mulf %convert_element_type3A, %mul3A_95 : vector<160x128xf32>
    %add3A_97 = arith.addf %min3A_49, %mul3A_96 : vector<160x128xf32>
    %add3A_98 = arith.addf %min3A_59, %mul3A_96 : vector<160x128xf32>
    %add3A_99 = arith.addf %min3A_69, %mul3A_96 : vector<160x128xf32>
    %add3A_100 = arith.addf %min3A_79, %mul3A_96 : vector<160x128xf32>
    %sub3A_101 = arith.subf %add3A_99, %add3A_97 : vector<160x128xf32>
    %sub3A_102 = arith.subf %add3A_100, %add3A_98 : vector<160x128xf32>
    %mul3A_103 = arith.mulf %sub3A_101, %sub3A_102 : vector<160x128xf32>
    %swap3A = arith.constant 0 : index
    %swap3A_104 = arith.constant 0 : index
    %swap3A_105 = arith.constant 0 : index
    %swap3A_106 = vector.load %arg9[%swap3A, %swap3A_104, %swap3A_105] : memref<8x160x128xf32, #tpu.memory_space<vmem>>, vector<1x160x128xf32>
    %swap3A_107 = vector.shape_cast %swap3A_106 : vector<1x160x128xf32> to vector<160x128xf32>
    %swap3A_108 = vector.shape_cast %select_n3A : vector<160x128xf32> to vector<1x160x128xf32>
    tpu.vector_store %arg9[%swap3A, %swap3A_104, %swap3A_105], %swap3A_108 {strides = array<i32>} : memref<8x160x128xf32, #tpu.memory_space<vmem>>, vector<1x160x128xf32>,
    %swap3A_109 = arith.constant 1 : index
    %swap3A_110 = arith.constant 0 : index
    %swap3A_111 = arith.constant 0 : index
    %swap3A_112 = vector.load %arg9[%swap3A_109, %swap3A_110, %swap3A_111] : memref<8x160x128xf32, #tpu.memory_space<vmem>>, vector<1x160x128xf32>
    %swap3A_113 = vector.shape_cast %swap3A_112 : vector<1x160x128xf32> to vector<160x128xf32>
    %swap3A_114 = vector.shape_cast %add3A_97 : vector<160x128xf32> to vector<1x160x128xf32>
    tpu.vector_store %arg9[%swap3A_109, %swap3A_110, %swap3A_111], %swap3A_114 {strides = array<i32>} : memref<8x160x128xf32, #tpu.memory_space<vmem>>, vector<1x160x128xf32>,
    %swap3A_115 = arith.constant 2 : index
    %swap3A_116 = arith.constant 0 : index
    %swap3A_117 = arith.constant 0 : index
    %swap3A_118 = vector.load %arg9[%swap3A_115, %swap3A_116, %swap3A_117] : memref<8x160x128xf32, #tpu.memory_space<vmem>>, vector<1x160x128xf32>
    %swap3A_119 = vector.shape_cast %swap3A_118 : vector<1x160x128xf32> to vector<160x128xf32>
    %swap3A_120 = vector.shape_cast %add3A_98 : vector<160x128xf32> to vector<1x160x128xf32>
    tpu.vector_store %arg9[%swap3A_115, %swap3A_116, %swap3A_117], %swap3A_120 {strides = array<i32>} : memref<8x160x128xf32, #tpu.memory_space<vmem>>, vector<1x160x128xf32>,
    %swap3A_121 = arith.constant 3 : index
    %swap3A_122 = arith.constant 0 : index
    %swap3A_123 = arith.constant 0 : index
    %swap3A_124 = vector.load %arg9[%swap3A_121, %swap3A_122, %swap3A_123] : memref<8x160x128xf32, #tpu.memory_space<vmem>>, vector<1x160x128xf32>
    %swap3A_125 = vector.shape_cast %swap3A_124 : vector<1x160x128xf32> to vector<160x128xf32>
    %swap3A_126 = vector.shape_cast %add3A_99 : vector<160x128xf32> to vector<1x160x128xf32>
    tpu.vector_store %arg9[%swap3A_121, %swap3A_122, %swap3A_123], %swap3A_126 {strides = array<i32>} : memref<8x160x128xf32, #tpu.memory_space<vmem>>, vector<1x160x128xf32>,
    %swap3A_127 = arith.constant 4 : index
    %swap3A_128 = arith.constant 0 : index
    %swap3A_129 = arith.constant 0 : index
    %swap3A_130 = vector.load %arg9[%swap3A_127, %swap3A_128, %swap3A_129] : memref<8x160x128xf32, #tpu.memory_space<vmem>>, vector<1x160x128xf32>
    %swap3A_131 = vector.shape_cast %swap3A_130 : vector<1x160x128xf32> to vector<160x128xf32>
    %swap3A_132 = vector.shape_cast %add3A_100 : vector<160x128xf32> to vector<1x160x128xf32>
    tpu.vector_store %arg9[%swap3A_127, %swap3A_128, %swap3A_129], %swap3A_132 {strides = array<i32>} : memref<8x160x128xf32, #tpu.memory_space<vmem>>, vector<1x160x128xf32>,
    %swap3A_133 = arith.constant 5 : index
    %swap3A_134 = arith.constant 0 : index
    %swap3A_135 = arith.constant 0 : index
    %swap3A_136 = vector.load %arg9[%swap3A_133, %swap3A_134, %swap3A_135] : memref<8x160x128xf32, #tpu.memory_space<vmem>>, vector<1x160x128xf32>
    %swap3A_137 = vector.shape_cast %swap3A_136 : vector<1x160x128xf32> to vector<160x128xf32>
    %swap3A_138 = vector.shape_cast %mul3A_103 : vector<160x128xf32> to vector<1x160x128xf32>
    tpu.vector_store %arg9[%swap3A_133, %swap3A_134, %swap3A_135], %swap3A_138 {strides = array<i32>} : memref<8x160x128xf32, #tpu.memory_space<vmem>>, vector<1x160x128xf32>,
    %swap3A_139 = arith.constant 6 : index
    %swap3A_140 = arith.constant 0 : index
    %swap3A_141 = arith.constant 0 : index
    %swap3A_142 = vector.load %arg9[%swap3A_139, %swap3A_140, %swap3A_141] : memref<8x160x128xf32, #tpu.memory_space<vmem>>, vector<1x160x128xf32>
    %swap3A_143 = vector.shape_cast %swap3A_142 : vector<1x160x128xf32> to vector<160x128xf32>
    %swap3A_144 = vector.shape_cast %convert_element_type3A : vector<160x128xf32> to vector<1x160x128xf32>
    tpu.vector_store %arg9[%swap3A_139, %swap3A_140, %swap3A_141], %swap3A_144 {strides = array<i32>} : memref<8x160x128xf32, #tpu.memory_space<vmem>>, vector<1x160x128xf32>,
    %broadcast_in_dim3A_145 = arith.constant 0.000000e+00 : f32
    %broadcast_in_dim3A_146 = vector.broadcast %broadcast_in_dim3A_145 : f32 to vector<160x128xf32>
    %swap3A_147 = arith.constant 7 : index
    %swap3A_148 = arith.constant 0 : index
    %swap3A_149 = arith.constant 0 : index
    %swap3A_150 = vector.load %arg9[%swap3A_147, %swap3A_148, %swap3A_149] : memref<8x160x128xf32, #tpu.memory_space<vmem>>, vector<1x160x128xf32>
    %swap3A_151 = vector.shape_cast %swap3A_150 : vector<1x160x128xf32> to vector<160x128xf32>
    %swap3A_152 = vector.shape_cast %broadcast_in_dim3A_146 : vector<160x128xf32> to vector<1x160x128xf32>
    tpu.vector_store %arg9[%swap3A_147, %swap3A_148, %swap3A_149], %swap3A_152 {strides = array<i32>} : memref<8x160x128xf32, #tpu.memory_space<vmem>>, vector<1x160x128xf32>,
    return
  }
}

</mosaic_0001>

<sc_bundles>
// kernel: kernel.4.cloned.1.call-start
scs
__scs_entry_jumppad:
0x0: {  	(pc) =	sbr.rel $0x88, $3  }
0x1: {  	(tag) =	ssettag $0x0;
	lr =	simm.s32 $0x1  }
0x2: {  	[smem:$0x3F9E] =	sst lr;
	_ =	strace $0xD0000000  }
0x3: {  	_ = 	snop  }
0x4: {  	_ = 	snop  }
0x5: {  	_ = 	snop  }
0x6: {  	_ = 	snop  }
0x7: {  	_ = 	snop  }
__scs_overlays_trampoline_lowered:
0x8: {  	[smem:$0x3FAD] =	sst s0  }
0x9: {  	[smem:$0x3FAE] =	sst s1  }
0xa: {  	[smem:$0x3FAF] =	sst s2  }
0xb: {  	[smem:$0x3FB0] =	sst s3  }
0xc: {  	[smem:$0x3FB1] =	sst s4  }
0xd: {  	[smem:$0x3FB2] =	sst s5  }
0xe: {  	[smem:$0x3FB3] =	sst s6  }
0xf: {  	[smem:$0x3FB4] =	sst s7  }
0x10: {  	[smem:$0x3FB5] =	sst s8  }
0x11: {  	[smem:$0x3FB6] =	sst s9;
	s0 =	simm.s32 @!p0 $0x0  }
0x12: {  	s1 =	sld [smem:$0x3F9C];
	s0 =	simm.s32 @p0 $0x1  }
0x13: {  	[smem:$0x3FB7] =	sst s0;
	s0 =	simm.s32 @!p1 $0x0  }
0x14: {  	s2 =	sld [smem:$0x3F9B];
	s0 =	simm.s32 @p1 $0x1  }
0x15: {  	[smem:$0x3FB8] =	sst s0;
	s0 =	simm.s32 @!p2 $0x0  }
0x16: {  	s3 =	sld [smem:$0x3FDB];
	s0 =	simm.s32 @p2 $0x1  }
0x17: {  	s4 =	simm.s32 $0x1BF5;
	[smem:$0x3FBA] =	sst s0  }
0x18: {  	s0 =	sld [smem:$0x3F9D];
	_ =	swait.ge [sflag:s4], $0x0  }
0x19: {  	s7 =	sld [smem:$0x3F9E]  }
0x1a: {  	s8 =	sadd.s32 $0xFFFFE003, lr  }
0x1b: {  	s9 =	sadd.s32 $0xFFFFFEF7, lr;
	s5 =	simm.s32 $0xFFFFFFFF;
	p2 =	slt.u32 s8, $0xFFFFF086  }
0x1c: {  	p1 =	slt.u32 s9, $0xF7A;
	s5 =	simm.s32 @!p2 $0x0  }
0x1d: {  	s5 =	simm.s32 @p1 $0x1;
	p0 =	seq.s32 s7, s2  }
0x1e: {  	s7 =	smul.u32 @!p0 $0xF7A, s2;
	p2 =	seq.s32 @!p0 s5, $0x0  }
0x1f: {  	s9 =	smul.u32 $0xF7A, s1;
	s8 =	simm.s32 @!p0 $0x1BF5;
	p2 =	por !p2, p0  }
0x20: {  	[sflag:s8] =	ssyncset.s32 @!p0 $0xFFFFF086;
	s6 =	sadd.s32 @!p0 s3, s7;
	s7 =	simm.s32 @!p0 $0x108  }
0x21: {  	s3 =	sadd.s32 s3, s9;
	s6 =	sadd.s32 @!p0 $0x88, s6;
	s7 =	simm.s32 @p2 $0x1082  }
0x22: {  	[simem:s7], [sflag:s8] =	dma.local @!p0 [hbm:s6], $0xF7A  }
0x23: {  	s9 =	sor.u32 $0xD0000000, s2;
	s6 =	simm.s32 $0x108;
	_ =	swait.ge @!p0 [sflag:s8], $0x0  }
0x24: {  	s3 =	sadd.s32 $0x88, s3;
	s6 =	simm.s32 @!p1 $0x1082;
	[sflag:s4] =	ssyncset.s32 $0xFFFFF086  }
0x25: {  	[simem:s6], [sflag:s4] =	dma.local [hbm:s3], $0xF7A  }
0x26: {  	[smem:$0x3F9E] =	sst s1;
	(tag) =	ssettag s2;
	_ =	strace s9  }
0x27: {  	s1 =	sld [smem:$0x3FAE]  }
0x28: {  	s2 =	sld [smem:$0x3FAF]  }
0x29: {  	s4 =	sld [smem:$0x3FB1]  }
0x2a: {  	p0 =	seq.s32 s5, $0x0;
	s5 =	sld [smem:$0x3FB2]  }
0x2b: {  	s6 =	sld [smem:$0x3FB3]  }
0x2c: {  	s7 =	sld [smem:$0x3FB4]  }
0x2d: {  	s3 =	simm.s32 $0x108;
	s8 =	sld [smem:$0x3FB5]  }
0x2e: {  	s3 =	simm.s32 @!p0 $0x1082;
	s9 =	sld [smem:$0x3FB6]  }
0x2f: {  	lr =	sadd.s32 s0, s3;
	s0 =	sld [smem:$0x3FAD]  }
0x30: {  	s3 =	sld [smem:$0x3FB0]  }
0x31: {  	[smem:$0x3FB9] =	sst s10  }
0x32: {  	s10 =	sld [smem:$0x3FB7];
	_ =	sdelay $0x3  }
0x33: {  	p0 =	seq.s32 s10, $0x1;
	s10 =	sld [smem:$0x3FB9];
	_ =	sdelay $0x3  }
0x34: {  	[smem:$0x3FB9] =	sst s10  }
0x35: {  	s10 =	sld [smem:$0x3FB8];
	_ =	sdelay $0x3  }
0x36: {  	p1 =	seq.s32 s10, $0x1;
	s10 =	sld [smem:$0x3FB9];
	_ =	sdelay $0x3  }
0x37: {  	[smem:$0x3FB9] =	sst s10  }
0x38: {  	s10 =	sld [smem:$0x3FBA]  }
0x39: {  	_ = 	snop;
	(pc) =	sbr.ind lr, $3  }
0x3a: {  	_ = 	snop  }
0x3b: {  	_ = 	snop  }
0x3c: {  	p2 =	seq.s32 s10, $0x1;
	s10 =	sld [smem:$0x3FB9]  }
0x3d: {  	_ =	shalt  }
0x3e: {  	_ =	shalt  }
0x3f: {  	_ =	shalt  }
0x40: {  	_ =	shalt  }
0x41: {  	_ =	shalt  }
0x42: {  	_ =	shalt  }
0x43: {  	_ =	shalt  }
0x44: {  	_ =	shalt  }
0x45: {  	_ =	shalt  }
0x46: {  	_ =	shalt  }
0x47: {  	_ =	shalt  }
0x48: {  	_ =	shalt  }
0x49: {  	_ =	shalt  }
0x4a: {  	_ =	shalt  }
0x4b: {  	_ =	shalt  }
0x4c: {  	_ =	shalt  }
0x4d: {  	_ =	shalt  }
0x4e: {  	_ =	shalt  }
0x4f: {  	_ =	shalt  }
0x50: {  	_ =	shalt  }
0x51: {  	_ =	shalt  }
0x52: {  	_ =	shalt  }
0x53: {  	_ =	shalt  }
0x54: {  	_ =	shalt  }
0x55: {  	_ =	shalt  }
0x56: {  	_ =	shalt  }
0x57: {  	_ =	shalt  }
0x58: {  	_ =	shalt  }
0x59: {  	_ =	shalt  }
0x5a: {  	_ =	shalt  }
0x5b: {  	_ =	shalt  }
0x5c: {  	_ =	shalt  }
0x5d: {  	_ =	shalt  }
0x5e: {  	_ =	shalt  }
0x5f: {  	_ =	shalt  }
0x60: {  	_ =	shalt  }
0x61: {  	_ =	shalt  }
0x62: {  	_ =	shalt  }
0x63: {  	_ =	shalt  }
0x64: {  	_ =	shalt  }
0x65: {  	_ =	shalt  }
0x66: {  	_ =	shalt  }
0x67: {  	_ =	shalt  }
0x68: {  	_ =	shalt  }
0x69: {  	_ =	shalt  }
0x6a: {  	_ =	shalt  }
0x6b: {  	_ =	shalt  }
0x6c: {  	_ =	shalt  }
0x6d: {  	_ =	shalt  }
0x6e: {  	_ =	shalt  }
0x6f: {  	_ =	shalt  }
0x70: {  	_ =	shalt  }
0x71: {  	_ =	shalt  }
0x72: {  	_ =	shalt  }
0x73: {  	_ =	shalt  }
0x74: {  	_ =	shalt  }
0x75: {  	_ =	shalt  }
0x76: {  	_ =	shalt  }
0x77: {  	_ =	shalt  }
0x78: {  	_ =	shalt  }
0x79: {  	_ =	shalt  }
0x7a: {  	_ =	shalt  }
0x7b: {  	_ =	shalt  }
0x7c: {  	_ =	shalt  }
0x7d: {  	_ =	shalt  }
0x7e: {  	_ =	shalt  }
0x7f: {  	_ =	shalt  }
0x80: {  	_ =	shalt  }
0x81: {  	_ =	shalt  }
0x82: {  	_ =	shalt  }
0x83: {  	_ =	shalt  }
0x84: {  	_ =	shalt  }
0x85: {  	_ =	shalt  }
0x86: {  	_ =	shalt  }
0x87: {  	_ =	shalt  }
.Lfunc_end0:
.L_simem_size_0:
called_computation_lowered:
.L_overlay_start_0:
0x88: {  	s0 =	sld [smem:$0x3FD9]  }
0x89: {  	s1 =	sld [smem:$0x3FFE];
	_ =	sdelay $0x3  }
0x8a: {  	s0 =	sadd.s32 s1, s0  }
0x8b: {  	[smem:$0x3FC5] =	sst s0  }
0x8c: {  	_ = 	snop  }
0x8d: {  	(tm) =	ssettm $0x1  }
0x8e: {  	s15 =	sld [smem:$0x3FFB];
	_ =	sdelay $0x3  }
0x8f: {  	_ =	strace s15  }
0x90: {  	s0 =	sld [smem:$0x3FFC];
	_ =	sdelay $0x3  }
0x91: {  	_ =	strace s0  }
0x92: {  	s0 =	sld [smem:$0x3FFD];
	_ =	sdelay $0x3  }
0x93: {  	_ =	strace s0  }
0x94: {  	_ =	strace $0x8FFFFFFF  }
0x95: {  	s16 =	sld [smem:$0x3FDB];
	_ =	sdelay $0x1  }
0x96: {  	s17 =	simm.s32 $_scs_section_size  }
0x97: {  	s2 =	simm.s32 $_size__tile_overlayer_lowered;
	s3 =	simm.s32 $_tile_overlayer_lowered  }
0x98: {  	s20 =	simm.s32 $0x1BFF;
	s19 =	sshll.u32 s3, $0x1;
	s0 =	sadd.s32 s17, s16  }
0x99: {  	s4 =	simm.s32 $0x0;
	s18 =	sshll.u32 s2, $0x1;
	s2 =	sadd.s32 s19, s0  }
0x9a: {  	[timem:s4], [sflag:s20] =	dma.local [hbm:s2], s18  }
0x9b: {  	_ =	swait.ge [sflag:s20], s18  }
0x9c: {  	s1 =	ssub.s32 $0x0, s18;
	[sflag:s20] =	ssyncset.done $0x0  }
0x9d: {  	[sflag:s20] =	ssyncadd.s32 s1;
	_ =	sdelay $0x1  }
0x9e: {  	s21 =	simm.s32 $0x1B8B  }
0x9f: {  	_ =	swait.ge [sflag:s21], $0x1  }
0xa0: {  	[sflag:s21] =	ssyncset.done $0x0  }
0xa1: {  	s23 =	simm.s32 $0x1B8E;
	s22 =	sld [smem:$0x3FFE];
	[sflag:s21] =	ssyncadd.s32 $0xFFFFFFFF  }
0xa2: {  	s24 =	simm.s32 $execute0_lowered;
	[smem:$0x3FD2] =	sst s23  }
0xa3: {  	s2 =	sshll.u32 s24, $0x1;
	_ =	strace $0x80000046;
	[dreg:$0x1] =	wrdreg $0xFFFFFFFF  }
0xa4: {  	s25 =	simm.s32 $_size_execute0_lowered;
	s0 =	sadd.s32 s0, s2;
	[dreg:$0x0] =	wrdreg $0x0  }
0xa5: {  	s2 =	sshll.u32 s25, $0x1;
	[dreg:$0x2] =	wrdreg s0  }
0xa6: {  	[dreg:$0x3] =	wrdreg s2  }
0xa7: {  	[dreg:$0x4] =	wrdreg $0xC0  }
0xa8: {  	_ =	task [dreg:s4], $0x5FFFF  }
0xa9: {  	[dreg:$0x1] =	wrdreg $0xFFFFFFFF  }
0xaa: {  	[dreg:$0x0] =	wrdreg $0x60  }
0xab: {  	[dreg:$0x2] =	wrdreg s22  }
0xac: {  	[dreg:$0x3] =	wrdreg $0x30000  }
0xad: {  	[dreg:$0x4] =	wrdreg $0x9  }
0xae: {  	_ =	task.clear_ibuf [dreg:s4], $0x5FFFF;
	_ =	strace $0x90000046  }
0xaf: {  	s26 =	simm.s32 $0x9;
	_ =	strace $0x80000048  }
0xb0: {  	_ =	swait.ge [sflag:s26], $0x1  }
0xb1: {  	[sflag:s26] =	ssyncadd.s32 $0xFFFFFFFF  }
0xb2: {  	_ =	strace $0x90000048  }
0xb3: {  	_ =	sfence  }
0xb4: {  	s28 =	sld [smem:$0x0];
	_ =	sdelay $0x1  }
0xb5: {  	s29 =	srdreg.scid  }
0xb6: {  	s30 =	sshll.u32 s29, $0xD;
	s31 =	sshrl.u32 s29, $0x2  }
0xb7: {  	s1 =	sand.u32 $0x1, s29;
	s2 =	sand.u32 $0x4000, s30;
	s0 =	sadd.s32 s31, s28  }
0xb8: {  	s1 =	sor.u32 s2, s1;
	s0 =	sshll.u32 s0, $0x11  }
0xb9: {  	s0 =	sor.u32 s0, s1  }
0xba: {  	s0 =	sadd.s32 $0x8F2B, s0  }
0xbb: {  	[sflag:s0] =	ssyncadd.remote.s32 $0x1  }
0xbc: {  	_ =	sfence.sel $0xFFFF  }
0xbd: {  	[dreg:$0x0] =	wrdreg $0xFFFFFFFF;
	(pc) =	sbr.abs _section_cstart, $3  }
0xbe: {  	[dreg:$0x1] =	wrdreg $0xFFFFFFFF  }
0xbf: {  	_ =	task.clear_ibuf [dreg:s4], $0x2FFFF;
	_ =	strace $0x9FFFFFFF  }
0xc0: {  	(tm) =	ssettm $0x7FFFFFFF  }
0xc1: {  	_ =	shalt  }
tec
execute0_lowered:
.L_overlay_start_1:
0x0: {  	(tag) =	ssettag $0x1  }
0x1: {  	s1 =	stileid.u32  }
0x2: {  	s0 =	sshrl.u32 s1, $0x3  }
0x3: {  	s3 =	rddreg [dreg:$0x0];
	s6 =	sshll.u32 s1, $0x7;
	s4 =	smul.u32 $0x2800, s0  }
0x4: {  	s2 =	rddreg [dreg:$0x1];
	s5 =	simm.s32 $0x0;
	s6 =	sand.u32 $0x380, s6  }
0x5: {  	s7 =	simm.s32 $0x80;
	s8 =	simm.s32 $0x400;
	s4 =	sor.u32 s6, s4  }
0x6: {  	s9 =	simm.s32 $0x1;
	[smem:$0x7FF] =	sst s5;
	s6 =	sshrl.u32 s4, $0x3  }
0x7: {  	s0 =	rddreg [dreg:$0x2];
	_ =	strace $0x80000047;
	s6 =	sadd.s32 s3, s6  }
0x8: {  	[tilespmem:s5], [sflag:$0x1] =	stream.strided.gather [hbm4b:s6+s7], $0x500, s8, s7, $0x38;
	[tilespmem:$0x3020] =	vst v63  }
0x9: {  	s10 =	sadd.s32 $0x5000, s4;
	_ =	swait.ge [sflag:s9], $0x500  }
0xa: {  	s10 =	sshrl.u32 s10, $0x3;
	[sflag:s9] =	ssyncset.done $0x0  }
0xb: {  	s11 =	simm.s32 $0x500;
	s10 =	sadd.s32 s3, s10;
	[sflag:s9] =	ssyncadd.s32 $0xFFFFFB00  }
0xc: {  	[tilespmem:s11], [sflag:$0x1] =	stream.strided.gather [hbm4b:s10+s7], $0x500, s8, s7, $0x38;
	[tilespmem:$0x3020] =	vst v63  }
0xd: {  	s21 =	sadd.s32 $0xA000, s4;
	_ =	swait.ge [sflag:s9], $0x500  }
0xe: {  	s10 =	sshrl.u32 s21, $0x3;
	[sflag:s9] =	ssyncset.done $0x0  }
0xf: {  	s22 =	simm.s32 $0xA00;
	s10 =	sadd.s32 s3, s10;
	[sflag:s9] =	ssyncadd.s32 $0xFFFFFB00  }
0x10: {  	[tilespmem:s22], [sflag:$0x1] =	stream.strided.gather [hbm4b:s10+s7], $0x500, s8, s7, $0x38;
	[tilespmem:$0x3020] =	vst v63  }
0x11: {  	s23 =	sadd.s32 $0xF000, s4;
	_ =	swait.ge [sflag:s9], $0x500  }
0x12: {  	s10 =	sshrl.u32 s23, $0x3;
	[sflag:s9] =	ssyncset.done $0x0  }
0x13: {  	s24 =	simm.s32 $0xF00;
	s10 =	sadd.s32 s3, s10;
	[sflag:s9] =	ssyncadd.s32 $0xFFFFFB00  }
0x14: {  	[tilespmem:s24], [sflag:$0x1] =	stream.strided.gather [hbm4b:s10+s7], $0x500, s8, s7, $0x38;
	[tilespmem:$0x3020] =	vst v63  }
0x15: {  	_ =	swait.ge [sflag:s9], $0x500  }
0x16: {  	[sflag:s9] =	ssyncset.done $0x0  }
0x17: {  	s25 =	simm.s32 $0x1400;
	s6 =	sadd.s32 $0x2800, s6;
	[sflag:s9] =	ssyncadd.s32 $0xFFFFFB00  }
0x18: {  	[tilespmem:s25], [sflag:$0x1] =	stream.strided.gather [hbm4b:s6+s7], $0x500, s8, s7, $0x38;
	[tilespmem:$0x3020] =	vst v63  }
0x19: {  	s26 =	sadd.s32 $0x19000, s4;
	_ =	swait.ge [sflag:s9], $0x500  }
0x1a: {  	s6 =	sshrl.u32 s26, $0x3;
	[sflag:s9] =	ssyncset.done $0x0  }
0x1b: {  	s28 =	simm.s32 $0x1900;
	s6 =	sadd.s32 s3, s6;
	[sflag:s9] =	ssyncadd.s32 $0xFFFFFB00  }
0x1c: {  	[tilespmem:s28], [sflag:$0x1] =	stream.strided.gather [hbm4b:s6+s7], $0x500, s8, s7, $0x38;
	[tilespmem:$0x3020] =	vst v63  }
0x1d: {  	s29 =	sadd.s32 $0x1E000, s4;
	_ =	swait.ge [sflag:s9], $0x500  }
0x1e: {  	s6 =	sshrl.u32 s29, $0x3;
	[sflag:s9] =	ssyncset.done $0x0  }
0x1f: {  	s30 =	simm.s32 $0x1E00;
	s6 =	sadd.s32 s3, s6;
	[sflag:s9] =	ssyncadd.s32 $0xFFFFFB00  }
0x20: {  	[tilespmem:s30], [sflag:$0x1] =	stream.strided.gather [hbm4b:s6+s7], $0x500, s8, s7, $0x38;
	[tilespmem:$0x3020] =	vst v63  }
0x21: {  	s4 =	sadd.s32 $0x23000, s4;
	_ =	swait.ge [sflag:s9], $0x500  }
0x22: {  	s4 =	sshrl.u32 s4, $0x3;
	[sflag:s9] =	ssyncset.done $0x0  }
0x23: {  	s31 =	simm.s32 $0x2300;
	s4 =	sadd.s32 s3, s4;
	[sflag:s9] =	ssyncadd.s32 $0xFFFFFB00  }
0x24: {  	[tilespmem:s31], [sflag:$0x1] =	stream.strided.gather [hbm4b:s4+s7], $0x500, s8, s7, $0x38;
	[tilespmem:$0x3020] =	vst v63  }
0x25: {  	_ =	swait.ge [sflag:s9], $0x500  }
0x26: {  	[sflag:s9] =	ssyncset.done $0x0  }
0x27: {  	[sflag:s9] =	ssyncadd.s32 $0xFFFFFB00  }
0x28: {  	v3 =	vld [tilespmem:s5+$0x1960]  }
0x29: {  	v4 =	vld [tilespmem:s5+$0x1950]  }
0x2a: {  	v5 =	vld [tilespmem:s5+$0x570]  }
0x2b: {  	v6 =	vld [tilespmem:s5+$0xA70]  }
0x2c: {  	v7 =	vld [tilespmem:s5+$0xF70]  }
0x2d: {  	v8 =	vld [tilespmem:s5+$0x1470]  }
0x2e: {  	v11 =	vld [tilespmem:s5+$0x1940]  }
0x2f: {  	v12 =	vld [tilespmem:s5+$0x560]  }
0x30: {  	v13 =	vld [tilespmem:s5+$0xA60]  }
0x31: {  	v14 =	vld [tilespmem:s5+$0xF60]  }
0x32: {  	v15 =	vld [tilespmem:s5+$0x1460]  }
0x33: {  	v16 =	vld [tilespmem:s5+$0x1930]  }
0x34: {  	v17 =	vld [tilespmem:s5+$0x550]  }
0x35: {  	v18 =	vld [tilespmem:s5+$0xA50]  }
0x36: {  	v19 =	vld [tilespmem:s5+$0xF50]  }
0x37: {  	v25 =	vld [tilespmem:s5+$0x1450]  }
0x38: {  	v20 =	vld [tilespmem:s5+$0x1920]  }
0x39: {  	v28 =	vld [tilespmem:s5+$0x540]  }
0x3a: {  	v29 =	vld [tilespmem:s5+$0xA40]  }
0x3b: {  	v30 =	vld [tilespmem:s5+$0xF40]  }
0x3c: {  	v31 =	vld [tilespmem:s5+$0x1440]  }
0x3d: {  	v32 =	vld [tilespmem:s5+$0x1910]  }
0x3e: {  	v33 =	vld [tilespmem:s5+$0x530]  }
0x3f: {  	v38 =	vld [tilespmem:s5+$0xA30]  }
0x40: {  	v39 =	vld [tilespmem:s5+$0xF30]  }
0x41: {  	v40 =	vld [tilespmem:s5+$0x1430]  }
0x42: {  	v2 =	vimm.f32 $-2.000000000e+00;
	v1 =	vimm.s32 $0x0;
	v0 =	vlaneseq.u32;
	v41 =	vld [tilespmem:s5+$0x1900]  }
0x43: {  	v42 =	vld [tilespmem:s5+$0x520];
	v4 =	vadd.f32 $1.000000000e+00, v4;
	v3 =	vadd.f32 $1.000000000e+00, v3;
	v9 =	vmax.f32 v5, $3.000000010e+38  }
0x44: {  	v43 =	vld [tilespmem:s5+$0xA20];
	v10 =	vmax.f32 v6, $3.000000010e+38;
	v21 =	vmin.f32 v7, $-3.000000010e+38;
	v22 =	vmin.f32 v8, $-3.000000010e+38  }
0x45: {  	v44 =	vld [tilespmem:s5+$0xF20];
	v5 =	vadd.f32 $1.000000000e+00, v11;
	v23 =	vmax.f32 v12, $3.000000010e+38;
	v12 =	vmax.f32 v13, $3.000000010e+38  }
0x46: {  	v27 =	vld [tilespmem:s5+$0x1420];
	v7 =	vadd.f32 $1.000000000e+00, v16;
	v26 =	vmin.f32 v14, $-3.000000010e+38;
	v24 =	vmin.f32 v15, $-3.000000010e+38  }
0x47: {  	v34 =	vld [tilespmem:s5+$0x510];
	v16 =	vmax.f32 v17, $3.000000010e+38;
	v6 =	vmax.f32 v18, $3.000000010e+38;
	v19 =	vmin.f32 v19, $-3.000000010e+38  }
0x48: {  	v35 =	vld [tilespmem:s5+$0xA10];
	v13 =	vadd.f32 $1.000000000e+00, v20;
	v20 =	vmax.f32 v28, $3.000000010e+38;
	v8 =	vmin.f32 v25, $-3.000000010e+38  }
0x49: {  	v36 =	vld [tilespmem:s5+$0x500];
	v14 =	vmax.f32 v29, $3.000000010e+38;
	v29 =	vmin.f32 v30, $-3.000000010e+38;
	v18 =	vmin.f32 v31, $-3.000000010e+38  }
0x4a: {  	v37 =	vld [tilespmem:s5+$0xA00];
	v11 =	vadd.f32 $1.000000000e+00, v32;
	v25 =	vmax.f32 v33, $3.000000010e+38;
	v17 =	vmax.f32 v38, $3.000000010e+38  }
0x4b: {  	s3 =	sadd.s32 $0x5000, s3;
	s6 =	simm.s32 $0x0;
	v38 =	vld [tilespmem:s5+$0xF00];
	v15 =	vadd.f32 $1.000000000e+00, v41;
	v31 =	vmin.f32 v39, $-3.000000010e+38;
	v28 =	vmin.f32 v40, $-3.000000010e+38  }
0x4c: {  	s4 =	smul.u32 $0x500, s1;
	s7 =	simm.s32 $0x80;
	s8 =	simm.s32 $0x0;
	v39 =	vld [tilespmem:s5+$0x1400];
	v32 =	vmax.f32 v42, $3.000000010e+38;
	v30 =	vmax.f32 v43, $3.000000010e+38;
	v33 =	vmin.f32 v44, $-3.000000010e+38  }
.LBB2_1:
0x4d: {  	p0 =	sne.s32 s7, $0x480;
	v34 =	vmax.f32 v34, $3.000000010e+38;
	v35 =	vmax.f32 v35, $3.000000010e+38;
	v40 =	vld [tilespmem:s5+$0xF10];
	v27 =	vmin.f32 v27, $-3.000000010e+38  }
0x4e: {  	v21 =	vsub.f32 v21, v9;
	v22 =	vsub.f32 v22, v10;
	v36 =	vmax.f32 v36, $3.000000010e+38;
	v41 =	vld [tilespmem:s5+$0x1410]  }
0x4f: {  	v23 =	vsub.f32 v26, v23;
	v24 =	vsub.f32 v24, v12;
	v9 =	vmax.f32 v37, $3.000000010e+38  }
0x50: {  	v16 =	vsub.f32 v19, v16;
	v19 =	vsub.f32 v8, v6;
	v10 =	vmin.f32 v38, $-3.000000010e+38  }
0x51: {  	v12 =	vsub.f32 v29, v20;
	v14 =	vsub.f32 v18, v14;
	v6 =	vmin.f32 v39, $-3.000000010e+38  }
0x52: {  	v8 =	vsub.f32 v10, v36;
	v6 =	vsub.f32 v6, v9;
	v9 =	vmin.f32 v40, $-3.000000010e+38  }
0x53: {  	v18 =	vsub.f32 v31, v25;
	v10 =	vmin.f32 v41, $-3.000000010e+38;
	v9 =	vsub.f32 v9, v34  }
0x54: {  	v8 =	vmax.f32 v8, $0.0e+00;
	v6 =	vmax.f32 v6, $0.0e+00;
	v10 =	vsub.f32 v10, v35  }
0x55: {  	v25 =	vsub.f32 v33, v32;
	v17 =	vsub.f32 v28, v17;
	s5 =	sadd.s32 $0x80, s5;
	v20 =	vmul.f32 v6, v8;
	v26 =	vld [tilespmem:s8+$0x1970]  }
0x56: {  	v27 =	vsub.f32 v27, v30;
	v9 =	vmax.f32 v9, $0.0e+00;
	v6 =	vld [tilespmem:s5+$0x1960];
	v10 =	vmax.f32 v10, $0.0e+00  }
0x57: {  	v18 =	vmax.f32 v18, $0.0e+00;
	v8 =	vld [tilespmem:s5+$0x1950];
	v15 =	vsub.f32 v15, v20;
	v28 =	vmul.f32 v10, v9  }
0x58: {  	v25 =	vmax.f32 v25, $0.0e+00;
	v17 =	vmax.f32 v17, $0.0e+00;
	v27 =	vmax.f32 v27, $0.0e+00;
	v9 =	vld [tilespmem:s5+$0x570]  }
0x59: {  	v25 =	vmul.f32 v27, v25;
	v10 =	vld [tilespmem:s5+$0xA70];
	v15 =	vadd.f32 $9.999999710e-10, v15;
	v29 =	vsub.f32 v11, v28  }
0x5a: {  	v14 =	vmax.f32 v14, $0.0e+00;
	v27 =	vmul.f32 v17, v18;
	v17 =	vmax.f32 v12, $0.0e+00;
	v11 =	vld [tilespmem:s5+$0xF70]  }
0x5b: {  	v12 =	vld [tilespmem:s5+$0x1470];
	v18 =	vadd.f32 $9.999999710e-10, v29;
	v29 =	vsub.f32 v13, v25;
	(erf) = vrcp.f32 v15  }
0x5c: {  	v30 =	vmul.f32 v14, v17;
	v15 =	vmax.f32 v16, $0.0e+00;
	v16 =	vmax.f32 v19, $0.0e+00;
	v13 =	vld [tilespmem:s5+$0x1940]  }
0x5d: {  	v19 =	vsub.f32 v7, v27;
	v14 =	vld [tilespmem:s5+$0x560];
	v17 =	vadd.f32 $9.999999710e-10, v29;
	(erf) = vrcp.f32 v18  }
0x5e: {  	v29 =	vmul.f32 v16, v15;
	v18 =	vmax.f32 v23, $0.0e+00;
	v23 =	vmax.f32 v24, $0.0e+00;
	v7 =	vld [tilespmem:s5+$0xA60]  }
0x5f: {  	v5 =	vsub.f32 v5, v30;
	v19 =	vadd.f32 $9.999999710e-10, v19;
	v15 =	vld [tilespmem:s5+$0xF60];
	(erf) = vrcp.f32 v17  }
0x60: {  	v21 =	vmax.f32 v21, $0.0e+00;
	v22 =	vmax.f32 v22, $0.0e+00;
	v23 =	vmul.f32 v23, v18;
	v16 =	vld [tilespmem:s5+$0x1460]  }
0x61: {  	s9 =	sadd.s32 s6, s4;
	s6 =	smov.u32 s7;
	v5 =	vadd.f32 $9.999999710e-10, v5;
	v4 =	vsub.f32 v4, v29;
	v17 =	vld [tilespmem:s5+$0x1930];
	(erf) = vrcp.f32 v19  }
0x62: {  	v21 =	vmul.f32 v22, v21;
	v22 =	vadd.f32 $1.000000000e+00, v26;
	v24 =	vor.u32 s9, v0;
	v18 =	vld [tilespmem:s5+$0x550]  }
0x63: {  	s10 =	sadd.s32 $0x40, s9;
	s11 =	sadd.s32 $0x50, s9;
	v3 =	vsub.f32 v3, v23;
	v4 =	vadd.f32 $9.999999710e-10, v4;
	v26 =	vld [tilespmem:s8+$0x0];
	(erf) = vrcp.f32 v5  }
0x64: {  	v31 =	vor.u32 s11, v0;
	v22 =	vsub.f32 v22, v21;
	v5 =	vor.u32 s10, v0;
	v19 =	vld [tilespmem:s5+$0xA50];
	v32 =	vpop (erf)  }
0x65: {  	s11 =	sadd.s32 $0x30, s9;
	v3 =	vadd.f32 $9.999999710e-10, v3;
	s10 =	sadd.s32 $0x20, s9;
	v32 =	vmul.f32 v32, v20;
	v33 =	vld [tilespmem:s8+$0x10];
	(erf) = vrcp.f32 v4  }
0x66: {  	v34 =	vor.u32 s11, v0;
	v22 =	vadd.f32 $9.999999710e-10, v22;
	v4 =	vor.u32 s10, v0;
	v20 =	vld [tilespmem:s5+$0xF50];
	v35 =	vpop (erf)  }
0x67: {  	s10 =	sadd.s32 $0x10, s9;
	vm0 =	vgt.f32 v32, $5.000000000e-01;
	v28 =	vmul.f32 v35, v28;
	v32 =	vld [tilespmem:s8+$0x20];
	(erf) = vrcp.f32 v3  }
0x68: {  	v36 =	vld [tilespmem:s5+$0x1450];
	v3 =	vsel vm0, $0xBF800000, v26;
	v26 =	vor.u32 s10, v0;
	v35 =	vpop (erf);
	(erf) = vrcp.f32 v22  }
0x69: {  	[tilespmem:s8+$0x0] =	vst v3;
	vm0 =	vgt.f32 v3, v2;
	vm1 =	vgt.f32 v28, $5.000000000e-01;
	v22 =	vmul.f32 v35, v25;
	v25 =	vld [tilespmem:s8+$0x30]  }
0x6a: {  	v28 =	vld [tilespmem:s5+$0x1920];
	v2 =	vsel vm0, v3, v2;
	v1 =	vsel vm0, v24, v1;
	v3 =	vsel vm1, $0xBF800000, v33;
	v24 =	vpop (erf)  }
0x6b: {  	[tilespmem:s8+$0x10] =	vst v3;
	vm0 =	vgt.f32 v3, v2;
	vm1 =	vgt.f32 v22, $5.000000000e-01;
	v22 =	vmul.f32 v24, v27;
	v24 =	vld [tilespmem:s8+$0x40]  }
0x6c: {  	v33 =	vld [tilespmem:s5+$0x540];
	v2 =	vsel vm0, v3, v2;
	v1 =	vsel vm0, v26, v1;
	v3 =	vsel vm1, $0xBF800000, v32;
	v26 =	vpop (erf)  }
0x6d: {  	[tilespmem:s8+$0x20] =	vst v3;
	vm0 =	vgt.f32 v3, v2;
	vm1 =	vgt.f32 v22, $5.000000000e-01;
	v22 =	vmul.f32 v26, v30;
	v26 =	vld [tilespmem:s8+$0x50]  }
0x6e: {  	v30 =	vld [tilespmem:s5+$0xA40];
	v2 =	vsel vm0, v3, v2;
	v1 =	vsel vm0, v4, v1;
	v3 =	vsel vm1, $0xBF800000, v25;
	v4 =	vpop (erf)  }
0x6f: {  	[tilespmem:s8+$0x30] =	vst v3;
	vm0 =	vgt.f32 v3, v2;
	vm1 =	vgt.f32 v22, $5.000000000e-01;
	v4 =	vmul.f32 v4, v29;
	v22 =	vld [tilespmem:s8+$0x60]  }
0x70: {  	v25 =	vld [tilespmem:s5+$0xF40];
	v2 =	vsel vm0, v3, v2;
	v1 =	vsel vm0, v34, v1;
	v3 =	vsel vm1, $0xBF800000, v24;
	v24 =	vpop (erf)  }
0x71: {  	[tilespmem:s8+$0x40] =	vst v3;
	vm0 =	vgt.f32 v3, v2;
	vm1 =	vgt.f32 v4, $5.000000000e-01;
	v4 =	vmul.f32 v24, v23;
	v23 =	vld [tilespmem:s8+$0x70];
	v24 =	vpop (erf)  }
0x72: {  	v32 =	vld [tilespmem:s5+$0x1440];
	v2 =	vsel vm0, v3, v2;
	v1 =	vsel vm0, v5, v1;
	v3 =	vsel vm1, $0xBF800000, v26  }
0x73: {  	v38 =	vld [tilespmem:s5+$0x1910];
	[tilespmem:s8+$0x50] =	vst v3;
	vm0 =	vgt.f32 v3, v2;
	vm1 =	vgt.f32 v4, $5.000000000e-01;
	v4 =	vmul.f32 v24, v21  }
0x74: {  	s10 =	sadd.s32 $0x60, s9;
	v39 =	vld [tilespmem:s5+$0x530];
	v2 =	vsel vm0, v3, v2;
	v1 =	vsel vm0, v31, v1;
	v3 =	vsel vm1, $0xBF800000, v22  }
0x75: {  	v5 =	vor.u32 s10, v0;
	v31 =	vld [tilespmem:s5+$0xA30];
	[tilespmem:s8+$0x60] =	vst v3;
	vm0 =	vgt.f32 v3, v2;
	vm1 =	vgt.f32 v4, $5.000000000e-01  }
0x76: {  	s9 =	sadd.s32 $0x70, s9;
	v40 =	vld [tilespmem:s5+$0xF30];
	v2 =	vsel vm0, v3, v2;
	v1 =	vsel vm0, v5, v1;
	v3 =	vsel vm1, $0xBF800000, v23  }
0x77: {  	v4 =	vor.u32 s9, v0;
	v41 =	vld [tilespmem:s5+$0x1430];
	[tilespmem:s8+$0x70] =	vst v3;
	vm0 =	vgt.f32 v3, v2;
	s8 =	smov.u32 s5  }
0x78: {  	v9 =	vmax.f32 v9, $3.000000010e+38;
	v42 =	vld [tilespmem:s5+$0x1900];
	v2 =	vsel vm0, v3, v2;
	v1 =	vsel vm0, v4, v1  }
0x79: {  	v10 =	vmax.f32 v10, $3.000000010e+38;
	v4 =	vadd.f32 $1.000000000e+00, v8;
	v3 =	vadd.f32 $1.000000000e+00, v6;
	v43 =	vld [tilespmem:s5+$0x520]  }
0x7a: {  	v26 =	vmin.f32 v15, $-3.000000010e+38;
	v21 =	vmin.f32 v11, $-3.000000010e+38;
	v22 =	vmin.f32 v12, $-3.000000010e+38;
	v44 =	vld [tilespmem:s5+$0xA20]  }
0x7b: {  	v12 =	vmax.f32 v7, $3.000000010e+38;
	v5 =	vadd.f32 $1.000000000e+00, v13;
	v23 =	vmax.f32 v14, $3.000000010e+38;
	v45 =	vld [tilespmem:s5+$0xF20]  }
0x7c: {  	v24 =	vmin.f32 v16, $-3.000000010e+38;
	v16 =	vmax.f32 v18, $3.000000010e+38;
	v7 =	vadd.f32 $1.000000000e+00, v17;
	v27 =	vld [tilespmem:s5+$0x1420]  }
0x7d: {  	v6 =	vmax.f32 v19, $3.000000010e+38;
	v19 =	vmin.f32 v20, $-3.000000010e+38;
	v20 =	vmax.f32 v33, $3.000000010e+38;
	v34 =	vld [tilespmem:s5+$0x510]  }
.Ltmp0:
0x7e: {  	v13 =	vadd.f32 $1.000000000e+00, v28;
	v8 =	vmin.f32 v36, $-3.000000010e+38;
	v35 =	vld [tilespmem:s5+$0xA10];
	(pc) =	sbr.rel @p0 .LBB2_1-.Ltmp0, $4  }
0x7f: {  	v29 =	vmin.f32 v25, $-3.000000010e+38;
	v14 =	vmax.f32 v30, $3.000000010e+38;
	v18 =	vmin.f32 v32, $-3.000000010e+38;
	v36 =	vld [tilespmem:s5+$0x500]  }
0x80: {  	v11 =	vadd.f32 $1.000000000e+00, v38;
	v25 =	vmax.f32 v39, $3.000000010e+38;
	v17 =	vmax.f32 v31, $3.000000010e+38;
	v37 =	vld [tilespmem:s5+$0xA00]  }
0x81: {  	v31 =	vmin.f32 v40, $-3.000000010e+38;
	v28 =	vmin.f32 v41, $-3.000000010e+38;
	v15 =	vadd.f32 $1.000000000e+00, v42;
	v38 =	vld [tilespmem:s5+$0xF00]  }
0x82: {  	s7 =	sadd.s32 $0x80, s7;
	v32 =	vmax.f32 v43, $3.000000010e+38;
	v30 =	vmax.f32 v44, $3.000000010e+38;
	v33 =	vmin.f32 v45, $-3.000000010e+38;
	v39 =	vld [tilespmem:s5+$0x1400]  }
0x83: {  	v9 =	vsub.f32 v21, v9  }
0x84: {  	v40 =	vld [tilespmem:s5+$0xF10];
	v34 =	vmax.f32 v34, $3.000000010e+38;
	v48 =	vsub.f32 v26, v23;
	v12 =	vsub.f32 v24, v12  }
0x85: {  	v41 =	vld [tilespmem:s5+$0x1410];
	v35 =	vmax.f32 v35, $3.000000010e+38;
	v16 =	vsub.f32 v19, v16;
	v20 =	vsub.f32 v29, v20  }
0x86: {  	v27 =	vmin.f32 v27, $-3.000000010e+38;
	v54 =	vsub.f32 v33, v32;
	v25 =	vsub.f32 v31, v25  }
0x87: {  	v17 =	vsub.f32 v28, v17;
	v14 =	vsub.f32 v18, v14;
	v36 =	vmax.f32 v36, $3.000000010e+38  }
0x88: {  	v47 =	vmax.f32 v37, $3.000000010e+38;
	v49 =	vmin.f32 v38, $-3.000000010e+38;
	v50 =	vmin.f32 v39, $-3.000000010e+38  }
0x89: {  	v23 =	vsub.f32 v49, v36;
	v21 =	vsub.f32 v50, v47;
	v51 =	vmin.f32 v40, $-3.000000010e+38  }
0x8a: {  	v55 =	vsub.f32 v27, v30;
	v52 =	vmin.f32 v41, $-3.000000010e+38;
	v24 =	vsub.f32 v51, v34  }
0x8b: {  	v23 =	vmax.f32 v23, $0.0e+00;
	v53 =	vsub.f32 v52, v35;
	v21 =	vmax.f32 v21, $0.0e+00  }
0x8c: {  	v6 =	vsub.f32 v8, v6;
	v58 =	vmax.f32 v25, $0.0e+00;
	v21 =	vmul.f32 v21, v23  }
0x8d: {  	v56 =	vmax.f32 v55, $0.0e+00;
	v24 =	vmax.f32 v24, $0.0e+00;
	v19 =	vmax.f32 v53, $0.0e+00  }
0x8e: {  	v23 =	vmax.f32 v54, $0.0e+00;
	v19 =	vmul.f32 v19, v24;
	v15 =	vsub.f32 v15, v21  }
0x8f: {  	v17 =	vmax.f32 v17, $0.0e+00;
	v8 =	vmax.f32 v20, $0.0e+00;
	v57 =	vmul.f32 v56, v23  }
0x90: {  	v14 =	vmax.f32 v14, $0.0e+00;
	v11 =	vsub.f32 v11, v19;
	v15 =	vadd.f32 $9.999999710e-10, v15  }
0x91: {  	v6 =	vmax.f32 v6, $0.0e+00;
	v12 =	vmax.f32 v12, $0.0e+00;
	v13 =	vsub.f32 v13, v57  }
0x92: {  	v8 =	vmul.f32 v14, v8;
	v11 =	vadd.f32 $9.999999710e-10, v11;
	(erf) = vrcp.f32 v15  }
0x93: {  	v14 =	vmax.f32 v16, $0.0e+00;
	v13 =	vadd.f32 $9.999999710e-10, v13;
	v15 =	vmul.f32 v17, v58  }
0x94: {  	v6 =	vmul.f32 v6, v14;
	v5 =	vsub.f32 v5, v8;
	(erf) = vrcp.f32 v11  }
0x95: {  	v11 =	vld [tilespmem:s8+$0x1970];
	v7 =	vsub.f32 v7, v15;
	(erf) = vrcp.f32 v13;
	v13 =	vmax.f32 v48, $0.0e+00  }
0x96: {  	v10 =	vsub.f32 v22, v10;
	v4 =	vsub.f32 v4, v6;
	v12 =	vmul.f32 v12, v13  }
0x97: {  	v5 =	vadd.f32 $9.999999710e-10, v5;
	v7 =	vadd.f32 $9.999999710e-10, v7  }
0x98: {  	v4 =	vadd.f32 $9.999999710e-10, v4;
	v3 =	vsub.f32 v3, v12  }
0x99: {  	(erf) = vrcp.f32 v7;
	v7 =	vmax.f32 v9, $0.0e+00;
	v9 =	vmax.f32 v10, $0.0e+00  }
0x9a: {  	s25 =	sadd.s32 s6, s4;
	v7 =	vmul.f32 v9, v7;
	v9 =	vadd.f32 $1.000000000e+00, v11  }
0x9b: {  	s7 =	sadd.s32 $0x50, s25;
	v10 =	vld [tilespmem:s8+$0x0];
	v3 =	vadd.f32 $9.999999710e-10, v3;
	v11 =	vpop (erf);
	(erf) = vrcp.f32 v5  }
0x9c: {  	s26 =	sadd.s32 $0x20, s25;
	v59 =	vor.u32 s7, v0;
	v13 =	vld [tilespmem:s8+$0x10];
	v9 =	vsub.f32 v9, v7  }
0x9d: {  	v60 =	vor.u32 s26, v0;
	v5 =	vmul.f32 v11, v21;
	(erf) = vrcp.f32 v4;
	v4 =	vpop (erf)  }
0x9e: {  	s6 =	sadd.s32 $0x40, s25;
	v11 =	vor.u32 s25, v0;
	v4 =	vmul.f32 v4, v19;
	v9 =	vadd.f32 $9.999999710e-10, v9  }
0x9f: {  	v14 =	vld [tilespmem:s8+$0x20];
	(erf) = vrcp.f32 v3;
	v3 =	vpop (erf);
	vm0 =	vgt.f32 v5, $5.000000000e-01;
	v5 =	vor.u32 s6, v0  }
0xa0: {  	v3 =	vmul.f32 v3, v57;
	v10 =	vsel vm0, $0xBF800000, v10;
	vm0 =	vgt.f32 v4, $5.000000000e-01  }
0xa1: {  	s28 =	sadd.s32 $0x10, s25;
	v4 =	vld [tilespmem:s8+$0x30];
	(erf) = vrcp.f32 v9;
	vm1 =	vgt.f32 v10, v2;
	v9 =	vsel vm0, $0xBF800000, v13  }
0xa2: {  	[tilespmem:s8+$0x0] =	vst v10;
	vm0 =	vgt.f32 v3, $5.000000000e-01;
	v13 =	vpop (erf);
	v2 =	vsel vm1, v10, v2;
	v10 =	vor.u32 s28, v0  }
0xa3: {  	v1 =	vsel vm1, v11, v1;
	v3 =	vmul.f32 v13, v15;
	vm2 =	vgt.f32 v9, v2;
	v13 =	vld [tilespmem:s8+$0x40]  }
0xa4: {  	[tilespmem:s8+$0x10] =	vst v9;
	v14 =	vsel vm0, $0xBF800000, v14;
	v2 =	vsel vm2, v9, v2;
	v1 =	vsel vm2, v10, v1;
	v9 =	vpop (erf)  }
0xa5: {  	s29 =	sadd.s32 $0x30, s25;
	vm0 =	vgt.f32 v3, $5.000000000e-01;
	vm1 =	vgt.f32 v14, v2;
	v3 =	vmul.f32 v9, v8;
	v8 =	vld [tilespmem:s8+$0x50]  }
0xa6: {  	v4 =	vsel vm0, $0xBF800000, v4;
	v9 =	vor.u32 s29, v0;
	v2 =	vsel vm1, v14, v2;
	v10 =	vpop (erf)  }
0xa7: {  	vm0 =	vgt.f32 v4, v2;
	vm2 =	vgt.f32 v3, $5.000000000e-01;
	v3 =	vmul.f32 v10, v6  }
0xa8: {  	v1 =	vsel vm1, v60, v1;
	[tilespmem:s8+$0x30] =	vst v4;
	v6 =	vld [tilespmem:s8+$0x60];
	v2 =	vsel vm0, v4, v2;
	v4 =	vsel vm2, $0xBF800000, v13  }
0xa9: {  	v10 =	vpop (erf);
	v1 =	vsel vm0, v9, v1;
	vm1 =	vgt.f32 v4, v2;
	vm2 =	vgt.f32 v3, $5.000000000e-01  }
0xaa: {  	v3 =	vmul.f32 v10, v12;
	v2 =	vsel vm1, v4, v2;
	v12 =	vsel vm2, $0xBF800000, v8  }
0xab: {  	v9 =	vld [tilespmem:s8+$0x70];
	[tilespmem:s8+$0x40] =	vst v4;
	v1 =	vsel vm1, v5, v1;
	v5 =	vimm.s32 $0xDCFE98BA;
	v4 =	vpop (erf);
	vm0 =	vgt.f32 v12, v2  }
0xac: {  	vm1 =	vgt.f32 v3, $5.000000000e-01;
	v5 =	vunpack.c.l.s4.s8 v5;
	v3 =	vmul.f32 v4, v7  }
0xad: {  	s30 =	sadd.s32 $0x60, s25;
	v2 =	vsel vm0, v12, v2;
	v15 =	vsel vm1, $0xBF800000, v6;
	v1 =	vsel vm0, v59, v1  }
0xae: {  	v4 =	vor.u32 s30, v0;
	vm0 =	vgt.f32 v15, v2;
	vm1 =	vgt.f32 v3, $5.000000000e-01  }
0xaf: {  	v2 =	vsel vm0, v15, v2;
	v1 =	vsel vm0, v4, v1;
	v3 =	vimm.s32 $0xEFCDAB89  }
0xb0: {  	v4 =	vimm.s32 $0x67452301;
	v61 =	vsel vm1, $0xBF800000, v9;
	v3 =	vunpack.c.l.s4.s8 v3  }
0xb1: {  	v6 =	vimm.s32 $0xBA98FEDC;
	v4 =	vunpack.c.l.s4.s8 v4;
	vm0 =	vgt.f32 v61, v2  }
0xb2: {  	v7 =	vimm.s32 $0x32107654;
	v13 =	vsel vm0, v61, v2;
	v2 =	vunpack.c.0.s8.s32 v3  }
0xb3: {  	v3 =	vunpack.c.0.s8.s32 v4;
	v4 =	vunpack.c.0.s8.s32 v5;
	v5 =	vimm.s32 $0x54761032  }
0xb4: {  	v6 =	vunpack.c.l.s4.s8 v6;
	v7 =	vunpack.c.l.s4.s8 v7;
	v5 =	vunpack.c.l.s4.s8 v5;
	_ =	sdelay $0x1  }
0xb5: {  	v6 =	vunpack.c.0.s8.s32 v6;
	v7 =	vunpack.c.0.s8.s32 v7;
	v5 =	vunpack.c.0.s8.s32 v5  }
0xb6: {  	s5 =	sadd.s32 $0x70, s25;
	v2 =	vcombine.low v3, v2  }
0xb7: {  	v0 =	vor.u32 s5, v0;
	v3 =	vcombine.low v5, v4;
	v5 =	vcombine.low v7, v6  }
0xb8: {  	[tilespmem:s8+$0x20] =	vst v14;
	vm1 =	vmmov $0x3;
	v14 =	vsel vm0, v0, v1  }
0xb9: {  	v0 =	vand.u32 $0xF, v2;
	v2 =	vand.u32 $0xF, v5;
	v5 =	vimm.s32 $0x0  }
0xba: {  	vm3 =	vmmov $0xfff;
	vm4 =	vmmov $0x1fff;
	v5 =	vsel vm1, $0xFFFFFFFF, v5  }
0xbb: {  	vm5 =	vmmov $0x3fff;
	vm1 =	vmmov $0x7;
	[tilespmem:$0x1FF80] =	vst v5;
	v5 =	vimm.s32 $0x0  }
0xbc: {  	vm6 =	vmmov $0x7fff;
	v11 =	vimm.s32 $0x6;
	v5 =	vsel vm1, $0xFFFFFFFF, v5  }
0xbd: {  	v8 =	vimm.s32 $0xFEDCBA98;
	vm1 =	vmmov $0xf;
	[tilespmem:$0x1FF90] =	vst v5;
	v5 =	vimm.s32 $0x0  }
0xbe: {  	v8 =	vunpack.c.l.s4.s8 v8;
	v9 =	vimm.s32 $0x76543210;
	v5 =	vsel vm1, $0xFFFFFFFF, v5  }
0xbf: {  	v9 =	vunpack.c.l.s4.s8 v9;
	vm1 =	vmmov $0x1f;
	[tilespmem:$0x1FFA0] =	vst v5;
	v5 =	vimm.s32 $0x0  }
0xc0: {  	vm2 =	vmmov $0x7ff;
	v4 =	vunpack.c.0.s8.s32 v8;
	v5 =	vsel vm1, $0xFFFFFFFF, v5  }
0xc1: {  	v6 =	vunpack.c.0.s8.s32 v9;
	vm1 =	vmmov $0x3f;
	[tilespmem:$0x1FFB0] =	vst v5;
	v5 =	vimm.s32 $0x0  }
0xc2: {  	v1 =	vand.u32 $0xF, v3;
	v3 =	vand.u32 $0xF, v4;
	v5 =	vsel vm1, $0xFFFFFFFF, v5  }
0xc3: {  	v3 =	vcombine.low v3, v6;
	vm1 =	vmmov $0x7f;
	[tilespmem:$0x1FFC0] =	vst v5;
	v5 =	vimm.s32 $0x0  }
0xc4: {  	v6 =	vimm.s32 $0x0;
	v5 =	vsel vm1, $0xFFFFFFFF, v5;
	vm1 =	vmmov $0xff  }
0xc5: {  	vm0 =	vmmov $0x1;
	[tilespmem:$0x1FFD0] =	vst v5;
	v5 =	vimm.s32 $0xEDCBA987;
	v6 =	vsel vm1, $0xFFFFFFFF, v6  }
0xc6: {  	v7 =	vimm.s32 $0x2;
	[tilespmem:$0x1FFE0] =	vst v6;
	v6 =	vimm.s32 $0x65432100;
	v8 =	vunpack.c.l.s4.s8 v5  }
0xc7: {  	v9 =	vimm.s32 $0x4;
	v4 =	vimm.s32 $0x7;
	v10 =	vunpack.c.l.s4.s8 v6  }
0xc8: {  	[tilespmem:s8+$0x50] =	vst v12;
	vm1 =	vmmov $0x1ff;
	v5 =	vimm.s32 $0x0;
	v62 =	vunpack.c.0.s8.s32 v8  }
0xc9: {  	s31 =	sshll.u32 s1, $0x6;
	[tilespmem:s8+$0x60] =	vst v15;
	v5 =	vsel vm1, $0xFFFFFFFF, v5;
	v6 =	vimm.s32 $0x1;
	v63 =	vunpack.c.0.s8.s32 v10  }
0xca: {  	s9 =	simm.s32 $0x2880;
	s10 =	simm.s32 $0x0;
	s7 =	sshrl.u32 s31, $0x2;
	vm1 =	vmmov $0x3ff;
	[tilespmem:$0x1FFF0] =	vst v5;
	v5 =	vlaneseq.u32;
	v17 =	vand.u32 $0xF, v62  }
0xcb: {  	s6 =	simm.s32 $0x1;
	s5 =	simm.s32 $0x0;
	[tilespmem:s8+$0x70] =	vst v61;
	s8 =	simm.s32 $0x2800;
	v8 =	vimm.s32 $0x3;
	v10 =	vimm.s32 $0x5;
	v12 =	vcombine.low v63, v17  }
.LBB2_3:
0xcc: {  	v15 =	vperm.xlane v13, v0;
	_ =	sdelay $0x1  }
0xcd: {  	v15 =	vmax.f32 v13, v15  }
0xce: {  	v16 =	vperm.xlane v15, v1;
	_ =	sdelay $0x1  }
0xcf: {  	v15 =	vmax.f32 v15, v16  }
0xd0: {  	v16 =	vperm.xlane v15, v2;
	_ =	sdelay $0x1  }
0xd1: {  	v15 =	vmax.f32 v15, v16  }
0xd2: {  	v16 =	vperm.xlane v15, v3;
	_ =	sdelay $0x1  }
0xd3: {  	v15 =	vmax.f32 v15, v16  }
0xd4: {  	vm7 =	veq.f32 v13, v15  }
0xd5: {  	v13 =	vnsel vm7, $0x40000000, v14  }
0xd6: {  	v14 =	vperm.xlane v13, v0;
	_ =	sdelay $0x1  }
0xd7: {  	vm7 =	vlt.s32 v13, v14  }
0xd8: {  	v13 =	vsel vm7, v13, v14  }
0xd9: {  	v14 =	vperm.xlane v13, v1;
	_ =	sdelay $0x1  }
0xda: {  	vm7 =	vlt.s32 v13, v14  }
0xdb: {  	v13 =	vsel vm7, v13, v14  }
0xdc: {  	v14 =	vperm.xlane v13, v2;
	_ =	sdelay $0x1  }
0xdd: {  	vm7 =	vlt.s32 v13, v14  }
0xde: {  	v13 =	vsel vm7, v13, v14  }
0xdf: {  	v14 =	vperm.xlane v13, v3;
	_ =	sdelay $0x1  }
0xe0: {  	vm7 =	vlt.s32 v13, v14  }
0xe1: {  	v13 =	vsel vm7, v13, v14  }
0xe2: {  	(v2sf) =	vpush v13, $0x0;
	_ =	sdelay $0xe  }
0xe3: {  	s11 =	spop (v2sf)  }
0xe4: {  	s13 =	simm.s32 $0x1;
	s12 =	ssub.s32 s11, s4;
	p0 =	sne.s32 s11, s4  }
0xe5: {  	s14 =	sshra.s32 s12, $0x1F;
	s13 =	simm.s32 @!p0 $0x0  }
0xe6: {  	s11 =	sand.u32 $0xF, s11;
	s13 =	sor.u32 s13, s14  }
0xe7: {  	p1 =	sne.s32 s11, $0x0;
	p6 =	sne.s32 s13, $0x1  }
0xe8: {  	s26 =	sshrl.u32 s14, $0x1C;
	p0 =	por !p1, !p6  }
0xe9: {  	s11 =	sadd.s32 s26, s12;
	s13 =	simm.s32 $0x1;
	p0 =	por !p0, !p0  }
0xea: {  	s11 =	sshrl.u32 s11, $0x4;
	s13 =	simm.s32 @!p0 $0x0  }
0xeb: {  	s11 =	ssub.s32 s11, s13  }
0xec: {  	s11 =	sshll.u32 s11, $0x4  }
0xed: {  	s12 =	ssub.s32 s12, s11;
	v14 =	vld [tilespmem:s11+$0x0]  }
0xee: {  	v16 =	vld [tilespmem:s11+$0x500];
	v15 =	vmov s12  }
0xef: {  	v17 =	vld [tilespmem:s11+$0xA00];
	v15 =	vand.u32 $0xF, v15  }
0xf0: {  	v18 =	vld [tilespmem:s11+$0xF00];
	v15 =	vbroadcast v15, $0x0  }
0xf1: {  	v19 =	vld [tilespmem:s11+$0x1400]  }
0xf2: {  	v20 =	vld [tilespmem:s11+$0x1900];
	v14 =	vperm.xlane v14, v15  }
0xf3: {  	v21 =	vld [tilespmem:s11+$0x1E00];
	v16 =	vperm.xlane v16, v15  }
0xf4: {  	vm7 =	vcmask $0x320;
	v17 =	vperm.xlane v17, v15;
	v14 =	vnsel vm0, $0xBF800000, v14  }
0xf5: {  	v14 =	vsel vm7, v14, v16;
	v16 =	vperm.xlane v18, v15;
	vm7 =	vcmask $0x720  }
0xf6: {  	v14 =	vsel vm7, v14, v17;
	v17 =	vperm.xlane v19, v15;
	vm7 =	vcmask $0xB20  }
0xf7: {  	v14 =	vsel vm7, v14, v16;
	v16 =	vperm.xlane v20, v15;
	vm7 =	vcmask $0xF20  }
0xf8: {  	v15 =	vperm.xlane v21, v15;
	v14 =	vsel vm7, v14, v17;
	vm7 =	vcmask $0x1320  }
0xf9: {  	s28 =	sshll.u32 s10, $0x8;
	v13 =	vcvt.s32.f32 v13;
	v14 =	vsel vm7, v14, v16;
	vm7 =	vcmask $0x1720  }
0xfa: {  	s11 =	sand.u32 $0x100, s28;
	v14 =	vsel vm7, v14, v15;
	vm7 =	vcmask $0x1B20  }
0xfb: {  	s11 =	sadd.s32 s11, s2;
	v13 =	vsel vm7, v14, v13  }
0xfc: {  	s29 =	sadd.s32 s7, s11;
	[tilespmem:$0x2800] =	vst v13  }
0xfd: {  	[spmem:s29] =	stream.linear.scatter [tilespmem:s8], [sflag:$0x1], $0x10, $0x38;
	[tilespmem:$0x3020] =	vst v63  }
0xfe: {  	_ =	swait.ge [sflag:s6], $0x10  }
0xff: {  	[sflag:s6] =	ssyncset.done $0x0  }
0x100: {  	[sflag:s6] =	ssyncadd.s32 $0xFFFFFFF0  }
0x101: {  	[bflag:$0x0] =	sbarrier.arrive $0xFFFF  }
0x102: {  	[tilespmem:s9], [sflag:$0x1] =	stream.linear.gather [spmem:s11], $0x100, $0x38;
	[tilespmem:$0x3020] =	vst v63  }
0x103: {  	_ =	swait.ge [sflag:s6], $0x100  }
0x104: {  	v26 =	vld [tilespmem:$0x1FF80]  }
0x105: {  	v27 =	vld [tilespmem:$0x1FF90]  }
0x106: {  	v28 =	vld [tilespmem:$0x1FFA0]  }
0x107: {  	v29 =	vld [tilespmem:$0x1FFB0]  }
0x108: {  	v30 =	vld [tilespmem:$0x1FFC0]  }
0x109: {  	v31 =	vld [tilespmem:$0x1FFD0]  }
0x10a: {  	[sflag:s6] =	ssyncset.done $0x0;
	v32 =	vld [tilespmem:$0x1FFE0]  }
0x10b: {  	v33 =	vld [tilespmem:$0x1FFF0];
	[sflag:s6] =	ssyncadd.s32 $0xFFFFFF00  }
0x10c: {  	v14 =	vld [tilespmem:$0x2880]  }
0x10d: {  	v15 =	vld [tilespmem:$0x2890]  }
0x10e: {  	v16 =	vld [tilespmem:$0x28A0]  }
0x10f: {  	v17 =	vld [tilespmem:$0x28B0]  }
0x110: {  	v18 =	vld [tilespmem:$0x28C0]  }
0x111: {  	v13 =	vimm.s32 $0x0;
	v19 =	vld [tilespmem:$0x28D0]  }
0x112: {  	v22 =	vld [tilespmem:$0x28E0];
	v20 =	vperm.xlane v14, v13;
	v21 =	vperm.xlane v15, v13  }
0x113: {  	v24 =	vld [tilespmem:$0x28F0];
	v23 =	vperm.xlane v16, v13  }
0x114: {  	v25 =	vld [tilespmem:$0x2900];
	vm7 =	vnez.u8 v26;
	v20 =	vsel vm0, v20, v21;
	v21 =	vperm.xlane v17, v13  }
0x115: {  	v26 =	vld [tilespmem:$0x2910];
	vm8 =	vnez.u8 v27;
	v20 =	vsel vm7, v20, v23;
	v23 =	vperm.xlane v18, v13  }
0x116: {  	v27 =	vld [tilespmem:$0x2920];
	vm9 =	vnez.u8 v28;
	v20 =	vsel vm8, v20, v21;
	v21 =	vperm.xlane v19, v13  }
0x117: {  	v28 =	vld [tilespmem:$0x2930];
	vm10 =	vnez.u8 v29;
	v20 =	vsel vm9, v20, v23;
	v23 =	vperm.xlane v22, v13  }
0x118: {  	v29 =	vld [tilespmem:$0x2940];
	vm11 =	vnez.u8 v30;
	v20 =	vsel vm10, v20, v21;
	v21 =	vperm.xlane v24, v13  }
0x119: {  	v30 =	vld [tilespmem:$0x2950];
	vm12 =	vnez.u8 v31;
	v20 =	vsel vm11, v20, v23;
	v23 =	vperm.xlane v25, v13  }
0x11a: {  	v31 =	vld [tilespmem:$0x2960];
	vm13 =	vnez.u8 v32;
	v20 =	vsel vm12, v20, v21;
	v21 =	vperm.xlane v26, v13  }
0x11b: {  	v59 =	vld [tilespmem:$0x2970];
	vm14 =	vnez.u8 v33;
	v20 =	vsel vm13, v20, v23;
	v23 =	vperm.xlane v27, v13  }
0x11c: {  	v20 =	vsel vm14, v20, v21;
	v21 =	vperm.xlane v28, v13  }
0x11d: {  	v20 =	vsel vm1, v20, v23;
	v23 =	vperm.xlane v29, v13  }
0x11e: {  	v14 =	vperm.xlane v14, v4;
	v20 =	vsel vm2, v20, v21;
	v21 =	vperm.xlane v30, v13  }
0x11f: {  	v15 =	vperm.xlane v15, v4;
	v20 =	vsel vm3, v20, v23;
	v23 =	vperm.xlane v31, v13  }
0x120: {  	v16 =	vperm.xlane v16, v4;
	v20 =	vsel vm4, v20, v21;
	v21 =	vperm.xlane v59, v13  }
0x121: {  	v14 =	vsel vm0, v14, v15;
	v15 =	vperm.xlane v17, v4;
	v17 =	vsel vm5, v20, v23  }
0x122: {  	v14 =	vsel vm7, v14, v16;
	v16 =	vperm.xlane v18, v4;
	v17 =	vsel vm6, v17, v21  }
0x123: {  	v14 =	vsel vm8, v14, v15;
	v15 =	vperm.xlane v19, v4;
	v18 =	vperm.xlane v17, v0  }
0x124: {  	v14 =	vsel vm9, v14, v16;
	v16 =	vperm.xlane v22, v4  }
0x125: {  	v14 =	vsel vm10, v14, v15;
	v15 =	vperm.xlane v24, v4;
	v18 =	vmax.f32 v17, v18  }
0x126: {  	v14 =	vsel vm11, v14, v16;
	v16 =	vperm.xlane v25, v4;
	v19 =	vperm.xlane v18, v1  }
0x127: {  	v14 =	vsel vm12, v14, v15;
	v15 =	vperm.xlane v26, v4  }
0x128: {  	v14 =	vsel vm13, v14, v16;
	v16 =	vperm.xlane v27, v4;
	v18 =	vmax.f32 v18, v19  }
0x129: {  	v14 =	vsel vm14, v14, v15;
	v15 =	vperm.xlane v28, v4;
	v19 =	vperm.xlane v18, v2  }
0x12a: {  	v14 =	vsel vm1, v14, v16;
	v16 =	vperm.xlane v29, v4  }
0x12b: {  	v14 =	vsel vm2, v14, v15;
	v15 =	vperm.xlane v30, v4;
	v18 =	vmax.f32 v18, v19  }
0x12c: {  	v14 =	vsel vm3, v14, v16;
	v16 =	vperm.xlane v31, v4;
	v19 =	vperm.xlane v18, v3  }
0x12d: {  	v14 =	vsel vm4, v14, v15;
	v15 =	vperm.xlane v59, v4  }
0x12e: {  	v14 =	vsel vm5, v14, v16;
	v16 =	vmax.f32 v18, v19  }
0x12f: {  	v14 =	vsel vm6, v14, v15;
	vm7 =	veq.f32 v17, v16  }
0x130: {  	v15 =	vnsel vm7, $0x4F32D05E, v14  }
0x131: {  	v16 =	vperm.xlane v15, v0;
	_ =	sdelay $0x1  }
0x132: {  	v15 =	vmin.f32 v15, v16  }
0x133: {  	v16 =	vperm.xlane v15, v1;
	_ =	sdelay $0x1  }
0x134: {  	v15 =	vmin.f32 v15, v16  }
0x135: {  	v16 =	vperm.xlane v15, v2;
	_ =	sdelay $0x1  }
0x136: {  	v15 =	vmin.f32 v15, v16  }
0x137: {  	v16 =	vperm.xlane v15, v3;
	_ =	sdelay $0x1  }
0x138: {  	v15 =	vmin.f32 v15, v16  }
0x139: {  	vm7 =	veq.f32 v14, v15  }
0x13a: {  	v14 =	vnsel vm7, $0x63, v5  }
0x13b: {  	v16 =	vperm.xlane v14, v0;
	_ =	sdelay $0x1  }
0x13c: {  	vm7 =	vlt.s32 v14, v16  }
0x13d: {  	v14 =	vsel vm7, v14, v16  }
0x13e: {  	v16 =	vperm.xlane v14, v1;
	_ =	sdelay $0x1  }
0x13f: {  	vm7 =	vlt.s32 v14, v16  }
0x140: {  	v14 =	vsel vm7, v14, v16  }
0x141: {  	v16 =	vperm.xlane v14, v2;
	_ =	sdelay $0x1  }
0x142: {  	vm7 =	vlt.s32 v14, v16  }
0x143: {  	v14 =	vsel vm7, v14, v16  }
0x144: {  	v16 =	vperm.xlane v14, v3;
	_ =	sdelay $0x1  }
0x145: {  	vm7 =	vlt.s32 v14, v16  }
0x146: {  	v14 =	vsel vm7, v14, v16  }
0x147: {  	(v2sf) =	vpush v14, $0x0;
	_ =	sdelay $0xe  }
0x148: {  	s30 =	spop (v2sf)  }
0x149: {  	s11 =	sshll.u32 s30, $0x6  }
0x14a: {  	s11 =	sshra.s32 s11, $0x2  }
0x14b: {  	v20 =	vld [tilespmem:s11+$0x2880];
	_ =	sdelay $0x4  }
0x14c: {  	v14 =	vperm.xlane v20, v11;
	_ =	sdelay $0x1  }
0x14d: {  	v16 =	vperm.xlane v20, v12;
	v17 =	vmul.f32 $-1.024000000e+03, v14  }
0x14e: {  	v18 =	vperm.xlane v20, v13  }
0x14f: {  	v16 =	vadd.f32 v17, v16  }
0x150: {  	vm7 =	vcmask $0x1708;
	v17 =	vmul.f32 $1.000000020e+30, v18  }
0x151: {  	v16 =	vnsel vm7, $0xBF800000, v16;
	vm7 =	vcmask $0x3F08  }
0x152: {  	v17 =	vmax.f32 v17, $0.0e+00;
	v16 =	vsel vm7, v16, v18  }
0x153: {  	v14 =	vsel vm0, v14, v16;
	v16 =	vmin.f32 v17, $1.000000000e+00  }
0x154: {  	v14 =	vmul.f32 v14, v16;
	v16 =	vsub.f32 $1.000000000e+00, v16;
	_ =	sdelay $0x1  }
0x155: {  	s31 =	sshll.u32 s10, $0x4;
	v14 =	vsub.f32 v14, v16  }
0x156: {  	s11 =	sand.u32 $0x3FFFFFF0, s31  }
0x157: {  	[tilespmem:s11+$0x2980] =	vst v14  }
0x158: {  	v22 =	vld [tilespmem:s5+$0x1970]  }
0x159: {  	v21 =	vld [tilespmem:s5+$0x1960]  }
0x15a: {  	v23 =	vld [tilespmem:s5+$0x1950]  }
0x15b: {  	v25 =	vld [tilespmem:s5+$0x570]  }
0x15c: {  	v26 =	vld [tilespmem:s5+$0xA70]  }
0x15d: {  	v27 =	vld [tilespmem:s5+$0xF70]  }
0x15e: {  	v28 =	vld [tilespmem:s5+$0x1470]  }
0x15f: {  	v29 =	vld [tilespmem:s5+$0x1940]  }
0x160: {  	v30 =	vld [tilespmem:s5+$0x560]  }
0x161: {  	v31 =	vld [tilespmem:s5+$0xA60]  }
0x162: {  	v60 =	vld [tilespmem:s5+$0xF60]  }
0x163: {  	v61 =	vld [tilespmem:s5+$0x1460]  }
0x164: {  	v34 =	vld [tilespmem:s5+$0x1930]  }
0x165: {  	v35 =	vld [tilespmem:s5+$0x550]  }
0x166: {  	v36 =	vld [tilespmem:s5+$0xA50]  }
0x167: {  	v37 =	vld [tilespmem:s5+$0xF50]  }
0x168: {  	v38 =	vld [tilespmem:s5+$0x1450]  }
0x169: {  	v39 =	vld [tilespmem:s5+$0x1920]  }
0x16a: {  	v40 =	vld [tilespmem:s5+$0x540]  }
0x16b: {  	v41 =	vld [tilespmem:s5+$0xA40]  }
0x16c: {  	v42 =	vld [tilespmem:s5+$0xF40]  }
0x16d: {  	v43 =	vld [tilespmem:s5+$0x1440]  }
0x16e: {  	v44 =	vld [tilespmem:s5+$0x1910]  }
0x16f: {  	v19 =	vperm.xlane v20, v8;
	v45 =	vld [tilespmem:s5+$0x530]  }
0x170: {  	v18 =	vperm.xlane v20, v7;
	v16 =	vperm.xlane v20, v10;
	v46 =	vld [tilespmem:s5+$0xA30]  }
0x171: {  	v17 =	vperm.xlane v20, v6;
	v20 =	vperm.xlane v20, v9;
	v47 =	vld [tilespmem:s5+$0xF30]  }
0x172: {  	v14 =	vtrunc.f32 v15;
	v15 =	vimm.f32 $-2.000000000e+00;
	v48 =	vld [tilespmem:s5+$0x1430];
	v21 =	vadd.f32 v21, v16  }
0x173: {  	v14 =	vcvt.f32.s32 v14;
	v49 =	vld [tilespmem:s5+$0x1900];
	v24 =	vadd.f32 v22, v16;
	v22 =	vadd.f32 v23, v16  }
0x174: {  	v53 =	vld [tilespmem:s5+$0x520];
	v50 =	vmax.f32 v17, v25;
	v51 =	vmax.f32 v18, v26;
	v52 =	vmin.f32 v19, v27  }
0x175: {  	v56 =	vld [tilespmem:s5+$0x1420];
	v28 =	vmin.f32 v20, v28;
	v23 =	vadd.f32 v29, v16;
	v54 =	vmax.f32 v17, v30  }
0x176: {  	v62 =	vld [tilespmem:s5+$0x510];
	v55 =	vmax.f32 v18, v31;
	v32 =	vmin.f32 v19, v60;
	v33 =	vmin.f32 v20, v61  }
0x177: {  	v58 =	vld [tilespmem:s5+$0x500];
	v25 =	vadd.f32 v34, v16;
	v34 =	vmax.f32 v17, v35;
	v57 =	vmax.f32 v18, v36  }
0x178: {  	v59 =	vld [tilespmem:s5+$0xA00];
	v26 =	vadd.f32 v39, v16;
	v36 =	vmin.f32 v19, v37;
	v37 =	vmin.f32 v20, v38  }
0x179: {  	v29 =	vld [tilespmem:s5+$0xA20];
	v39 =	vmax.f32 v17, v40;
	v40 =	vmax.f32 v18, v41;
	v41 =	vmin.f32 v19, v42  }
0x17a: {  	v31 =	vld [tilespmem:s5+$0xF20];
	v27 =	vadd.f32 v44, v16;
	v45 =	vmax.f32 v17, v45;
	v44 =	vmin.f32 v20, v43  }
0x17b: {  	v38 =	vld [tilespmem:s5+$0xA10];
	v46 =	vmax.f32 v18, v46;
	v47 =	vmin.f32 v19, v47;
	v48 =	vmin.f32 v20, v48  }
0x17c: {  	v42 =	vld [tilespmem:s5+$0xF10];
	v30 =	vadd.f32 v49, v16;
	v49 =	vmax.f32 v17, v53;
	v35 =	vsub.f32 v32, v54  }
0x17d: {  	v43 =	vld [tilespmem:s5+$0x1410];
	v60 =	vmax.f32 v17, v62;
	v32 =	vsub.f32 v33, v55;
	v36 =	vsub.f32 v36, v34  }
0x17e: {  	v56 =	vmin.f32 v20, v56;
	v62 =	vld [tilespmem:s5+$0xF00];
	v37 =	vsub.f32 v37, v57;
	v33 =	vsub.f32 v41, v39  }
0x17f: {  	v34 =	vsub.f32 v44, v40;
	v61 =	vmin.f32 v19, v31;
	v31 =	vsub.f32 v52, v50;
	v50 =	vld [tilespmem:s5+$0x1400]  }
0x180: {  	v44 =	vmax.f32 v18, v59;
	v39 =	vsub.f32 v47, v45;
	v53 =	vmax.f32 v18, v29  }
0x181: {  	v38 =	vmax.f32 v18, v38;
	v29 =	vsub.f32 v28, v51;
	v42 =	vmin.f32 v19, v42  }
0x182: {  	v63 =	vmin.f32 v20, v43;
	v43 =	vmax.f32 v17, v58;
	v28 =	vsub.f32 v48, v46  }
0x183: {  	s14 =	simm.s32 $0x0;
	v45 =	vmin.f32 v19, v62;
	v40 =	vsub.f32 v61, v49;
	v41 =	vsub.f32 v56, v53  }
0x184: {  	s13 =	simm.s32 $0x80;
	s12 =	simm.s32 $0x0;
	s11 =	simm.s32 $0x0;
	v42 =	vsub.f32 v42, v60;
	v38 =	vsub.f32 v63, v38;
	v46 =	vmin.f32 v20, v50  }
.LBB2_4:
0x185: {  	p0 =	sne.s32 s13, $0x480;
	v43 =	vsub.f32 v45, v43;
	v44 =	vsub.f32 v46, v44  }
0x186: {  	v35 =	vmax.f32 v35, $0.0e+00;
	v31 =	vmax.f32 v31, $0.0e+00;
	v29 =	vmax.f32 v29, $0.0e+00  }
0x187: {  	v36 =	vmax.f32 v36, $0.0e+00;
	v37 =	vmax.f32 v37, $0.0e+00;
	v32 =	vmax.f32 v32, $0.0e+00  }
0x188: {  	v39 =	vmax.f32 v39, $0.0e+00;
	v33 =	vmax.f32 v33, $0.0e+00;
	v34 =	vmax.f32 v34, $0.0e+00  }
0x189: {  	v40 =	vmax.f32 v40, $0.0e+00;
	v41 =	vmax.f32 v41, $0.0e+00;
	v28 =	vmax.f32 v28, $0.0e+00  }
0x18a: {  	s14 =	sadd.s32 $0x80, s14;
	v42 =	vmax.f32 v42, $0.0e+00;
	v38 =	vmax.f32 v38, $0.0e+00;
	v45 =	vmul.f32 v29, v31  }
0x18b: {  	v31 =	vmax.f32 v43, $0.0e+00;
	v43 =	vmax.f32 v44, $0.0e+00;
	v44 =	vmul.f32 v32, v35;
	v29 =	vld [tilespmem:s14+$0x1970]  }
0x18c: {  	v47 =	vmul.f32 v34, v33;
	v48 =	vmul.f32 v37, v36;
	v24 =	vsub.f32 v24, v45;
	v46 =	vld [tilespmem:s14+$0x1960]  }
0x18d: {  	v49 =	vmul.f32 v28, v39;
	v43 =	vmul.f32 v43, v31;
	v21 =	vsub.f32 v21, v44;
	v33 =	vld [tilespmem:s14+$0x1950]  }
0x18e: {  	v41 =	vmul.f32 v41, v40;
	v22 =	vsub.f32 v22, v48;
	v24 =	vadd.f32 $9.999999710e-10, v24;
	v28 =	vld [tilespmem:s14+$0x570]  }
0x18f: {  	v42 =	vmul.f32 v38, v42;
	v30 =	vsub.f32 v30, v43;
	v21 =	vadd.f32 $9.999999710e-10, v21;
	v34 =	vld [tilespmem:s14+$0xA70]  }
0x190: {  	v23 =	vsub.f32 v23, v47;
	v22 =	vadd.f32 $9.999999710e-10, v22;
	v50 =	vld [tilespmem:s14+$0xF70];
	(erf) = vrcp.f32 v24  }
0x191: {  	v24 =	vadd.f32 $9.999999710e-10, v30;
	v30 =	vsub.f32 v27, v42;
	v51 =	vld [tilespmem:s14+$0x1470];
	(erf) = vrcp.f32 v21  }
0x192: {  	v23 =	vadd.f32 $9.999999710e-10, v23;
	v21 =	vsub.f32 v26, v41;
	v52 =	vld [tilespmem:s14+$0x1940];
	(erf) = vrcp.f32 v22  }
0x193: {  	s15 =	sadd.s32 s12, s4;
	s12 =	smov.u32 s13;
	v26 =	vsub.f32 v25, v49;
	v22 =	vadd.f32 $9.999999710e-10, v30;
	v27 =	vld [tilespmem:s14+$0x560];
	(erf) = vrcp.f32 v24  }
0x194: {  	v53 =	vor.u32 s15, v5;
	s16 =	sadd.s32 $0x70, s15;
	v21 =	vadd.f32 $9.999999710e-10, v21;
	v25 =	vld [tilespmem:s14+$0xA60];
	(erf) = vrcp.f32 v23  }
0x195: {  	s17 =	sadd.s32 $0x50, s15;
	s18 =	sadd.s32 $0x60, s15;
	v23 =	vadd.f32 $9.999999710e-10, v26;
	v26 =	vor.u32 s16, v5;
	v30 =	vld [tilespmem:s14+$0xF60];
	(erf) = vrcp.f32 v22  }
0x196: {  	s19 =	sadd.s32 $0x40, s15;
	v40 =	vor.u32 s17, v5;
	v38 =	vor.u32 s18, v5;
	s16 =	sadd.s32 $0x30, s15;
	v31 =	vld [tilespmem:s14+$0x1460];
	(erf) = vrcp.f32 v21  }
0x197: {  	s17 =	sadd.s32 $0x10, s15;
	v55 =	vor.u32 s19, v5;
	s15 =	sadd.s32 $0x20, s15;
	v54 =	vor.u32 s16, v5;
	v32 =	vld [tilespmem:s14+$0x1930];
	(erf) = vrcp.f32 v23  }
0x198: {  	vm13 =	veq.s32 v53, v14;
	v56 =	vor.u32 s17, v5;
	v57 =	vor.u32 s15, v5;
	v35 =	vld [tilespmem:s14+$0x550]  }
0x199: {  	vm9 =	veq.s32 v40, v14;
	vm8 =	veq.s32 v38, v14;
	vm7 =	veq.s32 v26, v14;
	v36 =	vld [tilespmem:s14+$0xA50];
	v58 =	vpop (erf)  }
0x19a: {  	vm10 =	veq.s32 v55, v14;
	vm12 =	veq.s32 v57, v14;
	vm11 =	veq.s32 v54, v14;
	v37 =	vld [tilespmem:s14+$0xF50];
	v59 =	vpop (erf)  }
0x19b: {  	vm14 =	veq.s32 v56, v14;
	v24 =	vadd.f32 v29, v16;
	v21 =	vadd.f32 v46, v16;
	v39 =	vld [tilespmem:s14+$0x1450];
	v46 =	vpop (erf)  }
0x19c: {  	v28 =	vmax.f32 v17, v28;
	v29 =	vmax.f32 v18, v34;
	v22 =	vadd.f32 v33, v16;
	v60 =	vld [tilespmem:s11+$0x0];
	v23 =	vpop (erf)  }
0x19d: {  	v33 =	vmin.f32 v19, v50;
	v34 =	vmin.f32 v20, v51;
	v61 =	vld [tilespmem:s14+$0x1920];
	v43 =	vmul.f32 v23, v43;
	v50 =	vpop (erf)  }
0x19e: {  	v45 =	vmul.f32 v58, v45;
	v44 =	vmul.f32 v59, v44;
	v23 =	vadd.f32 v52, v16;
	v51 =	vld [tilespmem:s11+$0x10];
	v52 =	vpop (erf)  }
0x19f: {  	v58 =	vld [tilespmem:s14+$0x540];
	vm15 =	vgt.f32 v43, $5.000000000e-01;
	v42 =	vmul.f32 v52, v42;
	v43 =	vmul.f32 v46, v48;
	v46 =	vpop (erf)  }
0x1a0: {  	vm13 =	vmor vm13, vm15;
	v48 =	vld [tilespmem:s11+$0x20];
	v41 =	vmul.f32 v46, v41;
	v46 =	vmul.f32 v50, v47;
	v47 =	vpop (erf)  }
0x1a1: {  	v50 =	vld [tilespmem:s14+$0xA40];
	v52 =	vsel vm13, $0xBF800000, v60;
	vm13 =	vgt.f32 v42, $5.000000000e-01;
	v42 =	vmul.f32 v47, v49  }
0x1a2: {  	[tilespmem:s11+$0x0] =	vst v52;
	vm15 =	vgt.f32 v52, v15;
	vm13 =	vmor vm14, vm13;
	vm14 =	vgt.f32 v41, $5.000000000e-01;
	v41 =	vld [tilespmem:s11+$0x30]  }
0x1a3: {  	v47 =	vld [tilespmem:s14+$0xF40];
	v15 =	vsel vm15, v52, v15;
	v13 =	vsel vm15, v53, v13;
	v49 =	vsel vm13, $0xBF800000, v51  }
0x1a4: {  	vm12 =	vmor vm12, vm14;
	vm14 =	vgt.f32 v42, $5.000000000e-01;
	[tilespmem:s11+$0x10] =	vst v49;
	vm13 =	vgt.f32 v49, v15;
	v42 =	vld [tilespmem:s11+$0x40]  }
0x1a5: {  	v51 =	vld [tilespmem:s14+$0x1440];
	v15 =	vsel vm13, v49, v15;
	v13 =	vsel vm13, v56, v13;
	v48 =	vsel vm12, $0xBF800000, v48  }
0x1a6: {  	vm11 =	vmor vm11, vm14;
	vm13 =	vgt.f32 v46, $5.000000000e-01;
	[tilespmem:s11+$0x20] =	vst v48;
	vm12 =	vgt.f32 v48, v15;
	v46 =	vld [tilespmem:s11+$0x50]  }
0x1a7: {  	v49 =	vld [tilespmem:s14+$0x1910];
	v15 =	vsel vm12, v48, v15;
	v13 =	vsel vm12, v57, v13;
	v41 =	vsel vm11, $0xBF800000, v41  }
0x1a8: {  	vm10 =	vmor vm10, vm13;
	vm12 =	vgt.f32 v43, $5.000000000e-01;
	[tilespmem:s11+$0x30] =	vst v41;
	vm11 =	vgt.f32 v41, v15;
	v43 =	vld [tilespmem:s11+$0x60]  }
0x1a9: {  	v48 =	vld [tilespmem:s14+$0x530];
	v15 =	vsel vm11, v41, v15;
	v13 =	vsel vm11, v54, v13;
	v41 =	vsel vm10, $0xBF800000, v42  }
0x1aa: {  	vm9 =	vmor vm9, vm12;
	vm11 =	vgt.f32 v44, $5.000000000e-01;
	[tilespmem:s11+$0x40] =	vst v41;
	vm10 =	vgt.f32 v41, v15;
	v42 =	vld [tilespmem:s11+$0x70]  }
0x1ab: {  	v44 =	vld [tilespmem:s14+$0xA30];
	v15 =	vsel vm10, v41, v15;
	v13 =	vsel vm10, v55, v13;
	v41 =	vsel vm9, $0xBF800000, v46  }
0x1ac: {  	vm8 =	vmor vm8, vm11;
	vm10 =	vgt.f32 v45, $5.000000000e-01;
	v46 =	vld [tilespmem:s14+$0xF30];
	[tilespmem:s11+$0x50] =	vst v41;
	vm9 =	vgt.f32 v41, v15  }
0x1ad: {  	v45 =	vld [tilespmem:s14+$0x1430];
	v15 =	vsel vm9, v41, v15;
	v13 =	vsel vm9, v40, v13;
	v40 =	vsel vm8, $0xBF800000, v43  }
0x1ae: {  	vm7 =	vmor vm7, vm10;
	v43 =	vmax.f32 v17, v27;
	v41 =	vld [tilespmem:s14+$0x1900];
	[tilespmem:s11+$0x60] =	vst v40;
	vm8 =	vgt.f32 v40, v15  }
0x1af: {  	v52 =	vld [tilespmem:s14+$0x520];
	v15 =	vsel vm8, v40, v15;
	v13 =	vsel vm8, v38, v13;
	v27 =	vsel vm7, $0xBF800000, v42  }
0x1b0: {  	v40 =	vmax.f32 v18, v25;
	v42 =	vmin.f32 v19, v30;
	v38 =	vld [tilespmem:s14+$0xA20];
	[tilespmem:s11+$0x70] =	vst v27;
	vm7 =	vgt.f32 v27, v15;
	s11 =	smov.u32 s14  }
0x1b1: {  	v54 =	vmin.f32 v20, v31;
	v53 =	vld [tilespmem:s14+$0xF20];
	v15 =	vsel vm7, v27, v15;
	v13 =	vsel vm7, v26, v13  }
0x1b2: {  	v56 =	vmax.f32 v18, v36;
	v55 =	vmax.f32 v17, v35;
	v25 =	vadd.f32 v32, v16;
	v31 =	vld [tilespmem:s14+$0x1420]  }
0x1b3: {  	v36 =	vmin.f32 v19, v37;
	v37 =	vmin.f32 v20, v39;
	v26 =	vadd.f32 v61, v16;
	v32 =	vld [tilespmem:s14+$0x510]  }
0x1b4: {  	v39 =	vmax.f32 v17, v58;
	v50 =	vmax.f32 v18, v50;
	v47 =	vmin.f32 v19, v47;
	v35 =	vld [tilespmem:s14+$0xA10]  }
0x1b5: {  	v48 =	vmax.f32 v17, v48;
	v27 =	vadd.f32 v49, v16;
	v49 =	vmin.f32 v20, v51;
	v57 =	vld [tilespmem:s14+$0xF10]  }
0x1b6: {  	v58 =	vmax.f32 v18, v44;
	v46 =	vmin.f32 v19, v46;
	v45 =	vmin.f32 v20, v45;
	v51 =	vld [tilespmem:s14+$0x1410]  }
0x1b7: {  	v30 =	vadd.f32 v41, v16;
	v41 =	vmax.f32 v17, v52;
	v38 =	vmax.f32 v18, v38;
	v44 =	vld [tilespmem:s14+$0x500]  }
0x1b8: {  	v53 =	vmin.f32 v19, v53;
	v60 =	vmin.f32 v20, v31;
	v52 =	vld [tilespmem:s14+$0xA00];
	v59 =	vmax.f32 v17, v32  }
0x1b9: {  	v29 =	vsub.f32 v34, v29;
	v31 =	vsub.f32 v33, v28;
	v61 =	vld [tilespmem:s14+$0xF00];
	v62 =	vmax.f32 v18, v35  }
0x1ba: {  	v32 =	vsub.f32 v54, v40;
	v35 =	vsub.f32 v42, v43;
	v63 =	vld [tilespmem:s14+$0x1400];
	v57 =	vmin.f32 v19, v57  }
.Ltmp1:
0x1bb: {  	v37 =	vsub.f32 v37, v56;
	v36 =	vsub.f32 v36, v55;
	v51 =	vmin.f32 v20, v51;
	(pc) =	sbr.rel @p0 .LBB2_4-.Ltmp1, $4  }
0x1bc: {  	v34 =	vsub.f32 v49, v50;
	v33 =	vsub.f32 v47, v39;
	v43 =	vmax.f32 v17, v44  }
0x1bd: {  	v39 =	vsub.f32 v46, v48;
	v28 =	vsub.f32 v45, v58;
	v44 =	vmax.f32 v18, v52  }
0x1be: {  	v40 =	vsub.f32 v53, v41;
	v41 =	vsub.f32 v60, v38;
	v45 =	vmin.f32 v19, v61  }
0x1bf: {  	s13 =	sadd.s32 $0x80, s13;
	v42 =	vsub.f32 v57, v59;
	v38 =	vsub.f32 v51, v62;
	v46 =	vmin.f32 v20, v63  }
0x1c0: {  	v16 =	vsub.f32 v45, v43;
	v17 =	vsub.f32 v46, v44  }
0x1c1: {  	v18 =	vmax.f32 v35, $0.0e+00;
	v19 =	vmax.f32 v31, $0.0e+00;
	v20 =	vmax.f32 v29, $0.0e+00  }
0x1c2: {  	v46 =	vmax.f32 v36, $0.0e+00;
	v47 =	vmax.f32 v37, $0.0e+00;
	v32 =	vmax.f32 v32, $0.0e+00  }
0x1c3: {  	v48 =	vmax.f32 v39, $0.0e+00;
	v33 =	vmax.f32 v33, $0.0e+00;
	v34 =	vmax.f32 v34, $0.0e+00  }
0x1c4: {  	v49 =	vmax.f32 v40, $0.0e+00;
	v50 =	vmax.f32 v41, $0.0e+00;
	v19 =	vmul.f32 v20, v19  }
0x1c5: {  	v51 =	vmax.f32 v42, $0.0e+00;
	v18 =	vmul.f32 v32, v18;
	v29 =	vmul.f32 v47, v46  }
0x1c6: {  	v16 =	vmax.f32 v16, $0.0e+00;
	v17 =	vmax.f32 v17, $0.0e+00;
	v24 =	vsub.f32 v24, v19  }
0x1c7: {  	v52 =	vmax.f32 v38, $0.0e+00;
	v16 =	vmul.f32 v17, v16;
	v53 =	vsub.f32 v21, v18  }
0x1c8: {  	v21 =	vmul.f32 v34, v33;
	v22 =	vsub.f32 v22, v29;
	v24 =	vadd.f32 $9.999999710e-10, v24  }
0x1c9: {  	v20 =	vmul.f32 v52, v51;
	v30 =	vsub.f32 v30, v16;
	v17 =	vadd.f32 $9.999999710e-10, v53  }
0x1ca: {  	v23 =	vsub.f32 v23, v21;
	v22 =	vadd.f32 $9.999999710e-10, v22;
	(erf) = vrcp.f32 v24  }
0x1cb: {  	v27 =	vsub.f32 v27, v20;
	v54 =	vadd.f32 $9.999999710e-10, v30;
	(erf) = vrcp.f32 v17  }
0x1cc: {  	v55 =	vmul.f32 v50, v49;
	v23 =	vadd.f32 $9.999999710e-10, v23;
	(erf) = vrcp.f32 v22  }
0x1cd: {  	v56 =	vmax.f32 v28, $0.0e+00;
	v27 =	vadd.f32 $9.999999710e-10, v27;
	(erf) = vrcp.f32 v54  }
0x1ce: {  	v57 =	vsub.f32 v26, v55;
	v22 =	vmul.f32 v56, v48;
	(erf) = vrcp.f32 v23  }
0x1cf: {  	(erf) = vrcp.f32 v27  }
0x1d0: {  	v24 =	vadd.f32 $9.999999710e-10, v57;
	v58 =	vsub.f32 v25, v22;
	_ =	sdelay $0x1  }
0x1d1: {  	s12 =	sadd.s32 s12, s4;
	v23 =	vadd.f32 $9.999999710e-10, v58;
	(erf) = vrcp.f32 v24  }
0x1d2: {  	s14 =	sadd.s32 $0x50, s12;
	v59 =	vpop (erf)  }
0x1d3: {  	s13 =	sadd.s32 $0x70, s12;
	v61 =	vor.u32 s12, v5;
	s30 =	sadd.s32 $0x30, s12;
	s16 =	sadd.s32 $0x40, s12;
	v28 =	vor.u32 s14, v5;
	(erf) = vrcp.f32 v23;
	v60 =	vpop (erf)  }
0x1d4: {  	s15 =	sadd.s32 $0x60, s12;
	s31 =	sadd.s32 $0x10, s12;
	s12 =	sadd.s32 $0x20, s12;
	v63 =	vor.u32 s30, v5;
	v42 =	vor.u32 s16, v5;
	vm10 =	veq.s32 v61, v14;
	v62 =	vpop (erf)  }
0x1d5: {  	v40 =	vld [tilespmem:s11+$0x0];
	v44 =	vor.u32 s31, v5;
	v45 =	vor.u32 s12, v5;
	v26 =	vor.u32 s13, v5;
	v41 =	vpop (erf)  }
0x1d6: {  	vm9 =	veq.s32 v28, v14;
	vm12 =	veq.s32 v45, v14;
	v16 =	vmul.f32 v41, v16;
	v43 =	vpop (erf)  }
0x1d7: {  	v46 =	vld [tilespmem:s11+$0x10];
	vm13 =	veq.s32 v63, v14;
	vm7 =	veq.s32 v26, v14;
	v30 =	vor.u32 s15, v5;
	v47 =	vpop (erf)  }
0x1d8: {  	vm8 =	veq.s32 v30, v14;
	vm11 =	vgt.f32 v16, $5.000000000e-01;
	v48 =	vmul.f32 v47, v20  }
0x1d9: {  	v19 =	vmul.f32 v59, v19;
	v59 =	vmul.f32 v62, v29;
	vm10 =	vmor vm10, vm11  }
0x1da: {  	v50 =	vld [tilespmem:s11+$0x20];
	v49 =	vpop (erf);
	vm11 =	veq.s32 v44, v14;
	v32 =	vsel vm10, $0xBF800000, v40;
	vm10 =	vgt.f32 v48, $5.000000000e-01  }
0x1db: {  	v51 =	vmul.f32 v49, v55;
	v55 =	vmul.f32 v43, v21;
	vm10 =	vmor vm11, vm10  }
0x1dc: {  	v53 =	vld [tilespmem:s11+$0x30];
	vm11 =	veq.s32 v42, v14;
	v52 =	vpop (erf);
	v54 =	vsel vm10, $0xBF800000, v46;
	vm10 =	vgt.f32 v32, v15  }
0x1dd: {  	vm14 =	vgt.f32 v51, $5.000000000e-01;
	v17 =	vmul.f32 v52, v22;
	v15 =	vsel vm10, v32, v15  }
0x1de: {  	v56 =	vld [tilespmem:s11+$0x40];
	v14 =	vmul.f32 v60, v18;
	vm12 =	vmor vm12, vm14;
	vm14 =	vgt.f32 v54, v15  }
0x1df: {  	v57 =	vsel vm12, $0xBF800000, v50;
	vm15 =	vgt.f32 v17, $5.000000000e-01;
	v15 =	vsel vm14, v54, v15  }
0x1e0: {  	v58 =	vld [tilespmem:s11+$0x50];
	v13 =	vsel vm10, v61, v13;
	vm12 =	vmor vm13, vm15;
	vm13 =	vgt.f32 v57, v15  }
0x1e1: {  	vm15 =	vgt.f32 v55, $5.000000000e-01;
	v18 =	vsel vm12, $0xBF800000, v53;
	v15 =	vsel vm13, v57, v15  }
0x1e2: {  	v60 =	vld [tilespmem:s11+$0x60];
	v13 =	vsel vm14, v44, v13;
	vm11 =	vmor vm11, vm15;
	vm10 =	vgt.f32 v18, v15  }
0x1e3: {  	v21 =	vsel vm11, $0xBF800000, v56;
	vm11 =	vgt.f32 v59, $5.000000000e-01;
	v15 =	vsel vm10, v18, v15  }
0x1e4: {  	[tilespmem:s11+$0x0] =	vst v32;
	v61 =	vld [tilespmem:s11+$0x70];
	vm14 =	vgt.f32 v14, $5.000000000e-01;
	vm9 =	vmor vm9, vm11;
	vm12 =	vgt.f32 v21, v15  }
0x1e5: {  	s10 =	sadd.s32 $0x1, s10;
	[tilespmem:s11+$0x10] =	vst v54;
	vm8 =	vmor vm8, vm14;
	v14 =	vsel vm12, v21, v15;
	v15 =	vsel vm9, $0xBF800000, v58  }
0x1e6: {  	p0 =	sne.s32 s10, $0x64;
	[tilespmem:s11+$0x20] =	vst v57;
	vm15 =	vgt.f32 v19, $5.000000000e-01;
	v13 =	vsel vm13, v45, v13;
	vm9 =	vgt.f32 v15, v14  }
.Ltmp2:
0x1e7: {  	[tilespmem:s11+$0x30] =	vst v18;
	v62 =	vsel vm8, $0xBF800000, v60;
	v13 =	vsel vm10, v63, v13;
	v14 =	vsel vm9, v15, v14;
	(pc) =	sbr.rel @p0 .LBB2_3-.Ltmp2, $4  }
0x1e8: {  	vm7 =	vmor vm7, vm15;
	[tilespmem:s11+$0x40] =	vst v21;
	v13 =	vsel vm12, v42, v13;
	vm8 =	vgt.f32 v62, v14  }
0x1e9: {  	[tilespmem:s11+$0x50] =	vst v15;
	v13 =	vsel vm9, v28, v13;
	v15 =	vsel vm7, $0xBF800000, v61;
	v14 =	vsel vm8, v62, v14  }
0x1ea: {  	[tilespmem:s11+$0x60] =	vst v62;
	v63 =	vsel vm8, v30, v13;
	vm7 =	vgt.f32 v15, v14  }
0x1eb: {  	[tilespmem:s11+$0x70] =	vst v15;
	v13 =	vsel vm7, v15, v14;
	v14 =	vsel vm7, v26, v63  }
0x1ec: {  	p0 =	sne.s32 s1, $0x0  }
0x1ed: {  	_ =	sfence.sel @p0 $0x180000  }
0x1ee: {  	[bflag:$0x0] =	sbarrier.arrive @p0 $0xFFFF  }
0x1ef: {  	_ =	strace @p0 $0x90000047  }
0x1f0: {  	s1 =	simm.s32 @!p0 $0x0;
	s2 =	simm.s32 @!p0 $0x2980;
	[bflag:$0x2] =	sbarrier.arrive @p0 $0xFFFF  }
0x1f1: {  	[hbm4b:s3+s1] =	stream.linear.scatter @!p0 [tilespmem:s2], [sflag:$0x1], $0x680, $0x38;
	[tilespmem:$0x3020] =	vst v63  }
0x1f2: {  	s1 =	simm.s32 @!p0 $0x1  }
0x1f3: {  	_ =	swait.ge @!p0 [sflag:s1], $0x680  }
0x1f4: {  	[sflag:s1] =	ssyncset.done @!p0 $0x0  }
0x1f5: {  	[sflag:s1] =	ssyncadd.s32 @!p0 $0xFFFFF980  }
0x1f6: {  	_ =	sfence.sel @!p0 $0x180000  }
0x1f7: {  	[bflag:$0x0] =	sbarrier.arrive @!p0 $0xFFFF  }
0x1f8: {  	_ =	strace @!p0 $0x90000047  }
0x1f9: {  	s0 =	sadd.s32 @!p0 $0x100000, s0;
	[bflag:$0x2] =	sbarrier.arrive @!p0 $0xFFFF  }
0x1fa: {  	[sflag:s0] =	ssyncadd.tile.s32 @!p0 $0x1;
	_ =	shalt  }
.Lfunc_end2:
_tile_overlayer_lowered:
.L_overlay_start_2:
0x1fb: {  	(tag) =	ssettag $0x2  }
0x1fc: {  	s0 =	rddreg [dreg:$0x0];
	s2 =	stileid.u32  }
0x1fd: {  	s1 =	rddreg [dreg:$0x1];
	p0 =	sne.s32 s2, $0x0  }
0x1fe: {  	s3 =	rddreg [dreg:$0x2];
	[bflag:$0x3] =	sbarrier.arrive $0xFFFF;
	s2 =	simm.s32 @!p0 $0x1C01  }
0x1ff: {  	[timem:s3], [sflag:s2] =	dma.local @!p0 [hbm:s0], s1  }
0x200: {  	s0 =	simm.s32 @!p0 $0x1  }
0x201: {  	_ =	swait.ge @!p0 [sflag:s0], s1  }
0x202: {  	s1 =	ssub.s32 @!p0 $0x0, s1;
	[sflag:s0] =	ssyncset.done @!p0 $0x0  }
0x203: {  	[sflag:s0] =	ssyncadd.s32 @!p0 s1  }
0x204: {  	[bflag:$0x3] =	sbarrier.arrive $0xFFFF  }
0x205: {  	_ =	shalt  }

</sc_bundles>
